<compile_context>
chip_gen: v7x
topology: tpu7x:2x2x1
jax: 0.10.2.dev20260603
libtpu: 0.0.44.dev20260713+nightly
codegen_flags: <defaults>
</compile_context>

<pallas_src>
import functools

import jax
import jax.numpy as jnp
from jax import lax
from jax.experimental import pallas as pl
from jax.experimental.pallas import tpu as pltpu
from jax.experimental.pallas import tpu_sc as plsc

B, S, D, E, F = 1, 2048, 1024, 8, 2048
C = 512
SECOND_THRESHOLD = 0.2
LOSS_COEF = 0.01
NSLOT = E * C
SENT = NSLOT
NROWS = NSLOT + 8

_NC, _NS = 2, 16
_NW = _NC * _NS
_TPW = S // _NW



def _routing_body(x_ref, wg_ref, slot1_ref, slot2_ref, g1_ref, g2_ref,
                  loss_ref):
    x = x_ref[...]
    wgt = wg_ref[...]
    logits = lax.dot_general(wgt, x, (((1,), (1,)), ((), ())),
                             preferred_element_type=jnp.float32)
    m = jnp.max(logits, axis=0, keepdims=True)
    ex = jnp.exp(logits - m)
    raw = ex / jnp.sum(ex, axis=0, keepdims=True)

    e_iota = lax.broadcasted_iota(jnp.int32, (E, S), 0)
    gate1 = jnp.max(raw, axis=0, keepdims=True)
    idx1 = jnp.min(jnp.where(raw == gate1, e_iota, E), axis=0,
                   keepdims=True)
    mask1 = (e_iota == idx1).astype(jnp.float32)
    raw_wo1 = raw * (1.0 - mask1)
    gate2 = jnp.max(raw_wo1, axis=0, keepdims=True)
    idx2 = jnp.min(jnp.where(raw_wo1 == gate2, e_iota, E), axis=0,
                   keepdims=True)
    mask2 = (e_iota == idx2).astype(jnp.float32)

    denom = gate1 + gate2 + 1e-9
    g1 = gate1 / denom
    g2 = gate2 / denom
    mask2 = mask2 * (g2 > SECOND_THRESHOLD).astype(jnp.float32)

    dp = jnp.mean(raw, axis=1, keepdims=True)
    d1 = jnp.mean(mask1, axis=1, keepdims=True)
    loss_ref[...] = jnp.sum(dp * d1 * (float(E * E) / E) * LOSS_COEF,
                            axis=0, keepdims=True)

    def excl_cumsum(mk):
        inc = mk
        k = 1
        while k < S:
            inc = inc + jnp.concatenate(
                [jnp.zeros((E, k), jnp.float32), inc[:, :-k]], axis=1)
            k *= 2
        return inc - mk

    pos1 = excl_cumsum(mask1)
    mask1c = mask1 * (pos1 < C).astype(jnp.float32)
    m1cnt = jnp.sum(mask1c, axis=1, keepdims=True)
    pos2 = excl_cumsum(mask2) + m1cnt
    mask2c = mask2 * (pos2 < C).astype(jnp.float32)

    in1 = jnp.sum(mask1c, axis=0, keepdims=True)
    in2 = jnp.sum(mask2c, axis=0, keepdims=True)
    p1 = jnp.sum(pos1 * mask1c, axis=0, keepdims=True).astype(jnp.int32)
    p2 = jnp.sum(pos2 * mask2c, axis=0, keepdims=True).astype(jnp.int32)
    slot1_ref[...] = jnp.where(in1 > 0.0, idx1 * C + p1, SENT).reshape(S)
    slot2_ref[...] = jnp.where(in2 > 0.0, idx2 * C + p2, SENT).reshape(S)
    g1_ref[...] = jnp.broadcast_to((g1 * in1).reshape(S, 1), (S, 16))
    g2_ref[...] = jnp.broadcast_to((g2 * in2).reshape(S, 1), (S, 16))


def _routing(x, wgt):
    return pl.pallas_call(
        _routing_body,
        out_shape=(
            jax.ShapeDtypeStruct((S,), jnp.int32),
            jax.ShapeDtypeStruct((S,), jnp.int32),
            jax.ShapeDtypeStruct((S, 16), jnp.float32),
            jax.ShapeDtypeStruct((S, 16), jnp.float32),
            jax.ShapeDtypeStruct((1, 1), jnp.float32),
        ),
    )(x, wgt)



@functools.cache
def _sc_kernels():
    mesh = plsc.VectorSubcoreMesh(core_axis_name="c", subcore_axis_name="s")
    scratch = [
        pltpu.VMEM((_TPW,), jnp.int32),
        pltpu.VMEM((_TPW, D), jnp.float32),
        pltpu.SemaphoreType.DMA,
    ]

    @functools.partial(
        pl.kernel,
        mesh=mesh,
        out_type=jax.ShapeDtypeStruct((NROWS, D), jnp.float32),
        scratch_types=scratch,
    )
    def dispatch(x_hbm, slot1_hbm, slot2_hbm, expin_hbm, idx_v, rows_v, sem):
        wid = lax.axis_index("s") * _NC + lax.axis_index("c")
        base = wid * _TPW
        pltpu.sync_copy(x_hbm.at[pl.ds(base, _TPW)], rows_v)
        pltpu.sync_copy(slot1_hbm.at[pl.ds(base, _TPW)], idx_v)
        pltpu.async_copy(rows_v, expin_hbm.at[idx_v], sem).wait()
        pltpu.sync_copy(slot2_hbm.at[pl.ds(base, _TPW)], idx_v)
        pltpu.async_copy(rows_v, expin_hbm.at[idx_v], sem).wait()

    QT = 16
    NQ = _TPW // QT

    @functools.partial(
        pl.kernel,
        mesh=mesh,
        out_type=jax.ShapeDtypeStruct((S, D), jnp.float32),
        scratch_types=[
            pltpu.VMEM((_TPW,), jnp.int32),
            pltpu.VMEM((_TPW,), jnp.int32),
            pltpu.VMEM((_TPW, 16), jnp.float32),
            pltpu.VMEM((_TPW, 16), jnp.float32),
            pltpu.VMEM((2, QT, D), jnp.float32),
            pltpu.VMEM((2, QT, D), jnp.float32),
            pltpu.VMEM((2, QT, D), jnp.float32),
            pltpu.SemaphoreType.DMA,
            pltpu.SemaphoreType.DMA,
            pltpu.SemaphoreType.DMA,
            pltpu.SemaphoreType.DMA,
            pltpu.SemaphoreType.DMA,
            pltpu.SemaphoreType.DMA,
        ],
    )
    def combine(expout_hbm, slot1_hbm, slot2_hbm, g1_hbm, g2_hbm, out_hbm,
                idx1_v, idx2_v, g1_v, g2_v, rows1_v, rows2_v, outq_v,
                s1a, s1b, s2a, s2b, soa, sob):
        wid = lax.axis_index("s") * _NC + lax.axis_index("c")
        base = wid * _TPW
        pltpu.sync_copy(slot1_hbm.at[pl.ds(base, _TPW)], idx1_v)
        pltpu.sync_copy(slot2_hbm.at[pl.ds(base, _TPW)], idx2_v)
        pltpu.sync_copy(g1_hbm.at[pl.ds(base, _TPW)], g1_v)
        pltpu.sync_copy(g2_hbm.at[pl.ds(base, _TPW)], g2_v)
        sem1 = (s1a, s1b)
        sem2 = (s2a, s2b)
        semo = (soa, sob)

        def issue(q):
            b = q % 2
            a1 = pltpu.async_copy(
                expout_hbm.at[idx1_v.at[pl.ds(q * QT, QT)]],
                rows1_v.at[b], sem1[b])
            a2 = pltpu.async_copy(
                expout_hbm.at[idx2_v.at[pl.ds(q * QT, QT)]],
                rows2_v.at[b], sem2[b])
            return a1, a2

        pend = issue(0)
        owrites = [None, None]
        for q in range(NQ):
            nxt = issue(q + 1) if q + 1 < NQ else None
            pend[0].wait()
            pend[1].wait()
            b = q % 2
            if owrites[b] is not None:
                owrites[b].wait()
                owrites[b] = None

            def body(tl, _):
                t = q * QT + tl
                g1s = g1_v[t, :]
                g2s = g2_v[t, :]
                zero = jnp.zeros((16,), jnp.float32)

                def inner(j, _2):
                    for u in range(4):
                        off = (j * 4 + u) * 16
                        r1 = rows1_v[b, tl, pl.ds(off, 16)]
                        r2 = rows2_v[b, tl, pl.ds(off, 16)]
                        v = (jnp.where(g1s > 0.0, r1 * g1s, zero)
                             + jnp.where(g2s > 0.0, r2 * g2s, zero))
                        outq_v[b, tl, pl.ds(off, 16)] = v
                    return _2

                return lax.fori_loop(0, D // 64, inner, _)

            lax.fori_loop(0, QT, body, 0)
            owrites[b] = pltpu.async_copy(
                outq_v.at[b], out_hbm.at[pl.ds(base + q * QT, QT)], semo[b])
            pend = nxt
        for w in owrites:
            if w is not None:
                w.wait()

    return dispatch, combine



def _ffn_body(xin_ref, w1_ref, b1_ref, w2_ref, b2_ref, out_ref):
    e = pl.program_id(0)
    xin = xin_ref[...]
    h = jnp.dot(xin, w1_ref[0], preferred_element_type=jnp.float32)
    h = jnp.maximum(h + b1_ref[pl.ds(e, 1), :], 0.0)
    out = jnp.dot(h, w2_ref[0], preferred_element_type=jnp.float32)
    out_ref[...] = out + b2_ref[pl.ds(e, 1), :]


def _ffn(exp_in, w1, b1, w2, b2):
    return pl.pallas_call(
        _ffn_body,
        grid=(E,),
        in_specs=[
            pl.BlockSpec((C, D), lambda e: (e, 0)),
            pl.BlockSpec((1, D, F), lambda e: (e, 0, 0)),
            pl.BlockSpec((E, F), lambda e: (0, 0)),
            pl.BlockSpec((1, F, D), lambda e: (e, 0, 0)),
            pl.BlockSpec((E, D), lambda e: (0, 0)),
        ],
        out_specs=pl.BlockSpec((C, D), lambda e: (e, 0)),
        out_shape=jax.ShapeDtypeStruct((NROWS, D), jnp.float32),
        compiler_params=pltpu.CompilerParams(
            vmem_limit_bytes=100 * 1024 * 1024),
    )(exp_in, w1, b1, w2, b2)



def kernel(hidden_states, Wg, W1, b1, W2, b2):
    x = hidden_states.reshape(S, D)
    s1, s2, g1, g2, loss = _routing(x, Wg.T)
    dispatch, combine = _sc_kernels()
    exp_in = dispatch(x, s1, s2)
    exp_out = _ffn(exp_in, W1, b1, W2, b2)
    out = combine(exp_out, s1, s2, g1, g2)
    return out.reshape(B, S, D), loss[0, 0]

# --- scband reference (transcript-rebuilt; emitter-appended) ---
"""Pipeline reference for scband-deep-speed-mo-e-87600152969311 (READ-ONLY COPY).

The authoritative reference and input builder live on the scoring server;
editing this copy changes nothing except your own understanding.
"""

import jax, jax.numpy as jnp
import numpy as np

B, S, D, E, F = 1, 2048, 1024, 8, 2048
CAP_FACTOR = 2.0  # capacity_factor_eval
SECOND_THRESHOLD = 0.2
LOSS_COEF = 0.01


def setup_inputs(seed: int = 0):
    key = jax.random.key(seed)
    ks = jax.random.split(key, 6)
    return {
        "hidden_states": jax.random.normal(ks[0], (B, S, D), dtype=jnp.float32),
        "Wg": jax.random.normal(ks[1], (D, E), dtype=jnp.float32) * 0.02,
        "W1": jax.random.normal(ks[2], (E, D, F), dtype=jnp.float32) * 0.02,
        "b1": jnp.zeros((E, F), dtype=jnp.float32),
        "W2": jax.random.normal(ks[3], (E, F, D), dtype=jnp.float32) * 0.02,
        "b2": jnp.zeros((E, D), dtype=jnp.float32),
    }


def _moe(x, Wg, W1, b1, W2, b2):
    # Top-2 gating (GShard-style, as in ShardedMoE / lucidrains Top2Gating)
    C = int(S * CAP_FACTOR / E)  # expert capacity = 512
    raw_gates = jax.nn.softmax(jnp.einsum("bsd,de->bse", x, Wg), axis=-1)
    gate1 = jnp.max(raw_gates, axis=-1)
    idx1 = jnp.argmax(raw_gates, axis=-1)
    mask1 = jax.nn.one_hot(idx1, E, dtype=x.dtype)
    gates_wo1 = raw_gates * (1.0 - mask1)
    gate2 = jnp.max(gates_wo1, axis=-1)
    idx2 = jnp.argmax(gates_wo1, axis=-1)
    mask2 = jax.nn.one_hot(idx2, E, dtype=x.dtype)
    denom = gate1 + gate2 + 1e-9
    gate1 = gate1 / denom
    gate2 = gate2 / denom
    # second policy 'random' (deterministic surrogate): keep 2nd expert iff gate2 > threshold
    mask2 = mask2 * (gate2 > SECOND_THRESHOLD).astype(x.dtype)[..., None]
    # load-balancing aux loss
    density1 = jnp.mean(mask1, axis=1)
    density_proxy = jnp.mean(raw_gates, axis=1)
    loss = jnp.mean(density_proxy * density1) * float(E * E) * LOSS_COEF
    # positions within expert capacity
    pos1 = jnp.cumsum(mask1, axis=1) - mask1
    mask1 = mask1 * (pos1 < C).astype(x.dtype)
    m1_count = jnp.sum(mask1, axis=1, keepdims=True)
    pos2 = jnp.cumsum(mask2, axis=1) - mask2 + m1_count
    mask2 = mask2 * (pos2 < C).astype(x.dtype)
    gate1 = gate1 * jnp.sum(mask1, axis=-1)
    gate2 = gate2 * jnp.sum(mask2, axis=-1)
    p1 = jnp.sum(pos1 * mask1, axis=-1).astype(jnp.int32)
    p2 = jnp.sum(pos2 * mask2, axis=-1).astype(jnp.int32)
    combine = (
        gate1[:, :, None, None] * mask1[:, :, :, None] * jax.nn.one_hot(p1, C, dtype=x.dtype)[:, :, None, :]
        + gate2[:, :, None, None] * mask2[:, :, :, None] * jax.nn.one_hot(p2, C, dtype=x.dtype)[:, :, None, :]
    )
    dispatch = (combine > 0).astype(x.dtype)
    # dispatch tokens to experts: [E, B, C, D]
    exp_in = jnp.einsum("bsec,bsd->ebcd", dispatch, x)
    h = jax.nn.relu(jnp.einsum("ebcd,edf->ebcf", exp_in, W1) + b1[:, None, None, :])
    exp_out = jnp.einsum("ebcf,efd->ebcd", h, W2) + b2[:, None, None, :]
    out = jnp.einsum("bsec,ebcd->bsd", combine, exp_out)
    # output dropout is identity in eval mode
    return out, loss


def reference(hidden_states, Wg, W1, b1, W2, b2):
    return _moe(hidden_states, Wg, W1, b1, W2, b2)

if __name__ == "__main__":
    import jax
    _d = setup_inputs()
    print(jax.jit(kernel)(*tuple(_d.values())))

</pallas_src>

<mosaic_0001>
#map = affine_map<(d0, d1) -> (0, 0)>
#map1 = affine_map<(d0, d1) -> (0)>
module attributes {stable_mosaic.version = 14 : i64} {
  func.func @dispatch(%arg0: i32, %arg1: i32, %arg2: memref<2048x1024xf32, #tpu.memory_space<hbm>>, %arg3: memref<2048xi32, #tpu.memory_space<hbm>>, %arg4: memref<2048xi32, #tpu.memory_space<hbm>>, %arg5: memref<4104x1024xf32, #tpu.memory_space<hbm>>, %arg6: memref<64xi32, #tpu.memory_space<vmem>>, %arg7: memref<64x1024xf32, #tpu.memory_space<vmem>>, %arg8: memref<!tpu.dma_semaphore, #tpu.memory_space<semaphore_mem>>) attributes {dimension_semantics = [#tpu.dimension_semantics<core_parallel>, #tpu.dimension_semantics<subcore_parallel>], iteration_bounds = array<i64: 2, 16>, scalar_prefetch = 0 : i64, scratch_operands = 3 : i64, tpu.core_type = #tpu.core_type<sc_vector_subcore>, window_params = [{transform_indices = #map}, {transform_indices = #map1}, {transform_indices = #map1}, {transform_indices = #map}]} {
    %mul3A = arith.constant 2 : i32
    %mul3A_0 = arith.muli %arg1, %mul3A : i32
    %add3A = arith.addi %mul3A_0, %arg0 : i32
    %mul3A_1 = arith.constant 64 : i32
    %mul3A_2 = arith.muli %add3A, %mul3A_1 : i32
    "tpu.region"() ({
      %run_scoped3A = tpu.sem_alloc : memref<!tpu.dma_semaphore, #tpu.memory_space<semaphore_mem>>
      %dma_start3A_13 = arith.constant 0 : i32
      %dma_start3A_14 = tpu.memref_slice %arg2[%mul3A_2, %dma_start3A_13] : memref<2048x1024xf32, #tpu.memory_space<hbm>> -> memref<64x1024xf32, #tpu.memory_space<hbm>>
      %dma_start3A_15 = arith.constant 0 : i32
      %dma_start3A_16 = tpu.memref_slice %arg2[%mul3A_2, %dma_start3A_15] : memref<2048x1024xf32, #tpu.memory_space<hbm>> -> memref<64x1024xf32, #tpu.memory_space<hbm>>
      tpu.enqueue_dma source(%dma_start3A_16 : memref<64x1024xf32, #tpu.memory_space<hbm>>) target(%arg7 : memref<64x1024xf32, #tpu.memory_space<vmem>>) target_semaphore(%run_scoped3A : memref<!tpu.dma_semaphore, #tpu.memory_space<semaphore_mem>>)
      %dma_wait3A_17 = arith.constant 0 : i32
      %dma_wait3A_18 = tpu.memref_slice %arg2[%mul3A_2, %dma_wait3A_17] : memref<2048x1024xf32, #tpu.memory_space<hbm>> -> memref<64x1024xf32, #tpu.memory_space<hbm>>
      %dma_wait3A_19 = arith.constant 0 : i32
      %dma_wait3A_20 = tpu.memref_slice %arg2[%mul3A_2, %dma_wait3A_19] : memref<2048x1024xf32, #tpu.memory_space<hbm>> -> memref<64x1024xf32, #tpu.memory_space<hbm>>
      tpu.wait_dma2 semaphore(%run_scoped3A : memref<!tpu.dma_semaphore, #tpu.memory_space<semaphore_mem>>) src(%dma_wait3A_20 : memref<64x1024xf32, #tpu.memory_space<hbm>>) dst(%arg7 : memref<64x1024xf32, #tpu.memory_space<vmem>>)
      tpu.yield
    }) : () -> ()
    "tpu.region"() ({
      %run_scoped3A = tpu.sem_alloc : memref<!tpu.dma_semaphore, #tpu.memory_space<semaphore_mem>>
      %dma_start3A_13 = tpu.memref_slice %arg3[%mul3A_2] : memref<2048xi32, #tpu.memory_space<hbm>> -> memref<64xi32, #tpu.memory_space<hbm>>
      %dma_start3A_14 = tpu.memref_slice %arg3[%mul3A_2] : memref<2048xi32, #tpu.memory_space<hbm>> -> memref<64xi32, #tpu.memory_space<hbm>>
      tpu.enqueue_dma source(%dma_start3A_14 : memref<64xi32, #tpu.memory_space<hbm>>) target(%arg6 : memref<64xi32, #tpu.memory_space<vmem>>) target_semaphore(%run_scoped3A : memref<!tpu.dma_semaphore, #tpu.memory_space<semaphore_mem>>)
      %dma_wait3A_15 = tpu.memref_slice %arg3[%mul3A_2] : memref<2048xi32, #tpu.memory_space<hbm>> -> memref<64xi32, #tpu.memory_space<hbm>>
      %dma_wait3A_16 = tpu.memref_slice %arg3[%mul3A_2] : memref<2048xi32, #tpu.memory_space<hbm>> -> memref<64xi32, #tpu.memory_space<hbm>>
      tpu.wait_dma2 semaphore(%run_scoped3A : memref<!tpu.dma_semaphore, #tpu.memory_space<semaphore_mem>>) src(%dma_wait3A_16 : memref<64xi32, #tpu.memory_space<hbm>>) dst(%arg6 : memref<64xi32, #tpu.memory_space<vmem>>)
      tpu.yield
    }) : () -> ()
    %dma_start3A = arith.constant 0 : i32
    %dma_start3A_3 = arith.constant 0 : i32
    %dma_start3A_4 = tpu.memref_slice %arg5[%dma_start3A, %dma_start3A_3] : memref<4104x1024xf32, #tpu.memory_space<hbm>> -> memref<4104x1024xf32, #tpu.memory_space<hbm>>
    tpu.enqueue_indirect_dma source(%arg7 : memref<64x1024xf32, #tpu.memory_space<vmem>>) target(%dma_start3A_4 : memref<4104x1024xf32, #tpu.memory_space<hbm>>) offsets(%arg6 : memref<64xi32, #tpu.memory_space<vmem>>) semaphore(%arg8 : memref<!tpu.dma_semaphore, #tpu.memory_space<semaphore_mem>>)
    %dma_wait3A = arith.constant 0 : i32
    %dma_wait3A_5 = arith.constant 0 : i32
    %dma_wait3A_6 = tpu.memref_slice %arg5[%dma_wait3A, %dma_wait3A_5] : memref<4104x1024xf32, #tpu.memory_space<hbm>> -> memref<4104x1024xf32, #tpu.memory_space<hbm>>
    tpu.wait_indirect_dma semaphore(%arg8 : memref<!tpu.dma_semaphore, #tpu.memory_space<semaphore_mem>>) src(%arg7 : memref<64x1024xf32, #tpu.memory_space<vmem>>) dst(%dma_wait3A_6 : memref<4104x1024xf32, #tpu.memory_space<hbm>>)
    "tpu.region"() ({
      %run_scoped3A = tpu.sem_alloc : memref<!tpu.dma_semaphore, #tpu.memory_space<semaphore_mem>>
      %dma_start3A_13 = tpu.memref_slice %arg4[%mul3A_2] : memref<2048xi32, #tpu.memory_space<hbm>> -> memref<64xi32, #tpu.memory_space<hbm>>
      %dma_start3A_14 = tpu.memref_slice %arg4[%mul3A_2] : memref<2048xi32, #tpu.memory_space<hbm>> -> memref<64xi32, #tpu.memory_space<hbm>>
      tpu.enqueue_dma source(%dma_start3A_14 : memref<64xi32, #tpu.memory_space<hbm>>) target(%arg6 : memref<64xi32, #tpu.memory_space<vmem>>) target_semaphore(%run_scoped3A : memref<!tpu.dma_semaphore, #tpu.memory_space<semaphore_mem>>)
      %dma_wait3A_15 = tpu.memref_slice %arg4[%mul3A_2] : memref<2048xi32, #tpu.memory_space<hbm>> -> memref<64xi32, #tpu.memory_space<hbm>>
      %dma_wait3A_16 = tpu.memref_slice %arg4[%mul3A_2] : memref<2048xi32, #tpu.memory_space<hbm>> -> memref<64xi32, #tpu.memory_space<hbm>>
      tpu.wait_dma2 semaphore(%run_scoped3A : memref<!tpu.dma_semaphore, #tpu.memory_space<semaphore_mem>>) src(%dma_wait3A_16 : memref<64xi32, #tpu.memory_space<hbm>>) dst(%arg6 : memref<64xi32, #tpu.memory_space<vmem>>)
      tpu.yield
    }) : () -> ()
    %dma_start3A_7 = arith.constant 0 : i32
    %dma_start3A_8 = arith.constant 0 : i32
    %dma_start3A_9 = tpu.memref_slice %arg5[%dma_start3A_7, %dma_start3A_8] : memref<4104x1024xf32, #tpu.memory_space<hbm>> -> memref<4104x1024xf32, #tpu.memory_space<hbm>>
    tpu.enqueue_indirect_dma source(%arg7 : memref<64x1024xf32, #tpu.memory_space<vmem>>) target(%dma_start3A_9 : memref<4104x1024xf32, #tpu.memory_space<hbm>>) offsets(%arg6 : memref<64xi32, #tpu.memory_space<vmem>>) semaphore(%arg8 : memref<!tpu.dma_semaphore, #tpu.memory_space<semaphore_mem>>)
    %dma_wait3A_10 = arith.constant 0 : i32
    %dma_wait3A_11 = arith.constant 0 : i32
    %dma_wait3A_12 = tpu.memref_slice %arg5[%dma_wait3A_10, %dma_wait3A_11] : memref<4104x1024xf32, #tpu.memory_space<hbm>> -> memref<4104x1024xf32, #tpu.memory_space<hbm>>
    tpu.wait_indirect_dma semaphore(%arg8 : memref<!tpu.dma_semaphore, #tpu.memory_space<semaphore_mem>>) src(%arg7 : memref<64x1024xf32, #tpu.memory_space<vmem>>) dst(%dma_wait3A_12 : memref<4104x1024xf32, #tpu.memory_space<hbm>>)
    return
  }
}

#map = affine_map<(d0, d1) -> (0, 0)>
#map1 = affine_map<(d0, d1) -> (0)>
module attributes {stable_mosaic.version = 14 : i64} {
  func.func @combine(%arg0: i32, %arg1: i32, %arg2: memref<4104x1024xf32, #tpu.memory_space<hbm>>, %arg3: memref<2048xi32, #tpu.memory_space<hbm>>, %arg4: memref<2048xi32, #tpu.memory_space<hbm>>, %arg5: memref<2048x16xf32, #tpu.memory_space<hbm>>, %arg6: memref<2048x16xf32, #tpu.memory_space<hbm>>, %arg7: memref<2048x1024xf32, #tpu.memory_space<hbm>>, %arg8: memref<64xi32, #tpu.memory_space<vmem>>, %arg9: memref<64xi32, #tpu.memory_space<vmem>>, %arg10: memref<64x16xf32, #tpu.memory_space<vmem>>, %arg11: memref<64x16xf32, #tpu.memory_space<vmem>>, %arg12: memref<2x16x1024xf32, #tpu.memory_space<vmem>>, %arg13: memref<2x16x1024xf32, #tpu.memory_space<vmem>>, %arg14: memref<2x16x1024xf32, #tpu.memory_space<vmem>>, %arg15: memref<!tpu.dma_semaphore, #tpu.memory_space<semaphore_mem>>, %arg16: memref<!tpu.dma_semaphore, #tpu.memory_space<semaphore_mem>>, %arg17: memref<!tpu.dma_semaphore, #tpu.memory_space<semaphore_mem>>, %arg18: memref<!tpu.dma_semaphore, #tpu.memory_space<semaphore_mem>>, %arg19: memref<!tpu.dma_semaphore, #tpu.memory_space<semaphore_mem>>, %arg20: memref<!tpu.dma_semaphore, #tpu.memory_space<semaphore_mem>>) attributes {dimension_semantics = [#tpu.dimension_semantics<core_parallel>, #tpu.dimension_semantics<subcore_parallel>], iteration_bounds = array<i64: 2, 16>, scalar_prefetch = 0 : i64, scratch_operands = 13 : i64, tpu.core_type = #tpu.core_type<sc_vector_subcore>, window_params = [{transform_indices = #map}, {transform_indices = #map1}, {transform_indices = #map1}, {transform_indices = #map}, {transform_indices = #map}, {transform_indices = #map}]} {
    %mul3A = arith.constant 2 : i32
    %mul3A_0 = arith.muli %arg1, %mul3A : i32
    %add3A = arith.addi %mul3A_0, %arg0 : i32
    %mul3A_1 = arith.constant 64 : i32
    %mul3A_2 = arith.muli %add3A, %mul3A_1 : i32
    "tpu.region"() ({
      %run_scoped3A = tpu.sem_alloc : memref<!tpu.dma_semaphore, #tpu.memory_space<semaphore_mem>>
      %dma_start3A_296 = tpu.memref_slice %arg3[%mul3A_2] : memref<2048xi32, #tpu.memory_space<hbm>> -> memref<64xi32, #tpu.memory_space<hbm>>
      %dma_start3A_297 = tpu.memref_slice %arg3[%mul3A_2] : memref<2048xi32, #tpu.memory_space<hbm>> -> memref<64xi32, #tpu.memory_space<hbm>>
      tpu.enqueue_dma source(%dma_start3A_297 : memref<64xi32, #tpu.memory_space<hbm>>) target(%arg8 : memref<64xi32, #tpu.memory_space<vmem>>) target_semaphore(%run_scoped3A : memref<!tpu.dma_semaphore, #tpu.memory_space<semaphore_mem>>)
      %dma_wait3A_298 = tpu.memref_slice %arg3[%mul3A_2] : memref<2048xi32, #tpu.memory_space<hbm>> -> memref<64xi32, #tpu.memory_space<hbm>>
      %dma_wait3A_299 = tpu.memref_slice %arg3[%mul3A_2] : memref<2048xi32, #tpu.memory_space<hbm>> -> memref<64xi32, #tpu.memory_space<hbm>>
      tpu.wait_dma2 semaphore(%run_scoped3A : memref<!tpu.dma_semaphore, #tpu.memory_space<semaphore_mem>>) src(%dma_wait3A_299 : memref<64xi32, #tpu.memory_space<hbm>>) dst(%arg8 : memref<64xi32, #tpu.memory_space<vmem>>)
      tpu.yield
    }) : () -> ()
    "tpu.region"() ({
      %run_scoped3A = tpu.sem_alloc : memref<!tpu.dma_semaphore, #tpu.memory_space<semaphore_mem>>
      %dma_start3A_296 = tpu.memref_slice %arg4[%mul3A_2] : memref<2048xi32, #tpu.memory_space<hbm>> -> memref<64xi32, #tpu.memory_space<hbm>>
      %dma_start3A_297 = tpu.memref_slice %arg4[%mul3A_2] : memref<2048xi32, #tpu.memory_space<hbm>> -> memref<64xi32, #tpu.memory_space<hbm>>
      tpu.enqueue_dma source(%dma_start3A_297 : memref<64xi32, #tpu.memory_space<hbm>>) target(%arg9 : memref<64xi32, #tpu.memory_space<vmem>>) target_semaphore(%run_scoped3A : memref<!tpu.dma_semaphore, #tpu.memory_space<semaphore_mem>>)
      %dma_wait3A_298 = tpu.memref_slice %arg4[%mul3A_2] : memref<2048xi32, #tpu.memory_space<hbm>> -> memref<64xi32, #tpu.memory_space<hbm>>
      %dma_wait3A_299 = tpu.memref_slice %arg4[%mul3A_2] : memref<2048xi32, #tpu.memory_space<hbm>> -> memref<64xi32, #tpu.memory_space<hbm>>
      tpu.wait_dma2 semaphore(%run_scoped3A : memref<!tpu.dma_semaphore, #tpu.memory_space<semaphore_mem>>) src(%dma_wait3A_299 : memref<64xi32, #tpu.memory_space<hbm>>) dst(%arg9 : memref<64xi32, #tpu.memory_space<vmem>>)
      tpu.yield
    }) : () -> ()
    "tpu.region"() ({
      %run_scoped3A = tpu.sem_alloc : memref<!tpu.dma_semaphore, #tpu.memory_space<semaphore_mem>>
      %dma_start3A_296 = arith.constant 0 : i32
      %dma_start3A_297 = tpu.memref_slice %arg5[%mul3A_2, %dma_start3A_296] : memref<2048x16xf32, #tpu.memory_space<hbm>> -> memref<64x16xf32, #tpu.memory_space<hbm>>
      %dma_start3A_298 = arith.constant 0 : i32
      %dma_start3A_299 = tpu.memref_slice %arg5[%mul3A_2, %dma_start3A_298] : memref<2048x16xf32, #tpu.memory_space<hbm>> -> memref<64x16xf32, #tpu.memory_space<hbm>>
      tpu.enqueue_dma source(%dma_start3A_299 : memref<64x16xf32, #tpu.memory_space<hbm>>) target(%arg10 : memref<64x16xf32, #tpu.memory_space<vmem>>) target_semaphore(%run_scoped3A : memref<!tpu.dma_semaphore, #tpu.memory_space<semaphore_mem>>)
      %dma_wait3A_300 = arith.constant 0 : i32
      %dma_wait3A_301 = tpu.memref_slice %arg5[%mul3A_2, %dma_wait3A_300] : memref<2048x16xf32, #tpu.memory_space<hbm>> -> memref<64x16xf32, #tpu.memory_space<hbm>>
      %dma_wait3A_302 = arith.constant 0 : i32
      %dma_wait3A_303 = tpu.memref_slice %arg5[%mul3A_2, %dma_wait3A_302] : memref<2048x16xf32, #tpu.memory_space<hbm>> -> memref<64x16xf32, #tpu.memory_space<hbm>>
      tpu.wait_dma2 semaphore(%run_scoped3A : memref<!tpu.dma_semaphore, #tpu.memory_space<semaphore_mem>>) src(%dma_wait3A_303 : memref<64x16xf32, #tpu.memory_space<hbm>>) dst(%arg10 : memref<64x16xf32, #tpu.memory_space<vmem>>)
      tpu.yield
    }) : () -> ()
    "tpu.region"() ({
      %run_scoped3A = tpu.sem_alloc : memref<!tpu.dma_semaphore, #tpu.memory_space<semaphore_mem>>
      %dma_start3A_296 = arith.constant 0 : i32
      %dma_start3A_297 = tpu.memref_slice %arg6[%mul3A_2, %dma_start3A_296] : memref<2048x16xf32, #tpu.memory_space<hbm>> -> memref<64x16xf32, #tpu.memory_space<hbm>>
      %dma_start3A_298 = arith.constant 0 : i32
      %dma_start3A_299 = tpu.memref_slice %arg6[%mul3A_2, %dma_start3A_298] : memref<2048x16xf32, #tpu.memory_space<hbm>> -> memref<64x16xf32, #tpu.memory_space<hbm>>
      tpu.enqueue_dma source(%dma_start3A_299 : memref<64x16xf32, #tpu.memory_space<hbm>>) target(%arg11 : memref<64x16xf32, #tpu.memory_space<vmem>>) target_semaphore(%run_scoped3A : memref<!tpu.dma_semaphore, #tpu.memory_space<semaphore_mem>>)
      %dma_wait3A_300 = arith.constant 0 : i32
      %dma_wait3A_301 = tpu.memref_slice %arg6[%mul3A_2, %dma_wait3A_300] : memref<2048x16xf32, #tpu.memory_space<hbm>> -> memref<64x16xf32, #tpu.memory_space<hbm>>
      %dma_wait3A_302 = arith.constant 0 : i32
      %dma_wait3A_303 = tpu.memref_slice %arg6[%mul3A_2, %dma_wait3A_302] : memref<2048x16xf32, #tpu.memory_space<hbm>> -> memref<64x16xf32, #tpu.memory_space<hbm>>
      tpu.wait_dma2 semaphore(%run_scoped3A : memref<!tpu.dma_semaphore, #tpu.memory_space<semaphore_mem>>) src(%dma_wait3A_303 : memref<64x16xf32, #tpu.memory_space<hbm>>) dst(%arg11 : memref<64x16xf32, #tpu.memory_space<vmem>>)
      tpu.yield
    }) : () -> ()
    %dma_start3A = arith.constant 0 : i32
    %dma_start3A_3 = arith.constant 0 : i32
    %dma_start3A_4 = arith.constant 0 : i32
    %dma_start3A_5 = tpu.memref_slice %arg12[%dma_start3A, %dma_start3A_3, %dma_start3A_4] : memref<2x16x1024xf32, #tpu.memory_space<vmem>> -> memref<1x16x1024xf32, #tpu.memory_space<vmem>>
    %dma_start3A_6 = tpu.memref_squeeze %dma_start3A_5 : memref<1x16x1024xf32, #tpu.memory_space<vmem>> -> memref<16x1024xf32, #tpu.memory_space<vmem>>
    %dma_start3A_7 = arith.constant 0 : i32
    %dma_start3A_8 = tpu.memref_slice %arg8[%dma_start3A_7] : memref<64xi32, #tpu.memory_space<vmem>> -> memref<16xi32, #tpu.memory_space<vmem>>
    %dma_start3A_9 = arith.constant 0 : i32
    %dma_start3A_10 = arith.constant 0 : i32
    %dma_start3A_11 = tpu.memref_slice %arg2[%dma_start3A_9, %dma_start3A_10] : memref<4104x1024xf32, #tpu.memory_space<hbm>> -> memref<4104x1024xf32, #tpu.memory_space<hbm>>
    tpu.enqueue_indirect_dma source(%dma_start3A_11 : memref<4104x1024xf32, #tpu.memory_space<hbm>>) target(%dma_start3A_6 : memref<16x1024xf32, #tpu.memory_space<vmem>>) offsets(%dma_start3A_8 : memref<16xi32, #tpu.memory_space<vmem>>) semaphore(%arg15 : memref<!tpu.dma_semaphore, #tpu.memory_space<semaphore_mem>>)
    %dma_start3A_12 = arith.constant 0 : i32
    %dma_start3A_13 = arith.constant 0 : i32
    %dma_start3A_14 = arith.constant 0 : i32
    %dma_start3A_15 = tpu.memref_slice %arg13[%dma_start3A_12, %dma_start3A_13, %dma_start3A_14] : memref<2x16x1024xf32, #tpu.memory_space<vmem>> -> memref<1x16x1024xf32, #tpu.memory_space<vmem>>
    %dma_start3A_16 = tpu.memref_squeeze %dma_start3A_15 : memref<1x16x1024xf32, #tpu.memory_space<vmem>> -> memref<16x1024xf32, #tpu.memory_space<vmem>>
    %dma_start3A_17 = arith.constant 0 : i32
    %dma_start3A_18 = tpu.memref_slice %arg9[%dma_start3A_17] : memref<64xi32, #tpu.memory_space<vmem>> -> memref<16xi32, #tpu.memory_space<vmem>>
    %dma_start3A_19 = arith.constant 0 : i32
    %dma_start3A_20 = arith.constant 0 : i32
    %dma_start3A_21 = tpu.memref_slice %arg2[%dma_start3A_19, %dma_start3A_20] : memref<4104x1024xf32, #tpu.memory_space<hbm>> -> memref<4104x1024xf32, #tpu.memory_space<hbm>>
    tpu.enqueue_indirect_dma source(%dma_start3A_21 : memref<4104x1024xf32, #tpu.memory_space<hbm>>) target(%dma_start3A_16 : memref<16x1024xf32, #tpu.memory_space<vmem>>) offsets(%dma_start3A_18 : memref<16xi32, #tpu.memory_space<vmem>>) semaphore(%arg17 : memref<!tpu.dma_semaphore, #tpu.memory_space<semaphore_mem>>)
    %dma_start3A_22 = arith.constant 1 : i32
    %dma_start3A_23 = arith.constant 0 : i32
    %dma_start3A_24 = arith.constant 0 : i32
    %dma_start3A_25 = tpu.memref_slice %arg12[%dma_start3A_22, %dma_start3A_23, %dma_start3A_24] : memref<2x16x1024xf32, #tpu.memory_space<vmem>> -> memref<1x16x1024xf32, #tpu.memory_space<vmem>>
    %dma_start3A_26 = tpu.memref_squeeze %dma_start3A_25 : memref<1x16x1024xf32, #tpu.memory_space<vmem>> -> memref<16x1024xf32, #tpu.memory_space<vmem>>
    %dma_start3A_27 = arith.constant 16 : i32
    %dma_start3A_28 = tpu.memref_slice %arg8[%dma_start3A_27] : memref<64xi32, #tpu.memory_space<vmem>> -> memref<16xi32, #tpu.memory_space<vmem>>
    %dma_start3A_29 = arith.constant 0 : i32
    %dma_start3A_30 = arith.constant 0 : i32
    %dma_start3A_31 = tpu.memref_slice %arg2[%dma_start3A_29, %dma_start3A_30] : memref<4104x1024xf32, #tpu.memory_space<hbm>> -> memref<4104x1024xf32, #tpu.memory_space<hbm>>
    tpu.enqueue_indirect_dma source(%dma_start3A_31 : memref<4104x1024xf32, #tpu.memory_space<hbm>>) target(%dma_start3A_26 : memref<16x1024xf32, #tpu.memory_space<vmem>>) offsets(%dma_start3A_28 : memref<16xi32, #tpu.memory_space<vmem>>) semaphore(%arg16 : memref<!tpu.dma_semaphore, #tpu.memory_space<semaphore_mem>>)
    %dma_start3A_32 = arith.constant 1 : i32
    %dma_start3A_33 = arith.constant 0 : i32
    %dma_start3A_34 = arith.constant 0 : i32
    %dma_start3A_35 = tpu.memref_slice %arg13[%dma_start3A_32, %dma_start3A_33, %dma_start3A_34] : memref<2x16x1024xf32, #tpu.memory_space<vmem>> -> memref<1x16x1024xf32, #tpu.memory_space<vmem>>
    %dma_start3A_36 = tpu.memref_squeeze %dma_start3A_35 : memref<1x16x1024xf32, #tpu.memory_space<vmem>> -> memref<16x1024xf32, #tpu.memory_space<vmem>>
    %dma_start3A_37 = arith.constant 16 : i32
    %dma_start3A_38 = tpu.memref_slice %arg9[%dma_start3A_37] : memref<64xi32, #tpu.memory_space<vmem>> -> memref<16xi32, #tpu.memory_space<vmem>>
    %dma_start3A_39 = arith.constant 0 : i32
    %dma_start3A_40 = arith.constant 0 : i32
    %dma_start3A_41 = tpu.memref_slice %arg2[%dma_start3A_39, %dma_start3A_40] : memref<4104x1024xf32, #tpu.memory_space<hbm>> -> memref<4104x1024xf32, #tpu.memory_space<hbm>>
    tpu.enqueue_indirect_dma source(%dma_start3A_41 : memref<4104x1024xf32, #tpu.memory_space<hbm>>) target(%dma_start3A_36 : memref<16x1024xf32, #tpu.memory_space<vmem>>) offsets(%dma_start3A_38 : memref<16xi32, #tpu.memory_space<vmem>>) semaphore(%arg18 : memref<!tpu.dma_semaphore, #tpu.memory_space<semaphore_mem>>)
    %dma_wait3A = arith.constant 0 : i32
    %dma_wait3A_42 = arith.constant 0 : i32
    %dma_wait3A_43 = arith.constant 0 : i32
    %dma_wait3A_44 = tpu.memref_slice %arg12[%dma_wait3A, %dma_wait3A_42, %dma_wait3A_43] : memref<2x16x1024xf32, #tpu.memory_space<vmem>> -> memref<1x16x1024xf32, #tpu.memory_space<vmem>>
    %dma_wait3A_45 = tpu.memref_squeeze %dma_wait3A_44 : memref<1x16x1024xf32, #tpu.memory_space<vmem>> -> memref<16x1024xf32, #tpu.memory_space<vmem>>
    %dma_wait3A_46 = arith.constant 0 : i32
    %dma_wait3A_47 = tpu.memref_slice %arg8[%dma_wait3A_46] : memref<64xi32, #tpu.memory_space<vmem>> -> memref<16xi32, #tpu.memory_space<vmem>>
    %dma_wait3A_48 = arith.constant 0 : i32
    %dma_wait3A_49 = arith.constant 0 : i32
    %dma_wait3A_50 = tpu.memref_slice %arg2[%dma_wait3A_48, %dma_wait3A_49] : memref<4104x1024xf32, #tpu.memory_space<hbm>> -> memref<4104x1024xf32, #tpu.memory_space<hbm>>
    tpu.wait_indirect_dma semaphore(%arg15 : memref<!tpu.dma_semaphore, #tpu.memory_space<semaphore_mem>>) src(%dma_wait3A_50 : memref<4104x1024xf32, #tpu.memory_space<hbm>>) dst(%dma_wait3A_45 : memref<16x1024xf32, #tpu.memory_space<vmem>>)
    %dma_wait3A_51 = arith.constant 0 : i32
    %dma_wait3A_52 = arith.constant 0 : i32
    %dma_wait3A_53 = arith.constant 0 : i32
    %dma_wait3A_54 = tpu.memref_slice %arg13[%dma_wait3A_51, %dma_wait3A_52, %dma_wait3A_53] : memref<2x16x1024xf32, #tpu.memory_space<vmem>> -> memref<1x16x1024xf32, #tpu.memory_space<vmem>>
    %dma_wait3A_55 = tpu.memref_squeeze %dma_wait3A_54 : memref<1x16x1024xf32, #tpu.memory_space<vmem>> -> memref<16x1024xf32, #tpu.memory_space<vmem>>
    %dma_wait3A_56 = arith.constant 0 : i32
    %dma_wait3A_57 = tpu.memref_slice %arg9[%dma_wait3A_56] : memref<64xi32, #tpu.memory_space<vmem>> -> memref<16xi32, #tpu.memory_space<vmem>>
    %dma_wait3A_58 = arith.constant 0 : i32
    %dma_wait3A_59 = arith.constant 0 : i32
    %dma_wait3A_60 = tpu.memref_slice %arg2[%dma_wait3A_58, %dma_wait3A_59] : memref<4104x1024xf32, #tpu.memory_space<hbm>> -> memref<4104x1024xf32, #tpu.memory_space<hbm>>
    tpu.wait_indirect_dma semaphore(%arg17 : memref<!tpu.dma_semaphore, #tpu.memory_space<semaphore_mem>>) src(%dma_wait3A_60 : memref<4104x1024xf32, #tpu.memory_space<hbm>>) dst(%dma_wait3A_55 : memref<16x1024xf32, #tpu.memory_space<vmem>>)
    %scan3A = arith.constant 0 : i32
    %scan3A_61 = arith.constant 0 : i32
    %scan3A_62 = arith.constant 16 : i32
    %scan3A_63 = arith.addi %scan3A_61, %scan3A_62 : i32
    %scan3A_64 = arith.constant 1 : i32
    scf.for %scan3A_296 = %scan3A_61 to %scan3A_63 step %scan3A_64  : i32 {
      %add3A_297 = arith.constant 0 : i32
      %add3A_298 = arith.addi %add3A_297, %scan3A_296 : i32
      %get3A = arith.index_cast %add3A_298 : i32 to index
      %get3A_299 = arith.constant 0 : index
      %get3A_300 = tpu.vector_load %arg10[%get3A, %get3A_299] {strides = array<i32>} : memref<64x16xf32, #tpu.memory_space<vmem>>, vector<1x16xf32>,
      %get3A_301 = vector.shape_cast %get3A_300 : vector<1x16xf32> to vector<16xf32>
      %get3A_302 = arith.index_cast %add3A_298 : i32 to index
      %get3A_303 = arith.constant 0 : index
      %get3A_304 = tpu.vector_load %arg11[%get3A_302, %get3A_303] {strides = array<i32>} : memref<64x16xf32, #tpu.memory_space<vmem>>, vector<1x16xf32>,
      %get3A_305 = vector.shape_cast %get3A_304 : vector<1x16xf32> to vector<16xf32>
      %broadcast_in_dim3A = arith.constant 0.000000e+00 : f32
      %broadcast_in_dim3A_306 = vector.broadcast %broadcast_in_dim3A : f32 to vector<16xf32>
      %scan3A_307 = arith.constant 0 : i32
      %scan3A_308 = arith.constant 16 : i32
      %scan3A_309 = arith.addi %scan3A_307, %scan3A_308 : i32
      %scan3A_310 = arith.constant 1 : i32
      scf.for %scan3A_312 = %scan3A_307 to %scan3A_309 step %scan3A_310  : i32 {
        %mul3A_313 = arith.constant 4 : i32
        %mul3A_314 = arith.muli %scan3A_312, %mul3A_313 : i32
        %add3A_315 = arith.constant 0 : i32
        %add3A_316 = arith.addi %mul3A_314, %add3A_315 : i32
        %mul3A_317 = arith.constant 16 : i32
        %mul3A_318 = arith.muli %add3A_316, %mul3A_317 : i32
        %get3A_319 = arith.constant 0 : i32
        %get3A_320 = arith.index_cast %get3A_319 : i32 to index
        %get3A_321 = arith.index_cast %scan3A_296 : i32 to index
        %get3A_322 = arith.index_cast %mul3A_318 : i32 to index
        %get3A_323 = tpu.vector_load %arg12[%get3A_320, %get3A_321, %get3A_322] {strides = array<i32>} : memref<2x16x1024xf32, #tpu.memory_space<vmem>>, vector<1x1x16xf32>,
        %get3A_324 = vector.shape_cast %get3A_323 : vector<1x1x16xf32> to vector<16xf32>
        %get3A_325 = arith.constant 0 : i32
        %get3A_326 = arith.index_cast %get3A_325 : i32 to index
        %get3A_327 = arith.index_cast %scan3A_296 : i32 to index
        %get3A_328 = arith.index_cast %mul3A_318 : i32 to index
        %get3A_329 = tpu.vector_load %arg13[%get3A_326, %get3A_327, %get3A_328] {strides = array<i32>} : memref<2x16x1024xf32, #tpu.memory_space<vmem>>, vector<1x1x16xf32>,
        %get3A_330 = vector.shape_cast %get3A_329 : vector<1x1x16xf32> to vector<16xf32>
        %gt3A = arith.constant 0.000000e+00 : f32
        %gt3A_331 = vector.broadcast %gt3A : f32 to vector<16xf32>
        %gt3A_332 = arith.cmpf ogt, %get3A_301, %gt3A_331 : vector<16xf32>
        %mul3A_333 = arith.mulf %get3A_324, %get3A_301 : vector<16xf32>
        %select_n3A = arith.select %gt3A_332, %mul3A_333, %broadcast_in_dim3A_306 : vector<16xi1>, vector<16xf32>
        %gt3A_334 = arith.constant 0.000000e+00 : f32
        %gt3A_335 = vector.broadcast %gt3A_334 : f32 to vector<16xf32>
        %gt3A_336 = arith.cmpf ogt, %get3A_305, %gt3A_335 : vector<16xf32>
        %mul3A_337 = arith.mulf %get3A_330, %get3A_305 : vector<16xf32>
        %select_n3A_338 = arith.select %gt3A_336, %mul3A_337, %broadcast_in_dim3A_306 : vector<16xi1>, vector<16xf32>
        %add3A_339 = arith.addf %select_n3A, %select_n3A_338 : vector<16xf32>
        %swap3A = arith.constant 0 : i32
        %swap3A_340 = arith.index_cast %swap3A : i32 to index
        %swap3A_341 = arith.index_cast %scan3A_296 : i32 to index
        %swap3A_342 = arith.index_cast %mul3A_318 : i32 to index
        %swap3A_343 = tpu.vector_load %arg14[%swap3A_340, %swap3A_341, %swap3A_342] {strides = array<i32>} : memref<2x16x1024xf32, #tpu.memory_space<vmem>>, vector<1x1x16xf32>,
        %swap3A_344 = vector.shape_cast %swap3A_343 : vector<1x1x16xf32> to vector<16xf32>
        %swap3A_345 = vector.shape_cast %add3A_339 : vector<16xf32> to vector<1x1x16xf32>
        tpu.vector_store %arg14[%swap3A_340, %swap3A_341, %swap3A_342], %swap3A_345 {strides = array<i32>} : memref<2x16x1024xf32, #tpu.memory_space<vmem>>, vector<1x1x16xf32>,
        %mul3A_346 = arith.constant 4 : i32
        %mul3A_347 = arith.muli %scan3A_312, %mul3A_346 : i32
        %add3A_348 = arith.constant 1 : i32
        %add3A_349 = arith.addi %mul3A_347, %add3A_348 : i32
        %mul3A_350 = arith.constant 16 : i32
        %mul3A_351 = arith.muli %add3A_349, %mul3A_350 : i32
        %get3A_352 = arith.constant 0 : i32
        %get3A_353 = arith.index_cast %get3A_352 : i32 to index
        %get3A_354 = arith.index_cast %scan3A_296 : i32 to index
        %get3A_355 = arith.index_cast %mul3A_351 : i32 to index
        %get3A_356 = tpu.vector_load %arg12[%get3A_353, %get3A_354, %get3A_355] {strides = array<i32>} : memref<2x16x1024xf32, #tpu.memory_space<vmem>>, vector<1x1x16xf32>,
        %get3A_357 = vector.shape_cast %get3A_356 : vector<1x1x16xf32> to vector<16xf32>
        %get3A_358 = arith.constant 0 : i32
        %get3A_359 = arith.index_cast %get3A_358 : i32 to index
        %get3A_360 = arith.index_cast %scan3A_296 : i32 to index
        %get3A_361 = arith.index_cast %mul3A_351 : i32 to index
        %get3A_362 = tpu.vector_load %arg13[%get3A_359, %get3A_360, %get3A_361] {strides = array<i32>} : memref<2x16x1024xf32, #tpu.memory_space<vmem>>, vector<1x1x16xf32>,
        %get3A_363 = vector.shape_cast %get3A_362 : vector<1x1x16xf32> to vector<16xf32>
        %gt3A_364 = arith.constant 0.000000e+00 : f32
        %gt3A_365 = vector.broadcast %gt3A_364 : f32 to vector<16xf32>
        %gt3A_366 = arith.cmpf ogt, %get3A_301, %gt3A_365 : vector<16xf32>
        %mul3A_367 = arith.mulf %get3A_357, %get3A_301 : vector<16xf32>
        %select_n3A_368 = arith.select %gt3A_366, %mul3A_367, %broadcast_in_dim3A_306 : vector<16xi1>, vector<16xf32>
        %gt3A_369 = arith.constant 0.000000e+00 : f32
        %gt3A_370 = vector.broadcast %gt3A_369 : f32 to vector<16xf32>
        %gt3A_371 = arith.cmpf ogt, %get3A_305, %gt3A_370 : vector<16xf32>
        %mul3A_372 = arith.mulf %get3A_363, %get3A_305 : vector<16xf32>
        %select_n3A_373 = arith.select %gt3A_371, %mul3A_372, %broadcast_in_dim3A_306 : vector<16xi1>, vector<16xf32>
        %add3A_374 = arith.addf %select_n3A_368, %select_n3A_373 : vector<16xf32>
        %swap3A_375 = arith.constant 0 : i32
        %swap3A_376 = arith.index_cast %swap3A_375 : i32 to index
        %swap3A_377 = arith.index_cast %scan3A_296 : i32 to index
        %swap3A_378 = arith.index_cast %mul3A_351 : i32 to index
        %swap3A_379 = tpu.vector_load %arg14[%swap3A_376, %swap3A_377, %swap3A_378] {strides = array<i32>} : memref<2x16x1024xf32, #tpu.memory_space<vmem>>, vector<1x1x16xf32>,
        %swap3A_380 = vector.shape_cast %swap3A_379 : vector<1x1x16xf32> to vector<16xf32>
        %swap3A_381 = vector.shape_cast %add3A_374 : vector<16xf32> to vector<1x1x16xf32>
        tpu.vector_store %arg14[%swap3A_376, %swap3A_377, %swap3A_378], %swap3A_381 {strides = array<i32>} : memref<2x16x1024xf32, #tpu.memory_space<vmem>>, vector<1x1x16xf32>,
        %mul3A_382 = arith.constant 4 : i32
        %mul3A_383 = arith.muli %scan3A_312, %mul3A_382 : i32
        %add3A_384 = arith.constant 2 : i32
        %add3A_385 = arith.addi %mul3A_383, %add3A_384 : i32
        %mul3A_386 = arith.constant 16 : i32
        %mul3A_387 = arith.muli %add3A_385, %mul3A_386 : i32
        %get3A_388 = arith.constant 0 : i32
        %get3A_389 = arith.index_cast %get3A_388 : i32 to index
        %get3A_390 = arith.index_cast %scan3A_296 : i32 to index
        %get3A_391 = arith.index_cast %mul3A_387 : i32 to index
        %get3A_392 = tpu.vector_load %arg12[%get3A_389, %get3A_390, %get3A_391] {strides = array<i32>} : memref<2x16x1024xf32, #tpu.memory_space<vmem>>, vector<1x1x16xf32>,
        %get3A_393 = vector.shape_cast %get3A_392 : vector<1x1x16xf32> to vector<16xf32>
        %get3A_394 = arith.constant 0 : i32
        %get3A_395 = arith.index_cast %get3A_394 : i32 to index
        %get3A_396 = arith.index_cast %scan3A_296 : i32 to index
        %get3A_397 = arith.index_cast %mul3A_387 : i32 to index
        %get3A_398 = tpu.vector_load %arg13[%get3A_395, %get3A_396, %get3A_397] {strides = array<i32>} : memref<2x16x1024xf32, #tpu.memory_space<vmem>>, vector<1x1x16xf32>,
        %get3A_399 = vector.shape_cast %get3A_398 : vector<1x1x16xf32> to vector<16xf32>
        %gt3A_400 = arith.constant 0.000000e+00 : f32
        %gt3A_401 = vector.broadcast %gt3A_400 : f32 to vector<16xf32>
        %gt3A_402 = arith.cmpf ogt, %get3A_301, %gt3A_401 : vector<16xf32>
        %mul3A_403 = arith.mulf %get3A_393, %get3A_301 : vector<16xf32>
        %select_n3A_404 = arith.select %gt3A_402, %mul3A_403, %broadcast_in_dim3A_306 : vector<16xi1>, vector<16xf32>
        %gt3A_405 = arith.constant 0.000000e+00 : f32
        %gt3A_406 = vector.broadcast %gt3A_405 : f32 to vector<16xf32>
        %gt3A_407 = arith.cmpf ogt, %get3A_305, %gt3A_406 : vector<16xf32>
        %mul3A_408 = arith.mulf %get3A_399, %get3A_305 : vector<16xf32>
        %select_n3A_409 = arith.select %gt3A_407, %mul3A_408, %broadcast_in_dim3A_306 : vector<16xi1>, vector<16xf32>
        %add3A_410 = arith.addf %select_n3A_404, %select_n3A_409 : vector<16xf32>
        %swap3A_411 = arith.constant 0 : i32
        %swap3A_412 = arith.index_cast %swap3A_411 : i32 to index
        %swap3A_413 = arith.index_cast %scan3A_296 : i32 to index
        %swap3A_414 = arith.index_cast %mul3A_387 : i32 to index
        %swap3A_415 = tpu.vector_load %arg14[%swap3A_412, %swap3A_413, %swap3A_414] {strides = array<i32>} : memref<2x16x1024xf32, #tpu.memory_space<vmem>>, vector<1x1x16xf32>,
        %swap3A_416 = vector.shape_cast %swap3A_415 : vector<1x1x16xf32> to vector<16xf32>
        %swap3A_417 = vector.shape_cast %add3A_410 : vector<16xf32> to vector<1x1x16xf32>
        tpu.vector_store %arg14[%swap3A_412, %swap3A_413, %swap3A_414], %swap3A_417 {strides = array<i32>} : memref<2x16x1024xf32, #tpu.memory_space<vmem>>, vector<1x1x16xf32>,
        %mul3A_418 = arith.constant 4 : i32
        %mul3A_419 = arith.muli %scan3A_312, %mul3A_418 : i32
        %add3A_420 = arith.constant 3 : i32
        %add3A_421 = arith.addi %mul3A_419, %add3A_420 : i32
        %mul3A_422 = arith.constant 16 : i32
        %mul3A_423 = arith.muli %add3A_421, %mul3A_422 : i32
        %get3A_424 = arith.constant 0 : i32
        %get3A_425 = arith.index_cast %get3A_424 : i32 to index
        %get3A_426 = arith.index_cast %scan3A_296 : i32 to index
        %get3A_427 = arith.index_cast %mul3A_423 : i32 to index
        %get3A_428 = tpu.vector_load %arg12[%get3A_425, %get3A_426, %get3A_427] {strides = array<i32>} : memref<2x16x1024xf32, #tpu.memory_space<vmem>>, vector<1x1x16xf32>,
        %get3A_429 = vector.shape_cast %get3A_428 : vector<1x1x16xf32> to vector<16xf32>
        %get3A_430 = arith.constant 0 : i32
        %get3A_431 = arith.index_cast %get3A_430 : i32 to index
        %get3A_432 = arith.index_cast %scan3A_296 : i32 to index
        %get3A_433 = arith.index_cast %mul3A_423 : i32 to index
        %get3A_434 = tpu.vector_load %arg13[%get3A_431, %get3A_432, %get3A_433] {strides = array<i32>} : memref<2x16x1024xf32, #tpu.memory_space<vmem>>, vector<1x1x16xf32>,
        %get3A_435 = vector.shape_cast %get3A_434 : vector<1x1x16xf32> to vector<16xf32>
        %gt3A_436 = arith.constant 0.000000e+00 : f32
        %gt3A_437 = vector.broadcast %gt3A_436 : f32 to vector<16xf32>
        %gt3A_438 = arith.cmpf ogt, %get3A_301, %gt3A_437 : vector<16xf32>
        %mul3A_439 = arith.mulf %get3A_429, %get3A_301 : vector<16xf32>
        %select_n3A_440 = arith.select %gt3A_438, %mul3A_439, %broadcast_in_dim3A_306 : vector<16xi1>, vector<16xf32>
        %gt3A_441 = arith.constant 0.000000e+00 : f32
        %gt3A_442 = vector.broadcast %gt3A_441 : f32 to vector<16xf32>
        %gt3A_443 = arith.cmpf ogt, %get3A_305, %gt3A_442 : vector<16xf32>
        %mul3A_444 = arith.mulf %get3A_435, %get3A_305 : vector<16xf32>
        %select_n3A_445 = arith.select %gt3A_443, %mul3A_444, %broadcast_in_dim3A_306 : vector<16xi1>, vector<16xf32>
        %add3A_446 = arith.addf %select_n3A_440, %select_n3A_445 : vector<16xf32>
        %swap3A_447 = arith.constant 0 : i32
        %swap3A_448 = arith.index_cast %swap3A_447 : i32 to index
        %swap3A_449 = arith.index_cast %scan3A_296 : i32 to index
        %swap3A_450 = arith.index_cast %mul3A_423 : i32 to index
        %swap3A_451 = tpu.vector_load %arg14[%swap3A_448, %swap3A_449, %swap3A_450] {strides = array<i32>} : memref<2x16x1024xf32, #tpu.memory_space<vmem>>, vector<1x1x16xf32>,
        %swap3A_452 = vector.shape_cast %swap3A_451 : vector<1x1x16xf32> to vector<16xf32>
        %swap3A_453 = vector.shape_cast %add3A_446 : vector<16xf32> to vector<1x1x16xf32>
        tpu.vector_store %arg14[%swap3A_448, %swap3A_449, %swap3A_450], %swap3A_453 {strides = array<i32>} : memref<2x16x1024xf32, #tpu.memory_space<vmem>>, vector<1x1x16xf32>,
      }
      %scan3A_311 = arith.constant 16 : i32
    }
    %scan3A_65 = arith.constant 16 : i32
    %add3A_66 = arith.constant 0 : i32
    %add3A_67 = arith.addi %mul3A_2, %add3A_66 : i32
    %dma_start3A_68 = arith.constant 0 : i32
    %dma_start3A_69 = arith.constant 0 : i32
    %dma_start3A_70 = arith.constant 0 : i32
    %dma_start3A_71 = tpu.memref_slice %arg14[%dma_start3A_68, %dma_start3A_69, %dma_start3A_70] : memref<2x16x1024xf32, #tpu.memory_space<vmem>> -> memref<1x16x1024xf32, #tpu.memory_space<vmem>>
    %dma_start3A_72 = tpu.memref_squeeze %dma_start3A_71 : memref<1x16x1024xf32, #tpu.memory_space<vmem>> -> memref<16x1024xf32, #tpu.memory_space<vmem>>
    %dma_start3A_73 = arith.constant 0 : i32
    %dma_start3A_74 = tpu.memref_slice %arg7[%add3A_67, %dma_start3A_73] : memref<2048x1024xf32, #tpu.memory_space<hbm>> -> memref<16x1024xf32, #tpu.memory_space<hbm>>
    %dma_start3A_75 = arith.constant 0 : i32
    %dma_start3A_76 = tpu.memref_slice %arg7[%add3A_67, %dma_start3A_75] : memref<2048x1024xf32, #tpu.memory_space<hbm>> -> memref<16x1024xf32, #tpu.memory_space<hbm>>
    %dma_start3A_77 = arith.constant 0 : i32
    %dma_start3A_78 = arith.constant 0 : i32
    %dma_start3A_79 = tpu.memref_slice %arg14[%dma_start3A_68, %dma_start3A_77, %dma_start3A_78] : memref<2x16x1024xf32, #tpu.memory_space<vmem>> -> memref<1x16x1024xf32, #tpu.memory_space<vmem>>
    %dma_start3A_80 = tpu.memref_squeeze %dma_start3A_79 : memref<1x16x1024xf32, #tpu.memory_space<vmem>> -> memref<16x1024xf32, #tpu.memory_space<vmem>>
    tpu.enqueue_dma source(%dma_start3A_80 : memref<16x1024xf32, #tpu.memory_space<vmem>>) target(%dma_start3A_76 : memref<16x1024xf32, #tpu.memory_space<hbm>>) target_semaphore(%arg19 : memref<!tpu.dma_semaphore, #tpu.memory_space<semaphore_mem>>)
    %dma_start3A_81 = arith.constant 0 : i32
    %dma_start3A_82 = arith.constant 0 : i32
    %dma_start3A_83 = arith.constant 0 : i32
    %dma_start3A_84 = tpu.memref_slice %arg12[%dma_start3A_81, %dma_start3A_82, %dma_start3A_83] : memref<2x16x1024xf32, #tpu.memory_space<vmem>> -> memref<1x16x1024xf32, #tpu.memory_space<vmem>>
    %dma_start3A_85 = tpu.memref_squeeze %dma_start3A_84 : memref<1x16x1024xf32, #tpu.memory_space<vmem>> -> memref<16x1024xf32, #tpu.memory_space<vmem>>
    %dma_start3A_86 = arith.constant 32 : i32
    %dma_start3A_87 = tpu.memref_slice %arg8[%dma_start3A_86] : memref<64xi32, #tpu.memory_space<vmem>> -> memref<16xi32, #tpu.memory_space<vmem>>
    %dma_start3A_88 = arith.constant 0 : i32
    %dma_start3A_89 = arith.constant 0 : i32
    %dma_start3A_90 = tpu.memref_slice %arg2[%dma_start3A_88, %dma_start3A_89] : memref<4104x1024xf32, #tpu.memory_space<hbm>> -> memref<4104x1024xf32, #tpu.memory_space<hbm>>
    tpu.enqueue_indirect_dma source(%dma_start3A_90 : memref<4104x1024xf32, #tpu.memory_space<hbm>>) target(%dma_start3A_85 : memref<16x1024xf32, #tpu.memory_space<vmem>>) offsets(%dma_start3A_87 : memref<16xi32, #tpu.memory_space<vmem>>) semaphore(%arg15 : memref<!tpu.dma_semaphore, #tpu.memory_space<semaphore_mem>>)
    %dma_start3A_91 = arith.constant 0 : i32
    %dma_start3A_92 = arith.constant 0 : i32
    %dma_start3A_93 = arith.constant 0 : i32
    %dma_start3A_94 = tpu.memref_slice %arg13[%dma_start3A_91, %dma_start3A_92, %dma_start3A_93] : memref<2x16x1024xf32, #tpu.memory_space<vmem>> -> memref<1x16x1024xf32, #tpu.memory_space<vmem>>
    %dma_start3A_95 = tpu.memref_squeeze %dma_start3A_94 : memref<1x16x1024xf32, #tpu.memory_space<vmem>> -> memref<16x1024xf32, #tpu.memory_space<vmem>>
    %dma_start3A_96 = arith.constant 32 : i32
    %dma_start3A_97 = tpu.memref_slice %arg9[%dma_start3A_96] : memref<64xi32, #tpu.memory_space<vmem>> -> memref<16xi32, #tpu.memory_space<vmem>>
    %dma_start3A_98 = arith.constant 0 : i32
    %dma_start3A_99 = arith.constant 0 : i32
    %dma_start3A_100 = tpu.memref_slice %arg2[%dma_start3A_98, %dma_start3A_99] : memref<4104x1024xf32, #tpu.memory_space<hbm>> -> memref<4104x1024xf32, #tpu.memory_space<hbm>>
    tpu.enqueue_indirect_dma source(%dma_start3A_100 : memref<4104x1024xf32, #tpu.memory_space<hbm>>) target(%dma_start3A_95 : memref<16x1024xf32, #tpu.memory_space<vmem>>) offsets(%dma_start3A_97 : memref<16xi32, #tpu.memory_space<vmem>>) semaphore(%arg17 : memref<!tpu.dma_semaphore, #tpu.memory_space<semaphore_mem>>)
    %dma_wait3A_101 = arith.constant 1 : i32
    %dma_wait3A_102 = arith.constant 0 : i32
    %dma_wait3A_103 = arith.constant 0 : i32
    %dma_wait3A_104 = tpu.memref_slice %arg12[%dma_wait3A_101, %dma_wait3A_102, %dma_wait3A_103] : memref<2x16x1024xf32, #tpu.memory_space<vmem>> -> memref<1x16x1024xf32, #tpu.memory_space<vmem>>
    %dma_wait3A_105 = tpu.memref_squeeze %dma_wait3A_104 : memref<1x16x1024xf32, #tpu.memory_space<vmem>> -> memref<16x1024xf32, #tpu.memory_space<vmem>>
    %dma_wait3A_106 = arith.constant 16 : i32
    %dma_wait3A_107 = tpu.memref_slice %arg8[%dma_wait3A_106] : memref<64xi32, #tpu.memory_space<vmem>> -> memref<16xi32, #tpu.memory_space<vmem>>
    %dma_wait3A_108 = arith.constant 0 : i32
    %dma_wait3A_109 = arith.constant 0 : i32
    %dma_wait3A_110 = tpu.memref_slice %arg2[%dma_wait3A_108, %dma_wait3A_109] : memref<4104x1024xf32, #tpu.memory_space<hbm>> -> memref<4104x1024xf32, #tpu.memory_space<hbm>>
    tpu.wait_indirect_dma semaphore(%arg16 : memref<!tpu.dma_semaphore, #tpu.memory_space<semaphore_mem>>) src(%dma_wait3A_110 : memref<4104x1024xf32, #tpu.memory_space<hbm>>) dst(%dma_wait3A_105 : memref<16x1024xf32, #tpu.memory_space<vmem>>)
    %dma_wait3A_111 = arith.constant 1 : i32
    %dma_wait3A_112 = arith.constant 0 : i32
    %dma_wait3A_113 = arith.constant 0 : i32
    %dma_wait3A_114 = tpu.memref_slice %arg13[%dma_wait3A_111, %dma_wait3A_112, %dma_wait3A_113] : memref<2x16x1024xf32, #tpu.memory_space<vmem>> -> memref<1x16x1024xf32, #tpu.memory_space<vmem>>
    %dma_wait3A_115 = tpu.memref_squeeze %dma_wait3A_114 : memref<1x16x1024xf32, #tpu.memory_space<vmem>> -> memref<16x1024xf32, #tpu.memory_space<vmem>>
    %dma_wait3A_116 = arith.constant 16 : i32
    %dma_wait3A_117 = tpu.memref_slice %arg9[%dma_wait3A_116] : memref<64xi32, #tpu.memory_space<vmem>> -> memref<16xi32, #tpu.memory_space<vmem>>
    %dma_wait3A_118 = arith.constant 0 : i32
    %dma_wait3A_119 = arith.constant 0 : i32
    %dma_wait3A_120 = tpu.memref_slice %arg2[%dma_wait3A_118, %dma_wait3A_119] : memref<4104x1024xf32, #tpu.memory_space<hbm>> -> memref<4104x1024xf32, #tpu.memory_space<hbm>>
    tpu.wait_indirect_dma semaphore(%arg18 : memref<!tpu.dma_semaphore, #tpu.memory_space<semaphore_mem>>) src(%dma_wait3A_120 : memref<4104x1024xf32, #tpu.memory_space<hbm>>) dst(%dma_wait3A_115 : memref<16x1024xf32, #tpu.memory_space<vmem>>)
    %scan3A_121 = arith.constant 0 : i32
    %scan3A_122 = arith.constant 0 : i32
    %scan3A_123 = arith.constant 16 : i32
    %scan3A_124 = arith.addi %scan3A_122, %scan3A_123 : i32
    %scan3A_125 = arith.constant 1 : i32
    scf.for %scan3A_296 = %scan3A_122 to %scan3A_124 step %scan3A_125  : i32 {
      %add3A_297 = arith.constant 16 : i32
      %add3A_298 = arith.addi %add3A_297, %scan3A_296 : i32
      %get3A = arith.index_cast %add3A_298 : i32 to index
      %get3A_299 = arith.constant 0 : index
      %get3A_300 = tpu.vector_load %arg10[%get3A, %get3A_299] {strides = array<i32>} : memref<64x16xf32, #tpu.memory_space<vmem>>, vector<1x16xf32>,
      %get3A_301 = vector.shape_cast %get3A_300 : vector<1x16xf32> to vector<16xf32>
      %get3A_302 = arith.index_cast %add3A_298 : i32 to index
      %get3A_303 = arith.constant 0 : index
      %get3A_304 = tpu.vector_load %arg11[%get3A_302, %get3A_303] {strides = array<i32>} : memref<64x16xf32, #tpu.memory_space<vmem>>, vector<1x16xf32>,
      %get3A_305 = vector.shape_cast %get3A_304 : vector<1x16xf32> to vector<16xf32>
      %broadcast_in_dim3A = arith.constant 0.000000e+00 : f32
      %broadcast_in_dim3A_306 = vector.broadcast %broadcast_in_dim3A : f32 to vector<16xf32>
      %scan3A_307 = arith.constant 0 : i32
      %scan3A_308 = arith.constant 16 : i32
      %scan3A_309 = arith.addi %scan3A_307, %scan3A_308 : i32
      %scan3A_310 = arith.constant 1 : i32
      scf.for %scan3A_312 = %scan3A_307 to %scan3A_309 step %scan3A_310  : i32 {
        %mul3A_313 = arith.constant 4 : i32
        %mul3A_314 = arith.muli %scan3A_312, %mul3A_313 : i32
        %add3A_315 = arith.constant 0 : i32
        %add3A_316 = arith.addi %mul3A_314, %add3A_315 : i32
        %mul3A_317 = arith.constant 16 : i32
        %mul3A_318 = arith.muli %add3A_316, %mul3A_317 : i32
        %get3A_319 = arith.constant 1 : i32
        %get3A_320 = arith.index_cast %get3A_319 : i32 to index
        %get3A_321 = arith.index_cast %scan3A_296 : i32 to index
        %get3A_322 = arith.index_cast %mul3A_318 : i32 to index
        %get3A_323 = tpu.vector_load %arg12[%get3A_320, %get3A_321, %get3A_322] {strides = array<i32>} : memref<2x16x1024xf32, #tpu.memory_space<vmem>>, vector<1x1x16xf32>,
        %get3A_324 = vector.shape_cast %get3A_323 : vector<1x1x16xf32> to vector<16xf32>
        %get3A_325 = arith.constant 1 : i32
        %get3A_326 = arith.index_cast %get3A_325 : i32 to index
        %get3A_327 = arith.index_cast %scan3A_296 : i32 to index
        %get3A_328 = arith.index_cast %mul3A_318 : i32 to index
        %get3A_329 = tpu.vector_load %arg13[%get3A_326, %get3A_327, %get3A_328] {strides = array<i32>} : memref<2x16x1024xf32, #tpu.memory_space<vmem>>, vector<1x1x16xf32>,
        %get3A_330 = vector.shape_cast %get3A_329 : vector<1x1x16xf32> to vector<16xf32>
        %gt3A = arith.constant 0.000000e+00 : f32
        %gt3A_331 = vector.broadcast %gt3A : f32 to vector<16xf32>
        %gt3A_332 = arith.cmpf ogt, %get3A_301, %gt3A_331 : vector<16xf32>
        %mul3A_333 = arith.mulf %get3A_324, %get3A_301 : vector<16xf32>
        %select_n3A = arith.select %gt3A_332, %mul3A_333, %broadcast_in_dim3A_306 : vector<16xi1>, vector<16xf32>
        %gt3A_334 = arith.constant 0.000000e+00 : f32
        %gt3A_335 = vector.broadcast %gt3A_334 : f32 to vector<16xf32>
        %gt3A_336 = arith.cmpf ogt, %get3A_305, %gt3A_335 : vector<16xf32>
        %mul3A_337 = arith.mulf %get3A_330, %get3A_305 : vector<16xf32>
        %select_n3A_338 = arith.select %gt3A_336, %mul3A_337, %broadcast_in_dim3A_306 : vector<16xi1>, vector<16xf32>
        %add3A_339 = arith.addf %select_n3A, %select_n3A_338 : vector<16xf32>
        %swap3A = arith.constant 1 : i32
        %swap3A_340 = arith.index_cast %swap3A : i32 to index
        %swap3A_341 = arith.index_cast %scan3A_296 : i32 to index
        %swap3A_342 = arith.index_cast %mul3A_318 : i32 to index
        %swap3A_343 = tpu.vector_load %arg14[%swap3A_340, %swap3A_341, %swap3A_342] {strides = array<i32>} : memref<2x16x1024xf32, #tpu.memory_space<vmem>>, vector<1x1x16xf32>,
        %swap3A_344 = vector.shape_cast %swap3A_343 : vector<1x1x16xf32> to vector<16xf32>
        %swap3A_345 = vector.shape_cast %add3A_339 : vector<16xf32> to vector<1x1x16xf32>
        tpu.vector_store %arg14[%swap3A_340, %swap3A_341, %swap3A_342], %swap3A_345 {strides = array<i32>} : memref<2x16x1024xf32, #tpu.memory_space<vmem>>, vector<1x1x16xf32>,
        %mul3A_346 = arith.constant 4 : i32
        %mul3A_347 = arith.muli %scan3A_312, %mul3A_346 : i32
        %add3A_348 = arith.constant 1 : i32
        %add3A_349 = arith.addi %mul3A_347, %add3A_348 : i32
        %mul3A_350 = arith.constant 16 : i32
        %mul3A_351 = arith.muli %add3A_349, %mul3A_350 : i32
        %get3A_352 = arith.constant 1 : i32
        %get3A_353 = arith.index_cast %get3A_352 : i32 to index
        %get3A_354 = arith.index_cast %scan3A_296 : i32 to index
        %get3A_355 = arith.index_cast %mul3A_351 : i32 to index
        %get3A_356 = tpu.vector_load %arg12[%get3A_353, %get3A_354, %get3A_355] {strides = array<i32>} : memref<2x16x1024xf32, #tpu.memory_space<vmem>>, vector<1x1x16xf32>,
        %get3A_357 = vector.shape_cast %get3A_356 : vector<1x1x16xf32> to vector<16xf32>
        %get3A_358 = arith.constant 1 : i32
        %get3A_359 = arith.index_cast %get3A_358 : i32 to index
        %get3A_360 = arith.index_cast %scan3A_296 : i32 to index
        %get3A_361 = arith.index_cast %mul3A_351 : i32 to index
        %get3A_362 = tpu.vector_load %arg13[%get3A_359, %get3A_360, %get3A_361] {strides = array<i32>} : memref<2x16x1024xf32, #tpu.memory_space<vmem>>, vector<1x1x16xf32>,
        %get3A_363 = vector.shape_cast %get3A_362 : vector<1x1x16xf32> to vector<16xf32>
        %gt3A_364 = arith.constant 0.000000e+00 : f32
        %gt3A_365 = vector.broadcast %gt3A_364 : f32 to vector<16xf32>
        %gt3A_366 = arith.cmpf ogt, %get3A_301, %gt3A_365 : vector<16xf32>
        %mul3A_367 = arith.mulf %get3A_357, %get3A_301 : vector<16xf32>
        %select_n3A_368 = arith.select %gt3A_366, %mul3A_367, %broadcast_in_dim3A_306 : vector<16xi1>, vector<16xf32>
        %gt3A_369 = arith.constant 0.000000e+00 : f32
        %gt3A_370 = vector.broadcast %gt3A_369 : f32 to vector<16xf32>
        %gt3A_371 = arith.cmpf ogt, %get3A_305, %gt3A_370 : vector<16xf32>
        %mul3A_372 = arith.mulf %get3A_363, %get3A_305 : vector<16xf32>
        %select_n3A_373 = arith.select %gt3A_371, %mul3A_372, %broadcast_in_dim3A_306 : vector<16xi1>, vector<16xf32>
        %add3A_374 = arith.addf %select_n3A_368, %select_n3A_373 : vector<16xf32>
        %swap3A_375 = arith.constant 1 : i32
        %swap3A_376 = arith.index_cast %swap3A_375 : i32 to index
        %swap3A_377 = arith.index_cast %scan3A_296 : i32 to index
        %swap3A_378 = arith.index_cast %mul3A_351 : i32 to index
        %swap3A_379 = tpu.vector_load %arg14[%swap3A_376, %swap3A_377, %swap3A_378] {strides = array<i32>} : memref<2x16x1024xf32, #tpu.memory_space<vmem>>, vector<1x1x16xf32>,
        %swap3A_380 = vector.shape_cast %swap3A_379 : vector<1x1x16xf32> to vector<16xf32>
        %swap3A_381 = vector.shape_cast %add3A_374 : vector<16xf32> to vector<1x1x16xf32>
        tpu.vector_store %arg14[%swap3A_376, %swap3A_377, %swap3A_378], %swap3A_381 {strides = array<i32>} : memref<2x16x1024xf32, #tpu.memory_space<vmem>>, vector<1x1x16xf32>,
        %mul3A_382 = arith.constant 4 : i32
        %mul3A_383 = arith.muli %scan3A_312, %mul3A_382 : i32
        %add3A_384 = arith.constant 2 : i32
        %add3A_385 = arith.addi %mul3A_383, %add3A_384 : i32
        %mul3A_386 = arith.constant 16 : i32
        %mul3A_387 = arith.muli %add3A_385, %mul3A_386 : i32
        %get3A_388 = arith.constant 1 : i32
        %get3A_389 = arith.index_cast %get3A_388 : i32 to index
        %get3A_390 = arith.index_cast %scan3A_296 : i32 to index
        %get3A_391 = arith.index_cast %mul3A_387 : i32 to index
        %get3A_392 = tpu.vector_load %arg12[%get3A_389, %get3A_390, %get3A_391] {strides = array<i32>} : memref<2x16x1024xf32, #tpu.memory_space<vmem>>, vector<1x1x16xf32>,
        %get3A_393 = vector.shape_cast %get3A_392 : vector<1x1x16xf32> to vector<16xf32>
        %get3A_394 = arith.constant 1 : i32
        %get3A_395 = arith.index_cast %get3A_394 : i32 to index
        %get3A_396 = arith.index_cast %scan3A_296 : i32 to index
        %get3A_397 = arith.index_cast %mul3A_387 : i32 to index
        %get3A_398 = tpu.vector_load %arg13[%get3A_395, %get3A_396, %get3A_397] {strides = array<i32>} : memref<2x16x1024xf32, #tpu.memory_space<vmem>>, vector<1x1x16xf32>,
        %get3A_399 = vector.shape_cast %get3A_398 : vector<1x1x16xf32> to vector<16xf32>
        %gt3A_400 = arith.constant 0.000000e+00 : f32
        %gt3A_401 = vector.broadcast %gt3A_400 : f32 to vector<16xf32>
        %gt3A_402 = arith.cmpf ogt, %get3A_301, %gt3A_401 : vector<16xf32>
        %mul3A_403 = arith.mulf %get3A_393, %get3A_301 : vector<16xf32>
        %select_n3A_404 = arith.select %gt3A_402, %mul3A_403, %broadcast_in_dim3A_306 : vector<16xi1>, vector<16xf32>
        %gt3A_405 = arith.constant 0.000000e+00 : f32
        %gt3A_406 = vector.broadcast %gt3A_405 : f32 to vector<16xf32>
        %gt3A_407 = arith.cmpf ogt, %get3A_305, %gt3A_406 : vector<16xf32>
        %mul3A_408 = arith.mulf %get3A_399, %get3A_305 : vector<16xf32>
        %select_n3A_409 = arith.select %gt3A_407, %mul3A_408, %broadcast_in_dim3A_306 : vector<16xi1>, vector<16xf32>
        %add3A_410 = arith.addf %select_n3A_404, %select_n3A_409 : vector<16xf32>
        %swap3A_411 = arith.constant 1 : i32
        %swap3A_412 = arith.index_cast %swap3A_411 : i32 to index
        %swap3A_413 = arith.index_cast %scan3A_296 : i32 to index
        %swap3A_414 = arith.index_cast %mul3A_387 : i32 to index
        %swap3A_415 = tpu.vector_load %arg14[%swap3A_412, %swap3A_413, %swap3A_414] {strides = array<i32>} : memref<2x16x1024xf32, #tpu.memory_space<vmem>>, vector<1x1x16xf32>,
        %swap3A_416 = vector.shape_cast %swap3A_415 : vector<1x1x16xf32> to vector<16xf32>
        %swap3A_417 = vector.shape_cast %add3A_410 : vector<16xf32> to vector<1x1x16xf32>
        tpu.vector_store %arg14[%swap3A_412, %swap3A_413, %swap3A_414], %swap3A_417 {strides = array<i32>} : memref<2x16x1024xf32, #tpu.memory_space<vmem>>, vector<1x1x16xf32>,
        %mul3A_418 = arith.constant 4 : i32
        %mul3A_419 = arith.muli %scan3A_312, %mul3A_418 : i32
        %add3A_420 = arith.constant 3 : i32
        %add3A_421 = arith.addi %mul3A_419, %add3A_420 : i32
        %mul3A_422 = arith.constant 16 : i32
        %mul3A_423 = arith.muli %add3A_421, %mul3A_422 : i32
        %get3A_424 = arith.constant 1 : i32
        %get3A_425 = arith.index_cast %get3A_424 : i32 to index
        %get3A_426 = arith.index_cast %scan3A_296 : i32 to index
        %get3A_427 = arith.index_cast %mul3A_423 : i32 to index
        %get3A_428 = tpu.vector_load %arg12[%get3A_425, %get3A_426, %get3A_427] {strides = array<i32>} : memref<2x16x1024xf32, #tpu.memory_space<vmem>>, vector<1x1x16xf32>,
        %get3A_429 = vector.shape_cast %get3A_428 : vector<1x1x16xf32> to vector<16xf32>
        %get3A_430 = arith.constant 1 : i32
        %get3A_431 = arith.index_cast %get3A_430 : i32 to index
        %get3A_432 = arith.index_cast %scan3A_296 : i32 to index
        %get3A_433 = arith.index_cast %mul3A_423 : i32 to index
        %get3A_434 = tpu.vector_load %arg13[%get3A_431, %get3A_432, %get3A_433] {strides = array<i32>} : memref<2x16x1024xf32, #tpu.memory_space<vmem>>, vector<1x1x16xf32>,
        %get3A_435 = vector.shape_cast %get3A_434 : vector<1x1x16xf32> to vector<16xf32>
        %gt3A_436 = arith.constant 0.000000e+00 : f32
        %gt3A_437 = vector.broadcast %gt3A_436 : f32 to vector<16xf32>
        %gt3A_438 = arith.cmpf ogt, %get3A_301, %gt3A_437 : vector<16xf32>
        %mul3A_439 = arith.mulf %get3A_429, %get3A_301 : vector<16xf32>
        %select_n3A_440 = arith.select %gt3A_438, %mul3A_439, %broadcast_in_dim3A_306 : vector<16xi1>, vector<16xf32>
        %gt3A_441 = arith.constant 0.000000e+00 : f32
        %gt3A_442 = vector.broadcast %gt3A_441 : f32 to vector<16xf32>
        %gt3A_443 = arith.cmpf ogt, %get3A_305, %gt3A_442 : vector<16xf32>
        %mul3A_444 = arith.mulf %get3A_435, %get3A_305 : vector<16xf32>
        %select_n3A_445 = arith.select %gt3A_443, %mul3A_444, %broadcast_in_dim3A_306 : vector<16xi1>, vector<16xf32>
        %add3A_446 = arith.addf %select_n3A_440, %select_n3A_445 : vector<16xf32>
        %swap3A_447 = arith.constant 1 : i32
        %swap3A_448 = arith.index_cast %swap3A_447 : i32 to index
        %swap3A_449 = arith.index_cast %scan3A_296 : i32 to index
        %swap3A_450 = arith.index_cast %mul3A_423 : i32 to index
        %swap3A_451 = tpu.vector_load %arg14[%swap3A_448, %swap3A_449, %swap3A_450] {strides = array<i32>} : memref<2x16x1024xf32, #tpu.memory_space<vmem>>, vector<1x1x16xf32>,
        %swap3A_452 = vector.shape_cast %swap3A_451 : vector<1x1x16xf32> to vector<16xf32>
        %swap3A_453 = vector.shape_cast %add3A_446 : vector<16xf32> to vector<1x1x16xf32>
        tpu.vector_store %arg14[%swap3A_448, %swap3A_449, %swap3A_450], %swap3A_453 {strides = array<i32>} : memref<2x16x1024xf32, #tpu.memory_space<vmem>>, vector<1x1x16xf32>,
      }
      %scan3A_311 = arith.constant 16 : i32
    }
    %scan3A_126 = arith.constant 16 : i32
    %add3A_127 = arith.constant 16 : i32
    %add3A_128 = arith.addi %mul3A_2, %add3A_127 : i32
    %dma_start3A_129 = arith.constant 1 : i32
    %dma_start3A_130 = arith.constant 0 : i32
    %dma_start3A_131 = arith.constant 0 : i32
    %dma_start3A_132 = tpu.memref_slice %arg14[%dma_start3A_129, %dma_start3A_130, %dma_start3A_131] : memref<2x16x1024xf32, #tpu.memory_space<vmem>> -> memref<1x16x1024xf32, #tpu.memory_space<vmem>>
    %dma_start3A_133 = tpu.memref_squeeze %dma_start3A_132 : memref<1x16x1024xf32, #tpu.memory_space<vmem>> -> memref<16x1024xf32, #tpu.memory_space<vmem>>
    %dma_start3A_134 = arith.constant 0 : i32
    %dma_start3A_135 = tpu.memref_slice %arg7[%add3A_128, %dma_start3A_134] : memref<2048x1024xf32, #tpu.memory_space<hbm>> -> memref<16x1024xf32, #tpu.memory_space<hbm>>
    %dma_start3A_136 = arith.constant 0 : i32
    %dma_start3A_137 = tpu.memref_slice %arg7[%add3A_128, %dma_start3A_136] : memref<2048x1024xf32, #tpu.memory_space<hbm>> -> memref<16x1024xf32, #tpu.memory_space<hbm>>
    %dma_start3A_138 = arith.constant 0 : i32
    %dma_start3A_139 = arith.constant 0 : i32
    %dma_start3A_140 = tpu.memref_slice %arg14[%dma_start3A_129, %dma_start3A_138, %dma_start3A_139] : memref<2x16x1024xf32, #tpu.memory_space<vmem>> -> memref<1x16x1024xf32, #tpu.memory_space<vmem>>
    %dma_start3A_141 = tpu.memref_squeeze %dma_start3A_140 : memref<1x16x1024xf32, #tpu.memory_space<vmem>> -> memref<16x1024xf32, #tpu.memory_space<vmem>>
    tpu.enqueue_dma source(%dma_start3A_141 : memref<16x1024xf32, #tpu.memory_space<vmem>>) target(%dma_start3A_137 : memref<16x1024xf32, #tpu.memory_space<hbm>>) target_semaphore(%arg20 : memref<!tpu.dma_semaphore, #tpu.memory_space<semaphore_mem>>)
    %dma_start3A_142 = arith.constant 1 : i32
    %dma_start3A_143 = arith.constant 0 : i32
    %dma_start3A_144 = arith.constant 0 : i32
    %dma_start3A_145 = tpu.memref_slice %arg12[%dma_start3A_142, %dma_start3A_143, %dma_start3A_144] : memref<2x16x1024xf32, #tpu.memory_space<vmem>> -> memref<1x16x1024xf32, #tpu.memory_space<vmem>>
    %dma_start3A_146 = tpu.memref_squeeze %dma_start3A_145 : memref<1x16x1024xf32, #tpu.memory_space<vmem>> -> memref<16x1024xf32, #tpu.memory_space<vmem>>
    %dma_start3A_147 = arith.constant 48 : i32
    %dma_start3A_148 = tpu.memref_slice %arg8[%dma_start3A_147] : memref<64xi32, #tpu.memory_space<vmem>> -> memref<16xi32, #tpu.memory_space<vmem>>
    %dma_start3A_149 = arith.constant 0 : i32
    %dma_start3A_150 = arith.constant 0 : i32
    %dma_start3A_151 = tpu.memref_slice %arg2[%dma_start3A_149, %dma_start3A_150] : memref<4104x1024xf32, #tpu.memory_space<hbm>> -> memref<4104x1024xf32, #tpu.memory_space<hbm>>
    tpu.enqueue_indirect_dma source(%dma_start3A_151 : memref<4104x1024xf32, #tpu.memory_space<hbm>>) target(%dma_start3A_146 : memref<16x1024xf32, #tpu.memory_space<vmem>>) offsets(%dma_start3A_148 : memref<16xi32, #tpu.memory_space<vmem>>) semaphore(%arg16 : memref<!tpu.dma_semaphore, #tpu.memory_space<semaphore_mem>>)
    %dma_start3A_152 = arith.constant 1 : i32
    %dma_start3A_153 = arith.constant 0 : i32
    %dma_start3A_154 = arith.constant 0 : i32
    %dma_start3A_155 = tpu.memref_slice %arg13[%dma_start3A_152, %dma_start3A_153, %dma_start3A_154] : memref<2x16x1024xf32, #tpu.memory_space<vmem>> -> memref<1x16x1024xf32, #tpu.memory_space<vmem>>
    %dma_start3A_156 = tpu.memref_squeeze %dma_start3A_155 : memref<1x16x1024xf32, #tpu.memory_space<vmem>> -> memref<16x1024xf32, #tpu.memory_space<vmem>>
    %dma_start3A_157 = arith.constant 48 : i32
    %dma_start3A_158 = tpu.memref_slice %arg9[%dma_start3A_157] : memref<64xi32, #tpu.memory_space<vmem>> -> memref<16xi32, #tpu.memory_space<vmem>>
    %dma_start3A_159 = arith.constant 0 : i32
    %dma_start3A_160 = arith.constant 0 : i32
    %dma_start3A_161 = tpu.memref_slice %arg2[%dma_start3A_159, %dma_start3A_160] : memref<4104x1024xf32, #tpu.memory_space<hbm>> -> memref<4104x1024xf32, #tpu.memory_space<hbm>>
    tpu.enqueue_indirect_dma source(%dma_start3A_161 : memref<4104x1024xf32, #tpu.memory_space<hbm>>) target(%dma_start3A_156 : memref<16x1024xf32, #tpu.memory_space<vmem>>) offsets(%dma_start3A_158 : memref<16xi32, #tpu.memory_space<vmem>>) semaphore(%arg18 : memref<!tpu.dma_semaphore, #tpu.memory_space<semaphore_mem>>)
    %dma_wait3A_162 = arith.constant 0 : i32
    %dma_wait3A_163 = arith.constant 0 : i32
    %dma_wait3A_164 = arith.constant 0 : i32
    %dma_wait3A_165 = tpu.memref_slice %arg12[%dma_wait3A_162, %dma_wait3A_163, %dma_wait3A_164] : memref<2x16x1024xf32, #tpu.memory_space<vmem>> -> memref<1x16x1024xf32, #tpu.memory_space<vmem>>
    %dma_wait3A_166 = tpu.memref_squeeze %dma_wait3A_165 : memref<1x16x1024xf32, #tpu.memory_space<vmem>> -> memref<16x1024xf32, #tpu.memory_space<vmem>>
    %dma_wait3A_167 = arith.constant 32 : i32
    %dma_wait3A_168 = tpu.memref_slice %arg8[%dma_wait3A_167] : memref<64xi32, #tpu.memory_space<vmem>> -> memref<16xi32, #tpu.memory_space<vmem>>
    %dma_wait3A_169 = arith.constant 0 : i32
    %dma_wait3A_170 = arith.constant 0 : i32
    %dma_wait3A_171 = tpu.memref_slice %arg2[%dma_wait3A_169, %dma_wait3A_170] : memref<4104x1024xf32, #tpu.memory_space<hbm>> -> memref<4104x1024xf32, #tpu.memory_space<hbm>>
    tpu.wait_indirect_dma semaphore(%arg15 : memref<!tpu.dma_semaphore, #tpu.memory_space<semaphore_mem>>) src(%dma_wait3A_171 : memref<4104x1024xf32, #tpu.memory_space<hbm>>) dst(%dma_wait3A_166 : memref<16x1024xf32, #tpu.memory_space<vmem>>)
    %dma_wait3A_172 = arith.constant 0 : i32
    %dma_wait3A_173 = arith.constant 0 : i32
    %dma_wait3A_174 = arith.constant 0 : i32
    %dma_wait3A_175 = tpu.memref_slice %arg13[%dma_wait3A_172, %dma_wait3A_173, %dma_wait3A_174] : memref<2x16x1024xf32, #tpu.memory_space<vmem>> -> memref<1x16x1024xf32, #tpu.memory_space<vmem>>
    %dma_wait3A_176 = tpu.memref_squeeze %dma_wait3A_175 : memref<1x16x1024xf32, #tpu.memory_space<vmem>> -> memref<16x1024xf32, #tpu.memory_space<vmem>>
    %dma_wait3A_177 = arith.constant 32 : i32
    %dma_wait3A_178 = tpu.memref_slice %arg9[%dma_wait3A_177] : memref<64xi32, #tpu.memory_space<vmem>> -> memref<16xi32, #tpu.memory_space<vmem>>
    %dma_wait3A_179 = arith.constant 0 : i32
    %dma_wait3A_180 = arith.constant 0 : i32
    %dma_wait3A_181 = tpu.memref_slice %arg2[%dma_wait3A_179, %dma_wait3A_180] : memref<4104x1024xf32, #tpu.memory_space<hbm>> -> memref<4104x1024xf32, #tpu.memory_space<hbm>>
    tpu.wait_indirect_dma semaphore(%arg17 : memref<!tpu.dma_semaphore, #tpu.memory_space<semaphore_mem>>) src(%dma_wait3A_181 : memref<4104x1024xf32, #tpu.memory_space<hbm>>) dst(%dma_wait3A_176 : memref<16x1024xf32, #tpu.memory_space<vmem>>)
    %dma_wait3A_182 = arith.constant 0 : i32
    %dma_wait3A_183 = arith.constant 0 : i32
    %dma_wait3A_184 = arith.constant 0 : i32
    %dma_wait3A_185 = tpu.memref_slice %arg14[%dma_wait3A_182, %dma_wait3A_183, %dma_wait3A_184] : memref<2x16x1024xf32, #tpu.memory_space<vmem>> -> memref<1x16x1024xf32, #tpu.memory_space<vmem>>
    %dma_wait3A_186 = tpu.memref_squeeze %dma_wait3A_185 : memref<1x16x1024xf32, #tpu.memory_space<vmem>> -> memref<16x1024xf32, #tpu.memory_space<vmem>>
    %dma_wait3A_187 = arith.constant 0 : i32
    %dma_wait3A_188 = tpu.memref_slice %arg7[%add3A_67, %dma_wait3A_187] : memref<2048x1024xf32, #tpu.memory_space<hbm>> -> memref<16x1024xf32, #tpu.memory_space<hbm>>
    %dma_wait3A_189 = arith.constant 0 : i32
    %dma_wait3A_190 = tpu.memref_slice %arg7[%add3A_67, %dma_wait3A_189] : memref<2048x1024xf32, #tpu.memory_space<hbm>> -> memref<16x1024xf32, #tpu.memory_space<hbm>>
    %dma_wait3A_191 = arith.constant 0 : i32
    %dma_wait3A_192 = arith.constant 0 : i32
    %dma_wait3A_193 = tpu.memref_slice %arg14[%dma_wait3A_182, %dma_wait3A_191, %dma_wait3A_192] : memref<2x16x1024xf32, #tpu.memory_space<vmem>> -> memref<1x16x1024xf32, #tpu.memory_space<vmem>>
    %dma_wait3A_194 = tpu.memref_squeeze %dma_wait3A_193 : memref<1x16x1024xf32, #tpu.memory_space<vmem>> -> memref<16x1024xf32, #tpu.memory_space<vmem>>
    tpu.wait_dma2 semaphore(%arg19 : memref<!tpu.dma_semaphore, #tpu.memory_space<semaphore_mem>>) src(%dma_wait3A_194 : memref<16x1024xf32, #tpu.memory_space<vmem>>) dst(%dma_wait3A_190 : memref<16x1024xf32, #tpu.memory_space<hbm>>)
    %scan3A_195 = arith.constant 0 : i32
    %scan3A_196 = arith.constant 0 : i32
    %scan3A_197 = arith.constant 16 : i32
    %scan3A_198 = arith.addi %scan3A_196, %scan3A_197 : i32
    %scan3A_199 = arith.constant 1 : i32
    scf.for %scan3A_296 = %scan3A_196 to %scan3A_198 step %scan3A_199  : i32 {
      %add3A_297 = arith.constant 32 : i32
      %add3A_298 = arith.addi %add3A_297, %scan3A_296 : i32
      %get3A = arith.index_cast %add3A_298 : i32 to index
      %get3A_299 = arith.constant 0 : index
      %get3A_300 = tpu.vector_load %arg10[%get3A, %get3A_299] {strides = array<i32>} : memref<64x16xf32, #tpu.memory_space<vmem>>, vector<1x16xf32>,
      %get3A_301 = vector.shape_cast %get3A_300 : vector<1x16xf32> to vector<16xf32>
      %get3A_302 = arith.index_cast %add3A_298 : i32 to index
      %get3A_303 = arith.constant 0 : index
      %get3A_304 = tpu.vector_load %arg11[%get3A_302, %get3A_303] {strides = array<i32>} : memref<64x16xf32, #tpu.memory_space<vmem>>, vector<1x16xf32>,
      %get3A_305 = vector.shape_cast %get3A_304 : vector<1x16xf32> to vector<16xf32>
      %broadcast_in_dim3A = arith.constant 0.000000e+00 : f32
      %broadcast_in_dim3A_306 = vector.broadcast %broadcast_in_dim3A : f32 to vector<16xf32>
      %scan3A_307 = arith.constant 0 : i32
      %scan3A_308 = arith.constant 16 : i32
      %scan3A_309 = arith.addi %scan3A_307, %scan3A_308 : i32
      %scan3A_310 = arith.constant 1 : i32
      scf.for %scan3A_312 = %scan3A_307 to %scan3A_309 step %scan3A_310  : i32 {
        %mul3A_313 = arith.constant 4 : i32
        %mul3A_314 = arith.muli %scan3A_312, %mul3A_313 : i32
        %add3A_315 = arith.constant 0 : i32
        %add3A_316 = arith.addi %mul3A_314, %add3A_315 : i32
        %mul3A_317 = arith.constant 16 : i32
        %mul3A_318 = arith.muli %add3A_316, %mul3A_317 : i32
        %get3A_319 = arith.constant 0 : i32
        %get3A_320 = arith.index_cast %get3A_319 : i32 to index
        %get3A_321 = arith.index_cast %scan3A_296 : i32 to index
        %get3A_322 = arith.index_cast %mul3A_318 : i32 to index
        %get3A_323 = tpu.vector_load %arg12[%get3A_320, %get3A_321, %get3A_322] {strides = array<i32>} : memref<2x16x1024xf32, #tpu.memory_space<vmem>>, vector<1x1x16xf32>,
        %get3A_324 = vector.shape_cast %get3A_323 : vector<1x1x16xf32> to vector<16xf32>
        %get3A_325 = arith.constant 0 : i32
        %get3A_326 = arith.index_cast %get3A_325 : i32 to index
        %get3A_327 = arith.index_cast %scan3A_296 : i32 to index
        %get3A_328 = arith.index_cast %mul3A_318 : i32 to index
        %get3A_329 = tpu.vector_load %arg13[%get3A_326, %get3A_327, %get3A_328] {strides = array<i32>} : memref<2x16x1024xf32, #tpu.memory_space<vmem>>, vector<1x1x16xf32>,
        %get3A_330 = vector.shape_cast %get3A_329 : vector<1x1x16xf32> to vector<16xf32>
        %gt3A = arith.constant 0.000000e+00 : f32
        %gt3A_331 = vector.broadcast %gt3A : f32 to vector<16xf32>
        %gt3A_332 = arith.cmpf ogt, %get3A_301, %gt3A_331 : vector<16xf32>
        %mul3A_333 = arith.mulf %get3A_324, %get3A_301 : vector<16xf32>
        %select_n3A = arith.select %gt3A_332, %mul3A_333, %broadcast_in_dim3A_306 : vector<16xi1>, vector<16xf32>
        %gt3A_334 = arith.constant 0.000000e+00 : f32
        %gt3A_335 = vector.broadcast %gt3A_334 : f32 to vector<16xf32>
        %gt3A_336 = arith.cmpf ogt, %get3A_305, %gt3A_335 : vector<16xf32>
        %mul3A_337 = arith.mulf %get3A_330, %get3A_305 : vector<16xf32>
        %select_n3A_338 = arith.select %gt3A_336, %mul3A_337, %broadcast_in_dim3A_306 : vector<16xi1>, vector<16xf32>
        %add3A_339 = arith.addf %select_n3A, %select_n3A_338 : vector<16xf32>
        %swap3A = arith.constant 0 : i32
        %swap3A_340 = arith.index_cast %swap3A : i32 to index
        %swap3A_341 = arith.index_cast %scan3A_296 : i32 to index
        %swap3A_342 = arith.index_cast %mul3A_318 : i32 to index
        %swap3A_343 = tpu.vector_load %arg14[%swap3A_340, %swap3A_341, %swap3A_342] {strides = array<i32>} : memref<2x16x1024xf32, #tpu.memory_space<vmem>>, vector<1x1x16xf32>,
        %swap3A_344 = vector.shape_cast %swap3A_343 : vector<1x1x16xf32> to vector<16xf32>
        %swap3A_345 = vector.shape_cast %add3A_339 : vector<16xf32> to vector<1x1x16xf32>
        tpu.vector_store %arg14[%swap3A_340, %swap3A_341, %swap3A_342], %swap3A_345 {strides = array<i32>} : memref<2x16x1024xf32, #tpu.memory_space<vmem>>, vector<1x1x16xf32>,
        %mul3A_346 = arith.constant 4 : i32
        %mul3A_347 = arith.muli %scan3A_312, %mul3A_346 : i32
        %add3A_348 = arith.constant 1 : i32
        %add3A_349 = arith.addi %mul3A_347, %add3A_348 : i32
        %mul3A_350 = arith.constant 16 : i32
        %mul3A_351 = arith.muli %add3A_349, %mul3A_350 : i32
        %get3A_352 = arith.constant 0 : i32
        %get3A_353 = arith.index_cast %get3A_352 : i32 to index
        %get3A_354 = arith.index_cast %scan3A_296 : i32 to index
        %get3A_355 = arith.index_cast %mul3A_351 : i32 to index
        %get3A_356 = tpu.vector_load %arg12[%get3A_353, %get3A_354, %get3A_355] {strides = array<i32>} : memref<2x16x1024xf32, #tpu.memory_space<vmem>>, vector<1x1x16xf32>,
        %get3A_357 = vector.shape_cast %get3A_356 : vector<1x1x16xf32> to vector<16xf32>
        %get3A_358 = arith.constant 0 : i32
        %get3A_359 = arith.index_cast %get3A_358 : i32 to index
        %get3A_360 = arith.index_cast %scan3A_296 : i32 to index
        %get3A_361 = arith.index_cast %mul3A_351 : i32 to index
        %get3A_362 = tpu.vector_load %arg13[%get3A_359, %get3A_360, %get3A_361] {strides = array<i32>} : memref<2x16x1024xf32, #tpu.memory_space<vmem>>, vector<1x1x16xf32>,
        %get3A_363 = vector.shape_cast %get3A_362 : vector<1x1x16xf32> to vector<16xf32>
        %gt3A_364 = arith.constant 0.000000e+00 : f32
        %gt3A_365 = vector.broadcast %gt3A_364 : f32 to vector<16xf32>
        %gt3A_366 = arith.cmpf ogt, %get3A_301, %gt3A_365 : vector<16xf32>
        %mul3A_367 = arith.mulf %get3A_357, %get3A_301 : vector<16xf32>
        %select_n3A_368 = arith.select %gt3A_366, %mul3A_367, %broadcast_in_dim3A_306 : vector<16xi1>, vector<16xf32>
        %gt3A_369 = arith.constant 0.000000e+00 : f32
        %gt3A_370 = vector.broadcast %gt3A_369 : f32 to vector<16xf32>
        %gt3A_371 = arith.cmpf ogt, %get3A_305, %gt3A_370 : vector<16xf32>
        %mul3A_372 = arith.mulf %get3A_363, %get3A_305 : vector<16xf32>
        %select_n3A_373 = arith.select %gt3A_371, %mul3A_372, %broadcast_in_dim3A_306 : vector<16xi1>, vector<16xf32>
        %add3A_374 = arith.addf %select_n3A_368, %select_n3A_373 : vector<16xf32>
        %swap3A_375 = arith.constant 0 : i32
        %swap3A_376 = arith.index_cast %swap3A_375 : i32 to index
        %swap3A_377 = arith.index_cast %scan3A_296 : i32 to index
        %swap3A_378 = arith.index_cast %mul3A_351 : i32 to index
        %swap3A_379 = tpu.vector_load %arg14[%swap3A_376, %swap3A_377, %swap3A_378] {strides = array<i32>} : memref<2x16x1024xf32, #tpu.memory_space<vmem>>, vector<1x1x16xf32>,
        %swap3A_380 = vector.shape_cast %swap3A_379 : vector<1x1x16xf32> to vector<16xf32>
        %swap3A_381 = vector.shape_cast %add3A_374 : vector<16xf32> to vector<1x1x16xf32>
        tpu.vector_store %arg14[%swap3A_376, %swap3A_377, %swap3A_378], %swap3A_381 {strides = array<i32>} : memref<2x16x1024xf32, #tpu.memory_space<vmem>>, vector<1x1x16xf32>,
        %mul3A_382 = arith.constant 4 : i32
        %mul3A_383 = arith.muli %scan3A_312, %mul3A_382 : i32
        %add3A_384 = arith.constant 2 : i32
        %add3A_385 = arith.addi %mul3A_383, %add3A_384 : i32
        %mul3A_386 = arith.constant 16 : i32
        %mul3A_387 = arith.muli %add3A_385, %mul3A_386 : i32
        %get3A_388 = arith.constant 0 : i32
        %get3A_389 = arith.index_cast %get3A_388 : i32 to index
        %get3A_390 = arith.index_cast %scan3A_296 : i32 to index
        %get3A_391 = arith.index_cast %mul3A_387 : i32 to index
        %get3A_392 = tpu.vector_load %arg12[%get3A_389, %get3A_390, %get3A_391] {strides = array<i32>} : memref<2x16x1024xf32, #tpu.memory_space<vmem>>, vector<1x1x16xf32>,
        %get3A_393 = vector.shape_cast %get3A_392 : vector<1x1x16xf32> to vector<16xf32>
        %get3A_394 = arith.constant 0 : i32
        %get3A_395 = arith.index_cast %get3A_394 : i32 to index
        %get3A_396 = arith.index_cast %scan3A_296 : i32 to index
        %get3A_397 = arith.index_cast %mul3A_387 : i32 to index
        %get3A_398 = tpu.vector_load %arg13[%get3A_395, %get3A_396, %get3A_397] {strides = array<i32>} : memref<2x16x1024xf32, #tpu.memory_space<vmem>>, vector<1x1x16xf32>,
        %get3A_399 = vector.shape_cast %get3A_398 : vector<1x1x16xf32> to vector<16xf32>
        %gt3A_400 = arith.constant 0.000000e+00 : f32
        %gt3A_401 = vector.broadcast %gt3A_400 : f32 to vector<16xf32>
        %gt3A_402 = arith.cmpf ogt, %get3A_301, %gt3A_401 : vector<16xf32>
        %mul3A_403 = arith.mulf %get3A_393, %get3A_301 : vector<16xf32>
        %select_n3A_404 = arith.select %gt3A_402, %mul3A_403, %broadcast_in_dim3A_306 : vector<16xi1>, vector<16xf32>
        %gt3A_405 = arith.constant 0.000000e+00 : f32
        %gt3A_406 = vector.broadcast %gt3A_405 : f32 to vector<16xf32>
        %gt3A_407 = arith.cmpf ogt, %get3A_305, %gt3A_406 : vector<16xf32>
        %mul3A_408 = arith.mulf %get3A_399, %get3A_305 : vector<16xf32>
        %select_n3A_409 = arith.select %gt3A_407, %mul3A_408, %broadcast_in_dim3A_306 : vector<16xi1>, vector<16xf32>
        %add3A_410 = arith.addf %select_n3A_404, %select_n3A_409 : vector<16xf32>
        %swap3A_411 = arith.constant 0 : i32
        %swap3A_412 = arith.index_cast %swap3A_411 : i32 to index
        %swap3A_413 = arith.index_cast %scan3A_296 : i32 to index
        %swap3A_414 = arith.index_cast %mul3A_387 : i32 to index
        %swap3A_415 = tpu.vector_load %arg14[%swap3A_412, %swap3A_413, %swap3A_414] {strides = array<i32>} : memref<2x16x1024xf32, #tpu.memory_space<vmem>>, vector<1x1x16xf32>,
        %swap3A_416 = vector.shape_cast %swap3A_415 : vector<1x1x16xf32> to vector<16xf32>
        %swap3A_417 = vector.shape_cast %add3A_410 : vector<16xf32> to vector<1x1x16xf32>
        tpu.vector_store %arg14[%swap3A_412, %swap3A_413, %swap3A_414], %swap3A_417 {strides = array<i32>} : memref<2x16x1024xf32, #tpu.memory_space<vmem>>, vector<1x1x16xf32>,
        %mul3A_418 = arith.constant 4 : i32
        %mul3A_419 = arith.muli %scan3A_312, %mul3A_418 : i32
        %add3A_420 = arith.constant 3 : i32
        %add3A_421 = arith.addi %mul3A_419, %add3A_420 : i32
        %mul3A_422 = arith.constant 16 : i32
        %mul3A_423 = arith.muli %add3A_421, %mul3A_422 : i32
        %get3A_424 = arith.constant 0 : i32
        %get3A_425 = arith.index_cast %get3A_424 : i32 to index
        %get3A_426 = arith.index_cast %scan3A_296 : i32 to index
        %get3A_427 = arith.index_cast %mul3A_423 : i32 to index
        %get3A_428 = tpu.vector_load %arg12[%get3A_425, %get3A_426, %get3A_427] {strides = array<i32>} : memref<2x16x1024xf32, #tpu.memory_space<vmem>>, vector<1x1x16xf32>,
        %get3A_429 = vector.shape_cast %get3A_428 : vector<1x1x16xf32> to vector<16xf32>
        %get3A_430 = arith.constant 0 : i32
        %get3A_431 = arith.index_cast %get3A_430 : i32 to index
        %get3A_432 = arith.index_cast %scan3A_296 : i32 to index
        %get3A_433 = arith.index_cast %mul3A_423 : i32 to index
        %get3A_434 = tpu.vector_load %arg13[%get3A_431, %get3A_432, %get3A_433] {strides = array<i32>} : memref<2x16x1024xf32, #tpu.memory_space<vmem>>, vector<1x1x16xf32>,
        %get3A_435 = vector.shape_cast %get3A_434 : vector<1x1x16xf32> to vector<16xf32>
        %gt3A_436 = arith.constant 0.000000e+00 : f32
        %gt3A_437 = vector.broadcast %gt3A_436 : f32 to vector<16xf32>
        %gt3A_438 = arith.cmpf ogt, %get3A_301, %gt3A_437 : vector<16xf32>
        %mul3A_439 = arith.mulf %get3A_429, %get3A_301 : vector<16xf32>
        %select_n3A_440 = arith.select %gt3A_438, %mul3A_439, %broadcast_in_dim3A_306 : vector<16xi1>, vector<16xf32>
        %gt3A_441 = arith.constant 0.000000e+00 : f32
        %gt3A_442 = vector.broadcast %gt3A_441 : f32 to vector<16xf32>
        %gt3A_443 = arith.cmpf ogt, %get3A_305, %gt3A_442 : vector<16xf32>
        %mul3A_444 = arith.mulf %get3A_435, %get3A_305 : vector<16xf32>
        %select_n3A_445 = arith.select %gt3A_443, %mul3A_444, %broadcast_in_dim3A_306 : vector<16xi1>, vector<16xf32>
        %add3A_446 = arith.addf %select_n3A_440, %select_n3A_445 : vector<16xf32>
        %swap3A_447 = arith.constant 0 : i32
        %swap3A_448 = arith.index_cast %swap3A_447 : i32 to index
        %swap3A_449 = arith.index_cast %scan3A_296 : i32 to index
        %swap3A_450 = arith.index_cast %mul3A_423 : i32 to index
        %swap3A_451 = tpu.vector_load %arg14[%swap3A_448, %swap3A_449, %swap3A_450] {strides = array<i32>} : memref<2x16x1024xf32, #tpu.memory_space<vmem>>, vector<1x1x16xf32>,
        %swap3A_452 = vector.shape_cast %swap3A_451 : vector<1x1x16xf32> to vector<16xf32>
        %swap3A_453 = vector.shape_cast %add3A_446 : vector<16xf32> to vector<1x1x16xf32>
        tpu.vector_store %arg14[%swap3A_448, %swap3A_449, %swap3A_450], %swap3A_453 {strides = array<i32>} : memref<2x16x1024xf32, #tpu.memory_space<vmem>>, vector<1x1x16xf32>,
      }
      %scan3A_311 = arith.constant 16 : i32
    }
    %scan3A_200 = arith.constant 16 : i32
    %add3A_201 = arith.constant 32 : i32
    %add3A_202 = arith.addi %mul3A_2, %add3A_201 : i32
    %dma_start3A_203 = arith.constant 0 : i32
    %dma_start3A_204 = arith.constant 0 : i32
    %dma_start3A_205 = arith.constant 0 : i32
    %dma_start3A_206 = tpu.memref_slice %arg14[%dma_start3A_203, %dma_start3A_204, %dma_start3A_205] : memref<2x16x1024xf32, #tpu.memory_space<vmem>> -> memref<1x16x1024xf32, #tpu.memory_space<vmem>>
    %dma_start3A_207 = tpu.memref_squeeze %dma_start3A_206 : memref<1x16x1024xf32, #tpu.memory_space<vmem>> -> memref<16x1024xf32, #tpu.memory_space<vmem>>
    %dma_start3A_208 = arith.constant 0 : i32
    %dma_start3A_209 = tpu.memref_slice %arg7[%add3A_202, %dma_start3A_208] : memref<2048x1024xf32, #tpu.memory_space<hbm>> -> memref<16x1024xf32, #tpu.memory_space<hbm>>
    %dma_start3A_210 = arith.constant 0 : i32
    %dma_start3A_211 = tpu.memref_slice %arg7[%add3A_202, %dma_start3A_210] : memref<2048x1024xf32, #tpu.memory_space<hbm>> -> memref<16x1024xf32, #tpu.memory_space<hbm>>
    %dma_start3A_212 = arith.constant 0 : i32
    %dma_start3A_213 = arith.constant 0 : i32
    %dma_start3A_214 = tpu.memref_slice %arg14[%dma_start3A_203, %dma_start3A_212, %dma_start3A_213] : memref<2x16x1024xf32, #tpu.memory_space<vmem>> -> memref<1x16x1024xf32, #tpu.memory_space<vmem>>
    %dma_start3A_215 = tpu.memref_squeeze %dma_start3A_214 : memref<1x16x1024xf32, #tpu.memory_space<vmem>> -> memref<16x1024xf32, #tpu.memory_space<vmem>>
    tpu.enqueue_dma source(%dma_start3A_215 : memref<16x1024xf32, #tpu.memory_space<vmem>>) target(%dma_start3A_211 : memref<16x1024xf32, #tpu.memory_space<hbm>>) target_semaphore(%arg19 : memref<!tpu.dma_semaphore, #tpu.memory_space<semaphore_mem>>)
    %dma_wait3A_216 = arith.constant 1 : i32
    %dma_wait3A_217 = arith.constant 0 : i32
    %dma_wait3A_218 = arith.constant 0 : i32
    %dma_wait3A_219 = tpu.memref_slice %arg12[%dma_wait3A_216, %dma_wait3A_217, %dma_wait3A_218] : memref<2x16x1024xf32, #tpu.memory_space<vmem>> -> memref<1x16x1024xf32, #tpu.memory_space<vmem>>
    %dma_wait3A_220 = tpu.memref_squeeze %dma_wait3A_219 : memref<1x16x1024xf32, #tpu.memory_space<vmem>> -> memref<16x1024xf32, #tpu.memory_space<vmem>>
    %dma_wait3A_221 = arith.constant 48 : i32
    %dma_wait3A_222 = tpu.memref_slice %arg8[%dma_wait3A_221] : memref<64xi32, #tpu.memory_space<vmem>> -> memref<16xi32, #tpu.memory_space<vmem>>
    %dma_wait3A_223 = arith.constant 0 : i32
    %dma_wait3A_224 = arith.constant 0 : i32
    %dma_wait3A_225 = tpu.memref_slice %arg2[%dma_wait3A_223, %dma_wait3A_224] : memref<4104x1024xf32, #tpu.memory_space<hbm>> -> memref<4104x1024xf32, #tpu.memory_space<hbm>>
    tpu.wait_indirect_dma semaphore(%arg16 : memref<!tpu.dma_semaphore, #tpu.memory_space<semaphore_mem>>) src(%dma_wait3A_225 : memref<4104x1024xf32, #tpu.memory_space<hbm>>) dst(%dma_wait3A_220 : memref<16x1024xf32, #tpu.memory_space<vmem>>)
    %dma_wait3A_226 = arith.constant 1 : i32
    %dma_wait3A_227 = arith.constant 0 : i32
    %dma_wait3A_228 = arith.constant 0 : i32
    %dma_wait3A_229 = tpu.memref_slice %arg13[%dma_wait3A_226, %dma_wait3A_227, %dma_wait3A_228] : memref<2x16x1024xf32, #tpu.memory_space<vmem>> -> memref<1x16x1024xf32, #tpu.memory_space<vmem>>
    %dma_wait3A_230 = tpu.memref_squeeze %dma_wait3A_229 : memref<1x16x1024xf32, #tpu.memory_space<vmem>> -> memref<16x1024xf32, #tpu.memory_space<vmem>>
    %dma_wait3A_231 = arith.constant 48 : i32
    %dma_wait3A_232 = tpu.memref_slice %arg9[%dma_wait3A_231] : memref<64xi32, #tpu.memory_space<vmem>> -> memref<16xi32, #tpu.memory_space<vmem>>
    %dma_wait3A_233 = arith.constant 0 : i32
    %dma_wait3A_234 = arith.constant 0 : i32
    %dma_wait3A_235 = tpu.memref_slice %arg2[%dma_wait3A_233, %dma_wait3A_234] : memref<4104x1024xf32, #tpu.memory_space<hbm>> -> memref<4104x1024xf32, #tpu.memory_space<hbm>>
    tpu.wait_indirect_dma semaphore(%arg18 : memref<!tpu.dma_semaphore, #tpu.memory_space<semaphore_mem>>) src(%dma_wait3A_235 : memref<4104x1024xf32, #tpu.memory_space<hbm>>) dst(%dma_wait3A_230 : memref<16x1024xf32, #tpu.memory_space<vmem>>)
    %dma_wait3A_236 = arith.constant 1 : i32
    %dma_wait3A_237 = arith.constant 0 : i32
    %dma_wait3A_238 = arith.constant 0 : i32
    %dma_wait3A_239 = tpu.memref_slice %arg14[%dma_wait3A_236, %dma_wait3A_237, %dma_wait3A_238] : memref<2x16x1024xf32, #tpu.memory_space<vmem>> -> memref<1x16x1024xf32, #tpu.memory_space<vmem>>
    %dma_wait3A_240 = tpu.memref_squeeze %dma_wait3A_239 : memref<1x16x1024xf32, #tpu.memory_space<vmem>> -> memref<16x1024xf32, #tpu.memory_space<vmem>>
    %dma_wait3A_241 = arith.constant 0 : i32
    %dma_wait3A_242 = tpu.memref_slice %arg7[%add3A_128, %dma_wait3A_241] : memref<2048x1024xf32, #tpu.memory_space<hbm>> -> memref<16x1024xf32, #tpu.memory_space<hbm>>
    %dma_wait3A_243 = arith.constant 0 : i32
    %dma_wait3A_244 = tpu.memref_slice %arg7[%add3A_128, %dma_wait3A_243] : memref<2048x1024xf32, #tpu.memory_space<hbm>> -> memref<16x1024xf32, #tpu.memory_space<hbm>>
    %dma_wait3A_245 = arith.constant 0 : i32
    %dma_wait3A_246 = arith.constant 0 : i32
    %dma_wait3A_247 = tpu.memref_slice %arg14[%dma_wait3A_236, %dma_wait3A_245, %dma_wait3A_246] : memref<2x16x1024xf32, #tpu.memory_space<vmem>> -> memref<1x16x1024xf32, #tpu.memory_space<vmem>>
    %dma_wait3A_248 = tpu.memref_squeeze %dma_wait3A_247 : memref<1x16x1024xf32, #tpu.memory_space<vmem>> -> memref<16x1024xf32, #tpu.memory_space<vmem>>
    tpu.wait_dma2 semaphore(%arg20 : memref<!tpu.dma_semaphore, #tpu.memory_space<semaphore_mem>>) src(%dma_wait3A_248 : memref<16x1024xf32, #tpu.memory_space<vmem>>) dst(%dma_wait3A_244 : memref<16x1024xf32, #tpu.memory_space<hbm>>)
    %scan3A_249 = arith.constant 0 : i32
    %scan3A_250 = arith.constant 0 : i32
    %scan3A_251 = arith.constant 16 : i32
    %scan3A_252 = arith.addi %scan3A_250, %scan3A_251 : i32
    %scan3A_253 = arith.constant 1 : i32
    scf.for %scan3A_296 = %scan3A_250 to %scan3A_252 step %scan3A_253  : i32 {
      %add3A_297 = arith.constant 48 : i32
      %add3A_298 = arith.addi %add3A_297, %scan3A_296 : i32
      %get3A = arith.index_cast %add3A_298 : i32 to index
      %get3A_299 = arith.constant 0 : index
      %get3A_300 = tpu.vector_load %arg10[%get3A, %get3A_299] {strides = array<i32>} : memref<64x16xf32, #tpu.memory_space<vmem>>, vector<1x16xf32>,
      %get3A_301 = vector.shape_cast %get3A_300 : vector<1x16xf32> to vector<16xf32>
      %get3A_302 = arith.index_cast %add3A_298 : i32 to index
      %get3A_303 = arith.constant 0 : index
      %get3A_304 = tpu.vector_load %arg11[%get3A_302, %get3A_303] {strides = array<i32>} : memref<64x16xf32, #tpu.memory_space<vmem>>, vector<1x16xf32>,
      %get3A_305 = vector.shape_cast %get3A_304 : vector<1x16xf32> to vector<16xf32>
      %broadcast_in_dim3A = arith.constant 0.000000e+00 : f32
      %broadcast_in_dim3A_306 = vector.broadcast %broadcast_in_dim3A : f32 to vector<16xf32>
      %scan3A_307 = arith.constant 0 : i32
      %scan3A_308 = arith.constant 16 : i32
      %scan3A_309 = arith.addi %scan3A_307, %scan3A_308 : i32
      %scan3A_310 = arith.constant 1 : i32
      scf.for %scan3A_312 = %scan3A_307 to %scan3A_309 step %scan3A_310  : i32 {
        %mul3A_313 = arith.constant 4 : i32
        %mul3A_314 = arith.muli %scan3A_312, %mul3A_313 : i32
        %add3A_315 = arith.constant 0 : i32
        %add3A_316 = arith.addi %mul3A_314, %add3A_315 : i32
        %mul3A_317 = arith.constant 16 : i32
        %mul3A_318 = arith.muli %add3A_316, %mul3A_317 : i32
        %get3A_319 = arith.constant 1 : i32
        %get3A_320 = arith.index_cast %get3A_319 : i32 to index
        %get3A_321 = arith.index_cast %scan3A_296 : i32 to index
        %get3A_322 = arith.index_cast %mul3A_318 : i32 to index
        %get3A_323 = tpu.vector_load %arg12[%get3A_320, %get3A_321, %get3A_322] {strides = array<i32>} : memref<2x16x1024xf32, #tpu.memory_space<vmem>>, vector<1x1x16xf32>,
        %get3A_324 = vector.shape_cast %get3A_323 : vector<1x1x16xf32> to vector<16xf32>
        %get3A_325 = arith.constant 1 : i32
        %get3A_326 = arith.index_cast %get3A_325 : i32 to index
        %get3A_327 = arith.index_cast %scan3A_296 : i32 to index
        %get3A_328 = arith.index_cast %mul3A_318 : i32 to index
        %get3A_329 = tpu.vector_load %arg13[%get3A_326, %get3A_327, %get3A_328] {strides = array<i32>} : memref<2x16x1024xf32, #tpu.memory_space<vmem>>, vector<1x1x16xf32>,
        %get3A_330 = vector.shape_cast %get3A_329 : vector<1x1x16xf32> to vector<16xf32>
        %gt3A = arith.constant 0.000000e+00 : f32
        %gt3A_331 = vector.broadcast %gt3A : f32 to vector<16xf32>
        %gt3A_332 = arith.cmpf ogt, %get3A_301, %gt3A_331 : vector<16xf32>
        %mul3A_333 = arith.mulf %get3A_324, %get3A_301 : vector<16xf32>
        %select_n3A = arith.select %gt3A_332, %mul3A_333, %broadcast_in_dim3A_306 : vector<16xi1>, vector<16xf32>
        %gt3A_334 = arith.constant 0.000000e+00 : f32
        %gt3A_335 = vector.broadcast %gt3A_334 : f32 to vector<16xf32>
        %gt3A_336 = arith.cmpf ogt, %get3A_305, %gt3A_335 : vector<16xf32>
        %mul3A_337 = arith.mulf %get3A_330, %get3A_305 : vector<16xf32>
        %select_n3A_338 = arith.select %gt3A_336, %mul3A_337, %broadcast_in_dim3A_306 : vector<16xi1>, vector<16xf32>
        %add3A_339 = arith.addf %select_n3A, %select_n3A_338 : vector<16xf32>
        %swap3A = arith.constant 1 : i32
        %swap3A_340 = arith.index_cast %swap3A : i32 to index
        %swap3A_341 = arith.index_cast %scan3A_296 : i32 to index
        %swap3A_342 = arith.index_cast %mul3A_318 : i32 to index
        %swap3A_343 = tpu.vector_load %arg14[%swap3A_340, %swap3A_341, %swap3A_342] {strides = array<i32>} : memref<2x16x1024xf32, #tpu.memory_space<vmem>>, vector<1x1x16xf32>,
        %swap3A_344 = vector.shape_cast %swap3A_343 : vector<1x1x16xf32> to vector<16xf32>
        %swap3A_345 = vector.shape_cast %add3A_339 : vector<16xf32> to vector<1x1x16xf32>
        tpu.vector_store %arg14[%swap3A_340, %swap3A_341, %swap3A_342], %swap3A_345 {strides = array<i32>} : memref<2x16x1024xf32, #tpu.memory_space<vmem>>, vector<1x1x16xf32>,
        %mul3A_346 = arith.constant 4 : i32
        %mul3A_347 = arith.muli %scan3A_312, %mul3A_346 : i32
        %add3A_348 = arith.constant 1 : i32
        %add3A_349 = arith.addi %mul3A_347, %add3A_348 : i32
        %mul3A_350 = arith.constant 16 : i32
        %mul3A_351 = arith.muli %add3A_349, %mul3A_350 : i32
        %get3A_352 = arith.constant 1 : i32
        %get3A_353 = arith.index_cast %get3A_352 : i32 to index
        %get3A_354 = arith.index_cast %scan3A_296 : i32 to index
        %get3A_355 = arith.index_cast %mul3A_351 : i32 to index
        %get3A_356 = tpu.vector_load %arg12[%get3A_353, %get3A_354, %get3A_355] {strides = array<i32>} : memref<2x16x1024xf32, #tpu.memory_space<vmem>>, vector<1x1x16xf32>,
        %get3A_357 = vector.shape_cast %get3A_356 : vector<1x1x16xf32> to vector<16xf32>
        %get3A_358 = arith.constant 1 : i32
        %get3A_359 = arith.index_cast %get3A_358 : i32 to index
        %get3A_360 = arith.index_cast %scan3A_296 : i32 to index
        %get3A_361 = arith.index_cast %mul3A_351 : i32 to index
        %get3A_362 = tpu.vector_load %arg13[%get3A_359, %get3A_360, %get3A_361] {strides = array<i32>} : memref<2x16x1024xf32, #tpu.memory_space<vmem>>, vector<1x1x16xf32>,
        %get3A_363 = vector.shape_cast %get3A_362 : vector<1x1x16xf32> to vector<16xf32>
        %gt3A_364 = arith.constant 0.000000e+00 : f32
        %gt3A_365 = vector.broadcast %gt3A_364 : f32 to vector<16xf32>
        %gt3A_366 = arith.cmpf ogt, %get3A_301, %gt3A_365 : vector<16xf32>
        %mul3A_367 = arith.mulf %get3A_357, %get3A_301 : vector<16xf32>
        %select_n3A_368 = arith.select %gt3A_366, %mul3A_367, %broadcast_in_dim3A_306 : vector<16xi1>, vector<16xf32>
        %gt3A_369 = arith.constant 0.000000e+00 : f32
        %gt3A_370 = vector.broadcast %gt3A_369 : f32 to vector<16xf32>
        %gt3A_371 = arith.cmpf ogt, %get3A_305, %gt3A_370 : vector<16xf32>
        %mul3A_372 = arith.mulf %get3A_363, %get3A_305 : vector<16xf32>
        %select_n3A_373 = arith.select %gt3A_371, %mul3A_372, %broadcast_in_dim3A_306 : vector<16xi1>, vector<16xf32>
        %add3A_374 = arith.addf %select_n3A_368, %select_n3A_373 : vector<16xf32>
        %swap3A_375 = arith.constant 1 : i32
        %swap3A_376 = arith.index_cast %swap3A_375 : i32 to index
        %swap3A_377 = arith.index_cast %scan3A_296 : i32 to index
        %swap3A_378 = arith.index_cast %mul3A_351 : i32 to index
        %swap3A_379 = tpu.vector_load %arg14[%swap3A_376, %swap3A_377, %swap3A_378] {strides = array<i32>} : memref<2x16x1024xf32, #tpu.memory_space<vmem>>, vector<1x1x16xf32>,
        %swap3A_380 = vector.shape_cast %swap3A_379 : vector<1x1x16xf32> to vector<16xf32>
        %swap3A_381 = vector.shape_cast %add3A_374 : vector<16xf32> to vector<1x1x16xf32>
        tpu.vector_store %arg14[%swap3A_376, %swap3A_377, %swap3A_378], %swap3A_381 {strides = array<i32>} : memref<2x16x1024xf32, #tpu.memory_space<vmem>>, vector<1x1x16xf32>,
        %mul3A_382 = arith.constant 4 : i32
        %mul3A_383 = arith.muli %scan3A_312, %mul3A_382 : i32
        %add3A_384 = arith.constant 2 : i32
        %add3A_385 = arith.addi %mul3A_383, %add3A_384 : i32
        %mul3A_386 = arith.constant 16 : i32
        %mul3A_387 = arith.muli %add3A_385, %mul3A_386 : i32
        %get3A_388 = arith.constant 1 : i32
        %get3A_389 = arith.index_cast %get3A_388 : i32 to index
        %get3A_390 = arith.index_cast %scan3A_296 : i32 to index
        %get3A_391 = arith.index_cast %mul3A_387 : i32 to index
        %get3A_392 = tpu.vector_load %arg12[%get3A_389, %get3A_390, %get3A_391] {strides = array<i32>} : memref<2x16x1024xf32, #tpu.memory_space<vmem>>, vector<1x1x16xf32>,
        %get3A_393 = vector.shape_cast %get3A_392 : vector<1x1x16xf32> to vector<16xf32>
        %get3A_394 = arith.constant 1 : i32
        %get3A_395 = arith.index_cast %get3A_394 : i32 to index
        %get3A_396 = arith.index_cast %scan3A_296 : i32 to index
        %get3A_397 = arith.index_cast %mul3A_387 : i32 to index
        %get3A_398 = tpu.vector_load %arg13[%get3A_395, %get3A_396, %get3A_397] {strides = array<i32>} : memref<2x16x1024xf32, #tpu.memory_space<vmem>>, vector<1x1x16xf32>,
        %get3A_399 = vector.shape_cast %get3A_398 : vector<1x1x16xf32> to vector<16xf32>
        %gt3A_400 = arith.constant 0.000000e+00 : f32
        %gt3A_401 = vector.broadcast %gt3A_400 : f32 to vector<16xf32>
        %gt3A_402 = arith.cmpf ogt, %get3A_301, %gt3A_401 : vector<16xf32>
        %mul3A_403 = arith.mulf %get3A_393, %get3A_301 : vector<16xf32>
        %select_n3A_404 = arith.select %gt3A_402, %mul3A_403, %broadcast_in_dim3A_306 : vector<16xi1>, vector<16xf32>
        %gt3A_405 = arith.constant 0.000000e+00 : f32
        %gt3A_406 = vector.broadcast %gt3A_405 : f32 to vector<16xf32>
        %gt3A_407 = arith.cmpf ogt, %get3A_305, %gt3A_406 : vector<16xf32>
        %mul3A_408 = arith.mulf %get3A_399, %get3A_305 : vector<16xf32>
        %select_n3A_409 = arith.select %gt3A_407, %mul3A_408, %broadcast_in_dim3A_306 : vector<16xi1>, vector<16xf32>
        %add3A_410 = arith.addf %select_n3A_404, %select_n3A_409 : vector<16xf32>
        %swap3A_411 = arith.constant 1 : i32
        %swap3A_412 = arith.index_cast %swap3A_411 : i32 to index
        %swap3A_413 = arith.index_cast %scan3A_296 : i32 to index
        %swap3A_414 = arith.index_cast %mul3A_387 : i32 to index
        %swap3A_415 = tpu.vector_load %arg14[%swap3A_412, %swap3A_413, %swap3A_414] {strides = array<i32>} : memref<2x16x1024xf32, #tpu.memory_space<vmem>>, vector<1x1x16xf32>,
        %swap3A_416 = vector.shape_cast %swap3A_415 : vector<1x1x16xf32> to vector<16xf32>
        %swap3A_417 = vector.shape_cast %add3A_410 : vector<16xf32> to vector<1x1x16xf32>
        tpu.vector_store %arg14[%swap3A_412, %swap3A_413, %swap3A_414], %swap3A_417 {strides = array<i32>} : memref<2x16x1024xf32, #tpu.memory_space<vmem>>, vector<1x1x16xf32>,
        %mul3A_418 = arith.constant 4 : i32
        %mul3A_419 = arith.muli %scan3A_312, %mul3A_418 : i32
        %add3A_420 = arith.constant 3 : i32
        %add3A_421 = arith.addi %mul3A_419, %add3A_420 : i32
        %mul3A_422 = arith.constant 16 : i32
        %mul3A_423 = arith.muli %add3A_421, %mul3A_422 : i32
        %get3A_424 = arith.constant 1 : i32
        %get3A_425 = arith.index_cast %get3A_424 : i32 to index
        %get3A_426 = arith.index_cast %scan3A_296 : i32 to index
        %get3A_427 = arith.index_cast %mul3A_423 : i32 to index
        %get3A_428 = tpu.vector_load %arg12[%get3A_425, %get3A_426, %get3A_427] {strides = array<i32>} : memref<2x16x1024xf32, #tpu.memory_space<vmem>>, vector<1x1x16xf32>,
        %get3A_429 = vector.shape_cast %get3A_428 : vector<1x1x16xf32> to vector<16xf32>
        %get3A_430 = arith.constant 1 : i32
        %get3A_431 = arith.index_cast %get3A_430 : i32 to index
        %get3A_432 = arith.index_cast %scan3A_296 : i32 to index
        %get3A_433 = arith.index_cast %mul3A_423 : i32 to index
        %get3A_434 = tpu.vector_load %arg13[%get3A_431, %get3A_432, %get3A_433] {strides = array<i32>} : memref<2x16x1024xf32, #tpu.memory_space<vmem>>, vector<1x1x16xf32>,
        %get3A_435 = vector.shape_cast %get3A_434 : vector<1x1x16xf32> to vector<16xf32>
        %gt3A_436 = arith.constant 0.000000e+00 : f32
        %gt3A_437 = vector.broadcast %gt3A_436 : f32 to vector<16xf32>
        %gt3A_438 = arith.cmpf ogt, %get3A_301, %gt3A_437 : vector<16xf32>
        %mul3A_439 = arith.mulf %get3A_429, %get3A_301 : vector<16xf32>
        %select_n3A_440 = arith.select %gt3A_438, %mul3A_439, %broadcast_in_dim3A_306 : vector<16xi1>, vector<16xf32>
        %gt3A_441 = arith.constant 0.000000e+00 : f32
        %gt3A_442 = vector.broadcast %gt3A_441 : f32 to vector<16xf32>
        %gt3A_443 = arith.cmpf ogt, %get3A_305, %gt3A_442 : vector<16xf32>
        %mul3A_444 = arith.mulf %get3A_435, %get3A_305 : vector<16xf32>
        %select_n3A_445 = arith.select %gt3A_443, %mul3A_444, %broadcast_in_dim3A_306 : vector<16xi1>, vector<16xf32>
        %add3A_446 = arith.addf %select_n3A_440, %select_n3A_445 : vector<16xf32>
        %swap3A_447 = arith.constant 1 : i32
        %swap3A_448 = arith.index_cast %swap3A_447 : i32 to index
        %swap3A_449 = arith.index_cast %scan3A_296 : i32 to index
        %swap3A_450 = arith.index_cast %mul3A_423 : i32 to index
        %swap3A_451 = tpu.vector_load %arg14[%swap3A_448, %swap3A_449, %swap3A_450] {strides = array<i32>} : memref<2x16x1024xf32, #tpu.memory_space<vmem>>, vector<1x1x16xf32>,
        %swap3A_452 = vector.shape_cast %swap3A_451 : vector<1x1x16xf32> to vector<16xf32>
        %swap3A_453 = vector.shape_cast %add3A_446 : vector<16xf32> to vector<1x1x16xf32>
        tpu.vector_store %arg14[%swap3A_448, %swap3A_449, %swap3A_450], %swap3A_453 {strides = array<i32>} : memref<2x16x1024xf32, #tpu.memory_space<vmem>>, vector<1x1x16xf32>,
      }
      %scan3A_311 = arith.constant 16 : i32
    }
    %scan3A_254 = arith.constant 16 : i32
    %add3A_255 = arith.constant 48 : i32
    %add3A_256 = arith.addi %mul3A_2, %add3A_255 : i32
    %dma_start3A_257 = arith.constant 1 : i32
    %dma_start3A_258 = arith.constant 0 : i32
    %dma_start3A_259 = arith.constant 0 : i32
    %dma_start3A_260 = tpu.memref_slice %arg14[%dma_start3A_257, %dma_start3A_258, %dma_start3A_259] : memref<2x16x1024xf32, #tpu.memory_space<vmem>> -> memref<1x16x1024xf32, #tpu.memory_space<vmem>>
    %dma_start3A_261 = tpu.memref_squeeze %dma_start3A_260 : memref<1x16x1024xf32, #tpu.memory_space<vmem>> -> memref<16x1024xf32, #tpu.memory_space<vmem>>
    %dma_start3A_262 = arith.constant 0 : i32
    %dma_start3A_263 = tpu.memref_slice %arg7[%add3A_256, %dma_start3A_262] : memref<2048x1024xf32, #tpu.memory_space<hbm>> -> memref<16x1024xf32, #tpu.memory_space<hbm>>
    %dma_start3A_264 = arith.constant 0 : i32
    %dma_start3A_265 = tpu.memref_slice %arg7[%add3A_256, %dma_start3A_264] : memref<2048x1024xf32, #tpu.memory_space<hbm>> -> memref<16x1024xf32, #tpu.memory_space<hbm>>
    %dma_start3A_266 = arith.constant 0 : i32
    %dma_start3A_267 = arith.constant 0 : i32
    %dma_start3A_268 = tpu.memref_slice %arg14[%dma_start3A_257, %dma_start3A_266, %dma_start3A_267] : memref<2x16x1024xf32, #tpu.memory_space<vmem>> -> memref<1x16x1024xf32, #tpu.memory_space<vmem>>
    %dma_start3A_269 = tpu.memref_squeeze %dma_start3A_268 : memref<1x16x1024xf32, #tpu.memory_space<vmem>> -> memref<16x1024xf32, #tpu.memory_space<vmem>>
    tpu.enqueue_dma source(%dma_start3A_269 : memref<16x1024xf32, #tpu.memory_space<vmem>>) target(%dma_start3A_265 : memref<16x1024xf32, #tpu.memory_space<hbm>>) target_semaphore(%arg20 : memref<!tpu.dma_semaphore, #tpu.memory_space<semaphore_mem>>)
    %dma_wait3A_270 = arith.constant 0 : i32
    %dma_wait3A_271 = arith.constant 0 : i32
    %dma_wait3A_272 = arith.constant 0 : i32
    %dma_wait3A_273 = tpu.memref_slice %arg14[%dma_wait3A_270, %dma_wait3A_271, %dma_wait3A_272] : memref<2x16x1024xf32, #tpu.memory_space<vmem>> -> memref<1x16x1024xf32, #tpu.memory_space<vmem>>
    %dma_wait3A_274 = tpu.memref_squeeze %dma_wait3A_273 : memref<1x16x1024xf32, #tpu.memory_space<vmem>> -> memref<16x1024xf32, #tpu.memory_space<vmem>>
    %dma_wait3A_275 = arith.constant 0 : i32
    %dma_wait3A_276 = tpu.memref_slice %arg7[%add3A_202, %dma_wait3A_275] : memref<2048x1024xf32, #tpu.memory_space<hbm>> -> memref<16x1024xf32, #tpu.memory_space<hbm>>
    %dma_wait3A_277 = arith.constant 0 : i32
    %dma_wait3A_278 = tpu.memref_slice %arg7[%add3A_202, %dma_wait3A_277] : memref<2048x1024xf32, #tpu.memory_space<hbm>> -> memref<16x1024xf32, #tpu.memory_space<hbm>>
    %dma_wait3A_279 = arith.constant 0 : i32
    %dma_wait3A_280 = arith.constant 0 : i32
    %dma_wait3A_281 = tpu.memref_slice %arg14[%dma_wait3A_270, %dma_wait3A_279, %dma_wait3A_280] : memref<2x16x1024xf32, #tpu.memory_space<vmem>> -> memref<1x16x1024xf32, #tpu.memory_space<vmem>>
    %dma_wait3A_282 = tpu.memref_squeeze %dma_wait3A_281 : memref<1x16x1024xf32, #tpu.memory_space<vmem>> -> memref<16x1024xf32, #tpu.memory_space<vmem>>
    tpu.wait_dma2 semaphore(%arg19 : memref<!tpu.dma_semaphore, #tpu.memory_space<semaphore_mem>>) src(%dma_wait3A_282 : memref<16x1024xf32, #tpu.memory_space<vmem>>) dst(%dma_wait3A_278 : memref<16x1024xf32, #tpu.memory_space<hbm>>)
    %dma_wait3A_283 = arith.constant 1 : i32
    %dma_wait3A_284 = arith.constant 0 : i32
    %dma_wait3A_285 = arith.constant 0 : i32
    %dma_wait3A_286 = tpu.memref_slice %arg14[%dma_wait3A_283, %dma_wait3A_284, %dma_wait3A_285] : memref<2x16x1024xf32, #tpu.memory_space<vmem>> -> memref<1x16x1024xf32, #tpu.memory_space<vmem>>
    %dma_wait3A_287 = tpu.memref_squeeze %dma_wait3A_286 : memref<1x16x1024xf32, #tpu.memory_space<vmem>> -> memref<16x1024xf32, #tpu.memory_space<vmem>>
    %dma_wait3A_288 = arith.constant 0 : i32
    %dma_wait3A_289 = tpu.memref_slice %arg7[%add3A_256, %dma_wait3A_288] : memref<2048x1024xf32, #tpu.memory_space<hbm>> -> memref<16x1024xf32, #tpu.memory_space<hbm>>
    %dma_wait3A_290 = arith.constant 0 : i32
    %dma_wait3A_291 = tpu.memref_slice %arg7[%add3A_256, %dma_wait3A_290] : memref<2048x1024xf32, #tpu.memory_space<hbm>> -> memref<16x1024xf32, #tpu.memory_space<hbm>>
    %dma_wait3A_292 = arith.constant 0 : i32
    %dma_wait3A_293 = arith.constant 0 : i32
    %dma_wait3A_294 = tpu.memref_slice %arg14[%dma_wait3A_283, %dma_wait3A_292, %dma_wait3A_293] : memref<2x16x1024xf32, #tpu.memory_space<vmem>> -> memref<1x16x1024xf32, #tpu.memory_space<vmem>>
    %dma_wait3A_295 = tpu.memref_squeeze %dma_wait3A_294 : memref<1x16x1024xf32, #tpu.memory_space<vmem>> -> memref<16x1024xf32, #tpu.memory_space<vmem>>
    tpu.wait_dma2 semaphore(%arg20 : memref<!tpu.dma_semaphore, #tpu.memory_space<semaphore_mem>>) src(%dma_wait3A_295 : memref<16x1024xf32, #tpu.memory_space<vmem>>) dst(%dma_wait3A_291 : memref<16x1024xf32, #tpu.memory_space<hbm>>)
    return
  }
}

module attributes {stable_mosaic.version = 14 : i64} {
  func.func @_routing_body(%arg0: memref<2048x1024xf32, #tpu.memory_space<vmem>>, %arg1: memref<8x1024xf32, #tpu.memory_space<vmem>>, %arg2: memref<2048xi32, #tpu.memory_space<vmem>>, %arg3: memref<2048xi32, #tpu.memory_space<vmem>>, %arg4: memref<2048x16xf32, #tpu.memory_space<vmem>>, %arg5: memref<2048x16xf32, #tpu.memory_space<vmem>>, %arg6: memref<1x1xf32, #tpu.memory_space<vmem>>) attributes {dimension_semantics = [], scalar_prefetch = 0 : i64, scratch_operands = 0 : i64, tpu.core_type = #tpu.core_type<tc>} {
    %get3A = arith.constant 0 : index
    %get3A_0 = arith.constant 0 : index
    %get3A_1 = vector.load %arg0[%get3A, %get3A_0] : memref<2048x1024xf32, #tpu.memory_space<vmem>>, vector<2048x1024xf32>
    %get3A_2 = arith.constant 0 : index
    %get3A_3 = arith.constant 0 : index
    %get3A_4 = vector.load %arg1[%get3A_2, %get3A_3] : memref<8x1024xf32, #tpu.memory_space<vmem>>, vector<8x1024xf32>
    %dot_general3A = arith.constant dense<0.000000e+00> : vector<8x2048xf32>
    %dot_general3A_5 = tpu.matmul %get3A_4, %get3A_1, %dot_general3A {dimension_numbers = #tpu.dot_dimension_numbers<[1], [1], [0], [0], [0, 0, 1, 0], [], []>, transpose_lhs_hint = false} : vector<8x1024xf32>, vector<2048x1024xf32>, vector<8x2048xf32> -> vector<8x2048xf32>
    %reduce_max3A = arith.constant dense<0xFF800000> : vector<2048xf32>
    %reduce_max3A_6 = vector.multi_reduction <maximumf>, %dot_general3A_5, %reduce_max3A [0] : vector<8x2048xf32> to vector<2048xf32>
    %broadcast_in_dim3A = vector.shape_cast %reduce_max3A_6 : vector<2048xf32> to vector<1x2048xf32>
    %sub3A = vector.broadcast %broadcast_in_dim3A : vector<1x2048xf32> to vector<8x2048xf32>
    %sub3A_7 = arith.subf %dot_general3A_5, %sub3A : vector<8x2048xf32>
    %exp3A = math.exp %sub3A_7 : vector<8x2048xf32>
    %reduce_sum3A = arith.constant dense<0.000000e+00> : vector<2048xf32>
    %reduce_sum3A_8 = vector.multi_reduction <add>, %exp3A, %reduce_sum3A [0] : vector<8x2048xf32> to vector<2048xf32>
    %broadcast_in_dim3A_9 = vector.shape_cast %reduce_sum3A_8 : vector<2048xf32> to vector<1x2048xf32>
    %div3A = vector.broadcast %broadcast_in_dim3A_9 : vector<1x2048xf32> to vector<8x2048xf32>
    %div3A_10 = arith.divf %exp3A, %div3A : vector<8x2048xf32>
    %iota3A = tpu.iota {dimensions = array<i32: 0>} : vector<8x2048xi32>
    %reduce_max3A_11 = arith.constant dense<0xFF800000> : vector<2048xf32>
    %reduce_max3A_12 = vector.multi_reduction <maximumf>, %div3A_10, %reduce_max3A_11 [0] : vector<8x2048xf32> to vector<2048xf32>
    %broadcast_in_dim3A_13 = vector.shape_cast %reduce_max3A_12 : vector<2048xf32> to vector<1x2048xf32>
    %eq3A = vector.broadcast %broadcast_in_dim3A_13 : vector<1x2048xf32> to vector<8x2048xf32>
    %eq3A_14 = arith.cmpf oeq, %div3A_10, %eq3A : vector<8x2048xf32>
    %jit3A = arith.constant 8 : i32
    %broadcast_in_dim3A_15 = vector.broadcast %jit3A : i32 to vector<8x2048xi32>
    %select_n3A = arith.select %eq3A_14, %iota3A, %broadcast_in_dim3A_15 : vector<8x2048xi1>, vector<8x2048xi32>
    %reduce_min3A = arith.constant dense<2147483647> : vector<2048xi32>
    %reduce_min3A_16 = vector.multi_reduction <minsi>, %select_n3A, %reduce_min3A [0] : vector<8x2048xi32> to vector<2048xi32>
    %broadcast_in_dim3A_17 = vector.shape_cast %reduce_min3A_16 : vector<2048xi32> to vector<1x2048xi32>
    %eq3A_18 = vector.broadcast %broadcast_in_dim3A_17 : vector<1x2048xi32> to vector<8x2048xi32>
    %eq3A_19 = arith.cmpi eq, %iota3A, %eq3A_18 : vector<8x2048xi32>
    %convert_element_type3A = arith.extui %eq3A_19 : vector<8x2048xi1> to vector<8x2048xi32>
    %convert_element_type3A_20 = arith.sitofp %convert_element_type3A : vector<8x2048xi32> to vector<8x2048xf32>
    %sub3A_21 = arith.constant 1.000000e+00 : f32
    %sub3A_22 = vector.broadcast %sub3A_21 : f32 to vector<8x2048xf32>
    %sub3A_23 = arith.subf %sub3A_22, %convert_element_type3A_20 : vector<8x2048xf32>
    %mul3A = arith.mulf %div3A_10, %sub3A_23 : vector<8x2048xf32>
    %reduce_max3A_24 = arith.constant dense<0xFF800000> : vector<2048xf32>
    %reduce_max3A_25 = vector.multi_reduction <maximumf>, %mul3A, %reduce_max3A_24 [0] : vector<8x2048xf32> to vector<2048xf32>
    %broadcast_in_dim3A_26 = vector.shape_cast %reduce_max3A_25 : vector<2048xf32> to vector<1x2048xf32>
    %eq3A_27 = vector.broadcast %broadcast_in_dim3A_26 : vector<1x2048xf32> to vector<8x2048xf32>
    %eq3A_28 = arith.cmpf oeq, %mul3A, %eq3A_27 : vector<8x2048xf32>
    %jit3A_29 = arith.constant 8 : i32
    %broadcast_in_dim3A_30 = vector.broadcast %jit3A_29 : i32 to vector<8x2048xi32>
    %select_n3A_31 = arith.select %eq3A_28, %iota3A, %broadcast_in_dim3A_30 : vector<8x2048xi1>, vector<8x2048xi32>
    %reduce_min3A_32 = arith.constant dense<2147483647> : vector<2048xi32>
    %reduce_min3A_33 = vector.multi_reduction <minsi>, %select_n3A_31, %reduce_min3A_32 [0] : vector<8x2048xi32> to vector<2048xi32>
    %broadcast_in_dim3A_34 = vector.shape_cast %reduce_min3A_33 : vector<2048xi32> to vector<1x2048xi32>
    %eq3A_35 = vector.broadcast %broadcast_in_dim3A_34 : vector<1x2048xi32> to vector<8x2048xi32>
    %eq3A_36 = arith.cmpi eq, %iota3A, %eq3A_35 : vector<8x2048xi32>
    %convert_element_type3A_37 = arith.extui %eq3A_36 : vector<8x2048xi1> to vector<8x2048xi32>
    %convert_element_type3A_38 = arith.sitofp %convert_element_type3A_37 : vector<8x2048xi32> to vector<8x2048xf32>
    %add3A = arith.addf %broadcast_in_dim3A_13, %broadcast_in_dim3A_26 : vector<1x2048xf32>
    %add3A_39 = arith.constant 9.99999971E-10 : f32
    %add3A_40 = vector.broadcast %add3A_39 : f32 to vector<1x2048xf32>
    %add3A_41 = arith.addf %add3A, %add3A_40 : vector<1x2048xf32>
    %div3A_42 = arith.divf %broadcast_in_dim3A_13, %add3A_41 : vector<1x2048xf32>
    %div3A_43 = arith.divf %broadcast_in_dim3A_26, %add3A_41 : vector<1x2048xf32>
    %gt3A = arith.constant 2.000000e-01 : f32
    %gt3A_44 = vector.broadcast %gt3A : f32 to vector<1x2048xf32>
    %gt3A_45 = arith.cmpf ogt, %div3A_43, %gt3A_44 : vector<1x2048xf32>
    %convert_element_type3A_46 = arith.extui %gt3A_45 : vector<1x2048xi1> to vector<1x2048xi32>
    %convert_element_type3A_47 = arith.sitofp %convert_element_type3A_46 : vector<1x2048xi32> to vector<1x2048xf32>
    %mul3A_48 = vector.broadcast %convert_element_type3A_47 : vector<1x2048xf32> to vector<8x2048xf32>
    %mul3A_49 = arith.mulf %convert_element_type3A_38, %mul3A_48 : vector<8x2048xf32>
    %reduce_sum3A_50 = arith.constant dense<0.000000e+00> : vector<8xf32>
    %reduce_sum3A_51 = vector.multi_reduction <add>, %div3A_10, %reduce_sum3A_50 [1] : vector<8x2048xf32> to vector<8xf32>
    %broadcast_in_dim3A_52 = vector.shape_cast %reduce_sum3A_51 : vector<8xf32> to vector<8x1xf32>
    %div3A_53 = arith.constant 2.048000e+03 : f32
    %div3A_54 = vector.broadcast %div3A_53 : f32 to vector<8x1xf32>
    %div3A_55 = arith.divf %broadcast_in_dim3A_52, %div3A_54 : vector<8x1xf32>
    %reduce_sum3A_56 = arith.constant dense<0.000000e+00> : vector<8xf32>
    %reduce_sum3A_57 = vector.multi_reduction <add>, %convert_element_type3A_20, %reduce_sum3A_56 [1] : vector<8x2048xf32> to vector<8xf32>
    %broadcast_in_dim3A_58 = vector.shape_cast %reduce_sum3A_57 : vector<8xf32> to vector<8x1xf32>
    %div3A_59 = arith.constant 2.048000e+03 : f32
    %div3A_60 = vector.broadcast %div3A_59 : f32 to vector<8x1xf32>
    %div3A_61 = arith.divf %broadcast_in_dim3A_58, %div3A_60 : vector<8x1xf32>
    %mul3A_62 = arith.mulf %div3A_55, %div3A_61 : vector<8x1xf32>
    %mul3A_63 = arith.constant 8.000000e+00 : f32
    %mul3A_64 = vector.broadcast %mul3A_63 : f32 to vector<8x1xf32>
    %mul3A_65 = arith.mulf %mul3A_62, %mul3A_64 : vector<8x1xf32>
    %mul3A_66 = arith.constant 0.00999999977 : f32
    %mul3A_67 = vector.broadcast %mul3A_66 : f32 to vector<8x1xf32>
    %mul3A_68 = arith.mulf %mul3A_65, %mul3A_67 : vector<8x1xf32>
    %reduce_sum3A_69 = arith.constant dense<0.000000e+00> : vector<1xf32>
    %reduce_sum3A_70 = vector.multi_reduction <add>, %mul3A_68, %reduce_sum3A_69 [0] : vector<8x1xf32> to vector<1xf32>
    %broadcast_in_dim3A_71 = vector.shape_cast %reduce_sum3A_70 : vector<1xf32> to vector<1x1xf32>
    %swap3A = arith.constant 0 : index
    %swap3A_72 = arith.constant 0 : index
    %swap3A_73 = vector.load %arg6[%swap3A, %swap3A_72] : memref<1x1xf32, #tpu.memory_space<vmem>>, vector<1x1xf32>
    tpu.vector_store %arg6[%swap3A, %swap3A_72], %broadcast_in_dim3A_71 {strides = array<i32>} : memref<1x1xf32, #tpu.memory_space<vmem>>, vector<1x1xf32>,
    %broadcast_in_dim3A_74 = arith.constant 0.000000e+00 : f32
    %broadcast_in_dim3A_75 = vector.broadcast %broadcast_in_dim3A_74 : f32 to vector<8x1xf32>
    %slice3A = vector.extract_strided_slice %convert_element_type3A_20 {offsets = [0, 0], sizes = [8, 2047], strides = [1, 1]} : vector<8x2048xf32> to vector<8x2047xf32>
    %concatenate3A = tpu.concatenate %broadcast_in_dim3A_75, %slice3A in 1 : vector<8x1xf32>, vector<8x2047xf32> -> vector<8x2048xf32>
    %add3A_76 = arith.addf %convert_element_type3A_20, %concatenate3A : vector<8x2048xf32>
    %broadcast_in_dim3A_77 = arith.constant 0.000000e+00 : f32
    %broadcast_in_dim3A_78 = vector.broadcast %broadcast_in_dim3A_77 : f32 to vector<8x2xf32>
    %slice3A_79 = vector.extract_strided_slice %add3A_76 {offsets = [0, 0], sizes = [8, 2046], strides = [1, 1]} : vector<8x2048xf32> to vector<8x2046xf32>
    %concatenate3A_80 = tpu.concatenate %broadcast_in_dim3A_78, %slice3A_79 in 1 : vector<8x2xf32>, vector<8x2046xf32> -> vector<8x2048xf32>
    %add3A_81 = arith.addf %add3A_76, %concatenate3A_80 : vector<8x2048xf32>
    %broadcast_in_dim3A_82 = arith.constant 0.000000e+00 : f32
    %broadcast_in_dim3A_83 = vector.broadcast %broadcast_in_dim3A_82 : f32 to vector<8x4xf32>
    %slice3A_84 = vector.extract_strided_slice %add3A_81 {offsets = [0, 0], sizes = [8, 2044], strides = [1, 1]} : vector<8x2048xf32> to vector<8x2044xf32>
    %concatenate3A_85 = tpu.concatenate %broadcast_in_dim3A_83, %slice3A_84 in 1 : vector<8x4xf32>, vector<8x2044xf32> -> vector<8x2048xf32>
    %add3A_86 = arith.addf %add3A_81, %concatenate3A_85 : vector<8x2048xf32>
    %broadcast_in_dim3A_87 = arith.constant 0.000000e+00 : f32
    %broadcast_in_dim3A_88 = vector.broadcast %broadcast_in_dim3A_87 : f32 to vector<8x8xf32>
    %slice3A_89 = vector.extract_strided_slice %add3A_86 {offsets = [0, 0], sizes = [8, 2040], strides = [1, 1]} : vector<8x2048xf32> to vector<8x2040xf32>
    %concatenate3A_90 = tpu.concatenate %broadcast_in_dim3A_88, %slice3A_89 in 1 : vector<8x8xf32>, vector<8x2040xf32> -> vector<8x2048xf32>
    %add3A_91 = arith.addf %add3A_86, %concatenate3A_90 : vector<8x2048xf32>
    %broadcast_in_dim3A_92 = arith.constant 0.000000e+00 : f32
    %broadcast_in_dim3A_93 = vector.broadcast %broadcast_in_dim3A_92 : f32 to vector<8x16xf32>
    %slice3A_94 = vector.extract_strided_slice %add3A_91 {offsets = [0, 0], sizes = [8, 2032], strides = [1, 1]} : vector<8x2048xf32> to vector<8x2032xf32>
    %concatenate3A_95 = tpu.concatenate %broadcast_in_dim3A_93, %slice3A_94 in 1 : vector<8x16xf32>, vector<8x2032xf32> -> vector<8x2048xf32>
    %add3A_96 = arith.addf %add3A_91, %concatenate3A_95 : vector<8x2048xf32>
    %broadcast_in_dim3A_97 = arith.constant 0.000000e+00 : f32
    %broadcast_in_dim3A_98 = vector.broadcast %broadcast_in_dim3A_97 : f32 to vector<8x32xf32>
    %slice3A_99 = vector.extract_strided_slice %add3A_96 {offsets = [0, 0], sizes = [8, 2016], strides = [1, 1]} : vector<8x2048xf32> to vector<8x2016xf32>
    %concatenate3A_100 = tpu.concatenate %broadcast_in_dim3A_98, %slice3A_99 in 1 : vector<8x32xf32>, vector<8x2016xf32> -> vector<8x2048xf32>
    %add3A_101 = arith.addf %add3A_96, %concatenate3A_100 : vector<8x2048xf32>
    %broadcast_in_dim3A_102 = arith.constant 0.000000e+00 : f32
    %broadcast_in_dim3A_103 = vector.broadcast %broadcast_in_dim3A_102 : f32 to vector<8x64xf32>
    %slice3A_104 = vector.extract_strided_slice %add3A_101 {offsets = [0, 0], sizes = [8, 1984], strides = [1, 1]} : vector<8x2048xf32> to vector<8x1984xf32>
    %concatenate3A_105 = tpu.concatenate %broadcast_in_dim3A_103, %slice3A_104 in 1 : vector<8x64xf32>, vector<8x1984xf32> -> vector<8x2048xf32>
    %add3A_106 = arith.addf %add3A_101, %concatenate3A_105 : vector<8x2048xf32>
    %broadcast_in_dim3A_107 = arith.constant 0.000000e+00 : f32
    %broadcast_in_dim3A_108 = vector.broadcast %broadcast_in_dim3A_107 : f32 to vector<8x128xf32>
    %slice3A_109 = vector.extract_strided_slice %add3A_106 {offsets = [0, 0], sizes = [8, 1920], strides = [1, 1]} : vector<8x2048xf32> to vector<8x1920xf32>
    %concatenate3A_110 = tpu.concatenate %broadcast_in_dim3A_108, %slice3A_109 in 1 : vector<8x128xf32>, vector<8x1920xf32> -> vector<8x2048xf32>
    %add3A_111 = arith.addf %add3A_106, %concatenate3A_110 : vector<8x2048xf32>
    %broadcast_in_dim3A_112 = arith.constant 0.000000e+00 : f32
    %broadcast_in_dim3A_113 = vector.broadcast %broadcast_in_dim3A_112 : f32 to vector<8x256xf32>
    %slice3A_114 = vector.extract_strided_slice %add3A_111 {offsets = [0, 0], sizes = [8, 1792], strides = [1, 1]} : vector<8x2048xf32> to vector<8x1792xf32>
    %concatenate3A_115 = tpu.concatenate %broadcast_in_dim3A_113, %slice3A_114 in 1 : vector<8x256xf32>, vector<8x1792xf32> -> vector<8x2048xf32>
    %add3A_116 = arith.addf %add3A_111, %concatenate3A_115 : vector<8x2048xf32>
    %broadcast_in_dim3A_117 = arith.constant 0.000000e+00 : f32
    %broadcast_in_dim3A_118 = vector.broadcast %broadcast_in_dim3A_117 : f32 to vector<8x512xf32>
    %slice3A_119 = vector.extract_strided_slice %add3A_116 {offsets = [0, 0], sizes = [8, 1536], strides = [1, 1]} : vector<8x2048xf32> to vector<8x1536xf32>
    %concatenate3A_120 = tpu.concatenate %broadcast_in_dim3A_118, %slice3A_119 in 1 : vector<8x512xf32>, vector<8x1536xf32> -> vector<8x2048xf32>
    %add3A_121 = arith.addf %add3A_116, %concatenate3A_120 : vector<8x2048xf32>
    %broadcast_in_dim3A_122 = arith.constant 0.000000e+00 : f32
    %broadcast_in_dim3A_123 = vector.broadcast %broadcast_in_dim3A_122 : f32 to vector<8x1024xf32>
    %slice3A_124 = vector.extract_strided_slice %add3A_121 {offsets = [0, 0], sizes = [8, 1024], strides = [1, 1]} : vector<8x2048xf32> to vector<8x1024xf32>
    %concatenate3A_125 = tpu.concatenate %broadcast_in_dim3A_123, %slice3A_124 in 1 : vector<8x1024xf32>, vector<8x1024xf32> -> vector<8x2048xf32>
    %add3A_126 = arith.addf %add3A_121, %concatenate3A_125 : vector<8x2048xf32>
    %sub3A_127 = arith.subf %add3A_126, %convert_element_type3A_20 : vector<8x2048xf32>
    %lt3A = arith.constant 5.120000e+02 : f32
    %lt3A_128 = vector.broadcast %lt3A : f32 to vector<8x2048xf32>
    %lt3A_129 = arith.cmpf olt, %sub3A_127, %lt3A_128 : vector<8x2048xf32>
    %convert_element_type3A_130 = arith.extui %lt3A_129 : vector<8x2048xi1> to vector<8x2048xi32>
    %convert_element_type3A_131 = arith.sitofp %convert_element_type3A_130 : vector<8x2048xi32> to vector<8x2048xf32>
    %mul3A_132 = arith.mulf %convert_element_type3A_20, %convert_element_type3A_131 : vector<8x2048xf32>
    %reduce_sum3A_133 = arith.constant dense<0.000000e+00> : vector<8xf32>
    %reduce_sum3A_134 = vector.multi_reduction <add>, %mul3A_132, %reduce_sum3A_133 [1] : vector<8x2048xf32> to vector<8xf32>
    %broadcast_in_dim3A_135 = vector.shape_cast %reduce_sum3A_134 : vector<8xf32> to vector<8x1xf32>
    %broadcast_in_dim3A_136 = arith.constant 0.000000e+00 : f32
    %broadcast_in_dim3A_137 = vector.broadcast %broadcast_in_dim3A_136 : f32 to vector<8x1xf32>
    %slice3A_138 = vector.extract_strided_slice %mul3A_49 {offsets = [0, 0], sizes = [8, 2047], strides = [1, 1]} : vector<8x2048xf32> to vector<8x2047xf32>
    %concatenate3A_139 = tpu.concatenate %broadcast_in_dim3A_137, %slice3A_138 in 1 : vector<8x1xf32>, vector<8x2047xf32> -> vector<8x2048xf32>
    %add3A_140 = arith.addf %mul3A_49, %concatenate3A_139 : vector<8x2048xf32>
    %broadcast_in_dim3A_141 = arith.constant 0.000000e+00 : f32
    %broadcast_in_dim3A_142 = vector.broadcast %broadcast_in_dim3A_141 : f32 to vector<8x2xf32>
    %slice3A_143 = vector.extract_strided_slice %add3A_140 {offsets = [0, 0], sizes = [8, 2046], strides = [1, 1]} : vector<8x2048xf32> to vector<8x2046xf32>
    %concatenate3A_144 = tpu.concatenate %broadcast_in_dim3A_142, %slice3A_143 in 1 : vector<8x2xf32>, vector<8x2046xf32> -> vector<8x2048xf32>
    %add3A_145 = arith.addf %add3A_140, %concatenate3A_144 : vector<8x2048xf32>
    %broadcast_in_dim3A_146 = arith.constant 0.000000e+00 : f32
    %broadcast_in_dim3A_147 = vector.broadcast %broadcast_in_dim3A_146 : f32 to vector<8x4xf32>
    %slice3A_148 = vector.extract_strided_slice %add3A_145 {offsets = [0, 0], sizes = [8, 2044], strides = [1, 1]} : vector<8x2048xf32> to vector<8x2044xf32>
    %concatenate3A_149 = tpu.concatenate %broadcast_in_dim3A_147, %slice3A_148 in 1 : vector<8x4xf32>, vector<8x2044xf32> -> vector<8x2048xf32>
    %add3A_150 = arith.addf %add3A_145, %concatenate3A_149 : vector<8x2048xf32>
    %broadcast_in_dim3A_151 = arith.constant 0.000000e+00 : f32
    %broadcast_in_dim3A_152 = vector.broadcast %broadcast_in_dim3A_151 : f32 to vector<8x8xf32>
    %slice3A_153 = vector.extract_strided_slice %add3A_150 {offsets = [0, 0], sizes = [8, 2040], strides = [1, 1]} : vector<8x2048xf32> to vector<8x2040xf32>
    %concatenate3A_154 = tpu.concatenate %broadcast_in_dim3A_152, %slice3A_153 in 1 : vector<8x8xf32>, vector<8x2040xf32> -> vector<8x2048xf32>
    %add3A_155 = arith.addf %add3A_150, %concatenate3A_154 : vector<8x2048xf32>
    %broadcast_in_dim3A_156 = arith.constant 0.000000e+00 : f32
    %broadcast_in_dim3A_157 = vector.broadcast %broadcast_in_dim3A_156 : f32 to vector<8x16xf32>
    %slice3A_158 = vector.extract_strided_slice %add3A_155 {offsets = [0, 0], sizes = [8, 2032], strides = [1, 1]} : vector<8x2048xf32> to vector<8x2032xf32>
    %concatenate3A_159 = tpu.concatenate %broadcast_in_dim3A_157, %slice3A_158 in 1 : vector<8x16xf32>, vector<8x2032xf32> -> vector<8x2048xf32>
    %add3A_160 = arith.addf %add3A_155, %concatenate3A_159 : vector<8x2048xf32>
    %broadcast_in_dim3A_161 = arith.constant 0.000000e+00 : f32
    %broadcast_in_dim3A_162 = vector.broadcast %broadcast_in_dim3A_161 : f32 to vector<8x32xf32>
    %slice3A_163 = vector.extract_strided_slice %add3A_160 {offsets = [0, 0], sizes = [8, 2016], strides = [1, 1]} : vector<8x2048xf32> to vector<8x2016xf32>
    %concatenate3A_164 = tpu.concatenate %broadcast_in_dim3A_162, %slice3A_163 in 1 : vector<8x32xf32>, vector<8x2016xf32> -> vector<8x2048xf32>
    %add3A_165 = arith.addf %add3A_160, %concatenate3A_164 : vector<8x2048xf32>
    %broadcast_in_dim3A_166 = arith.constant 0.000000e+00 : f32
    %broadcast_in_dim3A_167 = vector.broadcast %broadcast_in_dim3A_166 : f32 to vector<8x64xf32>
    %slice3A_168 = vector.extract_strided_slice %add3A_165 {offsets = [0, 0], sizes = [8, 1984], strides = [1, 1]} : vector<8x2048xf32> to vector<8x1984xf32>
    %concatenate3A_169 = tpu.concatenate %broadcast_in_dim3A_167, %slice3A_168 in 1 : vector<8x64xf32>, vector<8x1984xf32> -> vector<8x2048xf32>
    %add3A_170 = arith.addf %add3A_165, %concatenate3A_169 : vector<8x2048xf32>
    %broadcast_in_dim3A_171 = arith.constant 0.000000e+00 : f32
    %broadcast_in_dim3A_172 = vector.broadcast %broadcast_in_dim3A_171 : f32 to vector<8x128xf32>
    %slice3A_173 = vector.extract_strided_slice %add3A_170 {offsets = [0, 0], sizes = [8, 1920], strides = [1, 1]} : vector<8x2048xf32> to vector<8x1920xf32>
    %concatenate3A_174 = tpu.concatenate %broadcast_in_dim3A_172, %slice3A_173 in 1 : vector<8x128xf32>, vector<8x1920xf32> -> vector<8x2048xf32>
    %add3A_175 = arith.addf %add3A_170, %concatenate3A_174 : vector<8x2048xf32>
    %broadcast_in_dim3A_176 = arith.constant 0.000000e+00 : f32
    %broadcast_in_dim3A_177 = vector.broadcast %broadcast_in_dim3A_176 : f32 to vector<8x256xf32>
    %slice3A_178 = vector.extract_strided_slice %add3A_175 {offsets = [0, 0], sizes = [8, 1792], strides = [1, 1]} : vector<8x2048xf32> to vector<8x1792xf32>
    %concatenate3A_179 = tpu.concatenate %broadcast_in_dim3A_177, %slice3A_178 in 1 : vector<8x256xf32>, vector<8x1792xf32> -> vector<8x2048xf32>
    %add3A_180 = arith.addf %add3A_175, %concatenate3A_179 : vector<8x2048xf32>
    %broadcast_in_dim3A_181 = arith.constant 0.000000e+00 : f32
    %broadcast_in_dim3A_182 = vector.broadcast %broadcast_in_dim3A_181 : f32 to vector<8x512xf32>
    %slice3A_183 = vector.extract_strided_slice %add3A_180 {offsets = [0, 0], sizes = [8, 1536], strides = [1, 1]} : vector<8x2048xf32> to vector<8x1536xf32>
    %concatenate3A_184 = tpu.concatenate %broadcast_in_dim3A_182, %slice3A_183 in 1 : vector<8x512xf32>, vector<8x1536xf32> -> vector<8x2048xf32>
    %add3A_185 = arith.addf %add3A_180, %concatenate3A_184 : vector<8x2048xf32>
    %broadcast_in_dim3A_186 = arith.constant 0.000000e+00 : f32
    %broadcast_in_dim3A_187 = vector.broadcast %broadcast_in_dim3A_186 : f32 to vector<8x1024xf32>
    %slice3A_188 = vector.extract_strided_slice %add3A_185 {offsets = [0, 0], sizes = [8, 1024], strides = [1, 1]} : vector<8x2048xf32> to vector<8x1024xf32>
    %concatenate3A_189 = tpu.concatenate %broadcast_in_dim3A_187, %slice3A_188 in 1 : vector<8x1024xf32>, vector<8x1024xf32> -> vector<8x2048xf32>
    %add3A_190 = arith.addf %add3A_185, %concatenate3A_189 : vector<8x2048xf32>
    %sub3A_191 = arith.subf %add3A_190, %mul3A_49 : vector<8x2048xf32>
    %add3A_192 = vector.broadcast %broadcast_in_dim3A_135 : vector<8x1xf32> to vector<8x2048xf32>
    %add3A_193 = arith.addf %sub3A_191, %add3A_192 : vector<8x2048xf32>
    %lt3A_194 = arith.constant 5.120000e+02 : f32
    %lt3A_195 = vector.broadcast %lt3A_194 : f32 to vector<8x2048xf32>
    %lt3A_196 = arith.cmpf olt, %add3A_193, %lt3A_195 : vector<8x2048xf32>
    %convert_element_type3A_197 = arith.extui %lt3A_196 : vector<8x2048xi1> to vector<8x2048xi32>
    %convert_element_type3A_198 = arith.sitofp %convert_element_type3A_197 : vector<8x2048xi32> to vector<8x2048xf32>
    %mul3A_199 = arith.mulf %mul3A_49, %convert_element_type3A_198 : vector<8x2048xf32>
    %reduce_sum3A_200 = arith.constant dense<0.000000e+00> : vector<2048xf32>
    %reduce_sum3A_201 = vector.multi_reduction <add>, %mul3A_132, %reduce_sum3A_200 [0] : vector<8x2048xf32> to vector<2048xf32>
    %broadcast_in_dim3A_202 = vector.shape_cast %reduce_sum3A_201 : vector<2048xf32> to vector<1x2048xf32>
    %reduce_sum3A_203 = arith.constant dense<0.000000e+00> : vector<2048xf32>
    %reduce_sum3A_204 = vector.multi_reduction <add>, %mul3A_199, %reduce_sum3A_203 [0] : vector<8x2048xf32> to vector<2048xf32>
    %broadcast_in_dim3A_205 = vector.shape_cast %reduce_sum3A_204 : vector<2048xf32> to vector<1x2048xf32>
    %mul3A_206 = arith.mulf %sub3A_127, %mul3A_132 : vector<8x2048xf32>
    %reduce_sum3A_207 = arith.constant dense<0.000000e+00> : vector<2048xf32>
    %reduce_sum3A_208 = vector.multi_reduction <add>, %mul3A_206, %reduce_sum3A_207 [0] : vector<8x2048xf32> to vector<2048xf32>
    %broadcast_in_dim3A_209 = vector.shape_cast %reduce_sum3A_208 : vector<2048xf32> to vector<1x2048xf32>
    %convert_element_type3A_210 = arith.fptosi %broadcast_in_dim3A_209 : vector<1x2048xf32> to vector<1x2048xi32>
    %mul3A_211 = arith.mulf %add3A_193, %mul3A_199 : vector<8x2048xf32>
    %reduce_sum3A_212 = arith.constant dense<0.000000e+00> : vector<2048xf32>
    %reduce_sum3A_213 = vector.multi_reduction <add>, %mul3A_211, %reduce_sum3A_212 [0] : vector<8x2048xf32> to vector<2048xf32>
    %broadcast_in_dim3A_214 = vector.shape_cast %reduce_sum3A_213 : vector<2048xf32> to vector<1x2048xf32>
    %convert_element_type3A_215 = arith.fptosi %broadcast_in_dim3A_214 : vector<1x2048xf32> to vector<1x2048xi32>
    %gt3A_216 = arith.constant 0.000000e+00 : f32
    %gt3A_217 = vector.broadcast %gt3A_216 : f32 to vector<1x2048xf32>
    %gt3A_218 = arith.cmpf ogt, %broadcast_in_dim3A_202, %gt3A_217 : vector<1x2048xf32>
    %mul3A_219 = arith.constant 512 : i32
    %mul3A_220 = vector.broadcast %mul3A_219 : i32 to vector<1x2048xi32>
    %mul3A_221 = arith.muli %broadcast_in_dim3A_17, %mul3A_220 : vector<1x2048xi32>
    %add3A_222 = arith.addi %mul3A_221, %convert_element_type3A_210 : vector<1x2048xi32>
    %jit3A_223 = arith.constant 4096 : i32
    %broadcast_in_dim3A_224 = vector.broadcast %jit3A_223 : i32 to vector<1x2048xi32>
    %select_n3A_225 = arith.select %gt3A_218, %add3A_222, %broadcast_in_dim3A_224 : vector<1x2048xi1>, vector<1x2048xi32>
    %reshape3A = vector.shape_cast %select_n3A_225 : vector<1x2048xi32> to vector<2048xi32>
    %swap3A_226 = arith.constant 0 : index
    %swap3A_227 = vector.load %arg2[%swap3A_226] : memref<2048xi32, #tpu.memory_space<vmem>>, vector<2048xi32>
    tpu.vector_store %arg2[%swap3A_226], %reshape3A {strides = array<i32>} : memref<2048xi32, #tpu.memory_space<vmem>>, vector<2048xi32>,
    %gt3A_228 = arith.constant 0.000000e+00 : f32
    %gt3A_229 = vector.broadcast %gt3A_228 : f32 to vector<1x2048xf32>
    %gt3A_230 = arith.cmpf ogt, %broadcast_in_dim3A_205, %gt3A_229 : vector<1x2048xf32>
    %mul3A_231 = arith.constant 512 : i32
    %mul3A_232 = vector.broadcast %mul3A_231 : i32 to vector<1x2048xi32>
    %mul3A_233 = arith.muli %broadcast_in_dim3A_34, %mul3A_232 : vector<1x2048xi32>
    %add3A_234 = arith.addi %mul3A_233, %convert_element_type3A_215 : vector<1x2048xi32>
    %jit3A_235 = arith.constant 4096 : i32
    %broadcast_in_dim3A_236 = vector.broadcast %jit3A_235 : i32 to vector<1x2048xi32>
    %select_n3A_237 = arith.select %gt3A_230, %add3A_234, %broadcast_in_dim3A_236 : vector<1x2048xi1>, vector<1x2048xi32>
    %reshape3A_238 = vector.shape_cast %select_n3A_237 : vector<1x2048xi32> to vector<2048xi32>
    %swap3A_239 = arith.constant 0 : index
    %swap3A_240 = vector.load %arg3[%swap3A_239] : memref<2048xi32, #tpu.memory_space<vmem>>, vector<2048xi32>
    tpu.vector_store %arg3[%swap3A_239], %reshape3A_238 {strides = array<i32>} : memref<2048xi32, #tpu.memory_space<vmem>>, vector<2048xi32>,
    %mul3A_241 = arith.mulf %div3A_42, %broadcast_in_dim3A_202 : vector<1x2048xf32>
    %reshape3A_242 = vector.shape_cast %mul3A_241 : vector<1x2048xf32> to vector<2048x1xf32>
    %broadcast_in_dim3A_243 = vector.shape_cast %reshape3A_242 : vector<2048x1xf32> to vector<2048x1xf32>
    %broadcast_in_dim3A_244 = vector.broadcast %broadcast_in_dim3A_243 : vector<2048x1xf32> to vector<2048x16xf32>
    %swap3A_245 = arith.constant 0 : index
    %swap3A_246 = arith.constant 0 : index
    %swap3A_247 = vector.load %arg4[%swap3A_245, %swap3A_246] : memref<2048x16xf32, #tpu.memory_space<vmem>>, vector<2048x16xf32>
    tpu.vector_store %arg4[%swap3A_245, %swap3A_246], %broadcast_in_dim3A_244 {strides = array<i32>} : memref<2048x16xf32, #tpu.memory_space<vmem>>, vector<2048x16xf32>,
    %mul3A_248 = arith.mulf %div3A_43, %broadcast_in_dim3A_205 : vector<1x2048xf32>
    %reshape3A_249 = vector.shape_cast %mul3A_248 : vector<1x2048xf32> to vector<2048x1xf32>
    %broadcast_in_dim3A_250 = vector.shape_cast %reshape3A_249 : vector<2048x1xf32> to vector<2048x1xf32>
    %broadcast_in_dim3A_251 = vector.broadcast %broadcast_in_dim3A_250 : vector<2048x1xf32> to vector<2048x16xf32>
    %swap3A_252 = arith.constant 0 : index
    %swap3A_253 = arith.constant 0 : index
    %swap3A_254 = vector.load %arg5[%swap3A_252, %swap3A_253] : memref<2048x16xf32, #tpu.memory_space<vmem>>, vector<2048x16xf32>
    tpu.vector_store %arg5[%swap3A_252, %swap3A_253], %broadcast_in_dim3A_251 {strides = array<i32>} : memref<2048x16xf32, #tpu.memory_space<vmem>>, vector<2048x16xf32>,
    return
  }
}

module attributes {stable_mosaic.version = 14 : i64} {
  func.func @_ffn_body(%arg0: i32, %arg1: memref<512x1024xf32, #tpu.memory_space<vmem>>, %arg2: memref<1x1024x2048xf32, #tpu.memory_space<vmem>>, %arg3: memref<8x2048xf32, #tpu.memory_space<vmem>>, %arg4: memref<1x2048x1024xf32, #tpu.memory_space<vmem>>, %arg5: memref<8x1024xf32, #tpu.memory_space<vmem>>, %arg6: memref<512x1024xf32, #tpu.memory_space<vmem>>) attributes {dimension_semantics = [#tpu.dimension_semantics<arbitrary>], iteration_bounds = array<i64: 8>, scalar_prefetch = 0 : i64, scratch_operands = 0 : i64, tpu.core_type = #tpu.core_type<tc>, window_params = [{transform_indices = @transform_0, window_bounds = array<i64: 512, 1024>}, {transform_indices = @transform_1, window_bounds = array<i64: 1, 1024, 2048>}, {pipeline_mode = #tpu.pipeline_mode<synchronous>, transform_indices = @transform_2, window_bounds = array<i64: 8, 2048>}, {transform_indices = @transform_3, window_bounds = array<i64: 1, 2048, 1024>}, {pipeline_mode = #tpu.pipeline_mode<synchronous>, transform_indices = @transform_4, window_bounds = array<i64: 8, 1024>}, {transform_indices = @transform_5, window_bounds = array<i64: 512, 1024>}]} {
    %get3A = arith.constant 0 : index
    %get3A_0 = arith.constant 0 : index
    %get3A_1 = vector.load %arg1[%get3A, %get3A_0] : memref<512x1024xf32, #tpu.memory_space<vmem>>, vector<512x1024xf32>
    %get3A_2 = arith.constant 0 : index
    %get3A_3 = arith.constant 0 : index
    %get3A_4 = arith.constant 0 : index
    %get3A_5 = vector.load %arg2[%get3A_2, %get3A_3, %get3A_4] : memref<1x1024x2048xf32, #tpu.memory_space<vmem>>, vector<1x1024x2048xf32>
    %get3A_6 = vector.shape_cast %get3A_5 : vector<1x1024x2048xf32> to vector<1024x2048xf32>
    %dot_general3A = arith.constant dense<0.000000e+00> : vector<512x2048xf32>
    %dot_general3A_7 = tpu.matmul %get3A_1, %get3A_6, %dot_general3A {dimension_numbers = #tpu.dot_dimension_numbers<[1], [0], [0], [1], [0, 0, 1, 1], [], []>, transpose_lhs_hint = false} : vector<512x1024xf32>, vector<1024x2048xf32>, vector<512x2048xf32> -> vector<512x2048xf32>
    %get3A_8 = arith.index_cast %arg0 : i32 to index
    %get3A_9 = arith.constant 0 : index
    %get3A_10 = vector.load %arg3[%get3A_8, %get3A_9] : memref<8x2048xf32, #tpu.memory_space<vmem>>, vector<1x2048xf32>
    %add3A = vector.broadcast %get3A_10 : vector<1x2048xf32> to vector<512x2048xf32>
    %add3A_11 = arith.addf %dot_general3A_7, %add3A : vector<512x2048xf32>
    %max3A = arith.constant 0.000000e+00 : f32
    %max3A_12 = vector.broadcast %max3A : f32 to vector<512x2048xf32>
    %max3A_13 = arith.maximumf %add3A_11, %max3A_12 : vector<512x2048xf32>
    %get3A_14 = arith.constant 0 : index
    %get3A_15 = arith.constant 0 : index
    %get3A_16 = arith.constant 0 : index
    %get3A_17 = vector.load %arg4[%get3A_14, %get3A_15, %get3A_16] : memref<1x2048x1024xf32, #tpu.memory_space<vmem>>, vector<1x2048x1024xf32>
    %get3A_18 = vector.shape_cast %get3A_17 : vector<1x2048x1024xf32> to vector<2048x1024xf32>
    %dot_general3A_19 = arith.constant dense<0.000000e+00> : vector<512x1024xf32>
    %dot_general3A_20 = tpu.matmul %max3A_13, %get3A_18, %dot_general3A_19 {dimension_numbers = #tpu.dot_dimension_numbers<[1], [0], [0], [1], [0, 0, 1, 1], [], []>, transpose_lhs_hint = false} : vector<512x2048xf32>, vector<2048x1024xf32>, vector<512x1024xf32> -> vector<512x1024xf32>
    %get3A_21 = arith.index_cast %arg0 : i32 to index
    %get3A_22 = arith.constant 0 : index
    %get3A_23 = vector.load %arg5[%get3A_21, %get3A_22] : memref<8x1024xf32, #tpu.memory_space<vmem>>, vector<1x1024xf32>
    %add3A_24 = vector.broadcast %get3A_23 : vector<1x1024xf32> to vector<512x1024xf32>
    %add3A_25 = arith.addf %dot_general3A_20, %add3A_24 : vector<512x1024xf32>
    %swap3A = arith.constant 0 : index
    %swap3A_26 = arith.constant 0 : index
    %swap3A_27 = vector.load %arg6[%swap3A, %swap3A_26] : memref<512x1024xf32, #tpu.memory_space<vmem>>, vector<512x1024xf32>
    tpu.vector_store %arg6[%swap3A, %swap3A_26], %add3A_25 {strides = array<i32>} : memref<512x1024xf32, #tpu.memory_space<vmem>>, vector<512x1024xf32>,
    return
  }
  func.func @transform_0(%arg0: i32) -> (i32, i32) {
    %c0_i32 = arith.constant 0 : i32
    %c0_i32_0 = arith.constant 0 : i32
    return %arg0, %c0_i32 : i32, i32
  }
  func.func @transform_1(%arg0: i32) -> (i32, i32, i32) {
    %c0_i32 = arith.constant 0 : i32
    %c0_i32_0 = arith.constant 0 : i32
    %c0_i32_1 = arith.constant 0 : i32
    return %arg0, %c0_i32, %c0_i32_0 : i32, i32, i32
  }
  func.func @transform_2(%arg0: i32) -> (i32, i32) {
    %c0_i32 = arith.constant 0 : i32
    %c0_i32_0 = arith.constant 0 : i32
    %c0_i32_1 = arith.constant 0 : i32
    return %c0_i32, %c0_i32_0 : i32, i32
  }
  func.func @transform_3(%arg0: i32) -> (i32, i32, i32) {
    %c0_i32 = arith.constant 0 : i32
    %c0_i32_0 = arith.constant 0 : i32
    %c0_i32_1 = arith.constant 0 : i32
    return %arg0, %c0_i32, %c0_i32_0 : i32, i32, i32
  }
  func.func @transform_4(%arg0: i32) -> (i32, i32) {
    %c0_i32 = arith.constant 0 : i32
    %c0_i32_0 = arith.constant 0 : i32
    %c0_i32_1 = arith.constant 0 : i32
    return %c0_i32, %c0_i32_0 : i32, i32
  }
  func.func @transform_5(%arg0: i32) -> (i32, i32) {
    %c0_i32 = arith.constant 0 : i32
    %c0_i32_0 = arith.constant 0 : i32
    return %arg0, %c0_i32 : i32, i32
  }
}

</mosaic_0001>

<sc_bundles>
// kernel: kernel.6.cloned.1.call-start
scs
__scs_entry_jumppad:
0x0: {  	(pc) =	sbr.rel $0x88, $3  }
0x1: {  	(tag) =	ssettag $0x0;
	lr =	simm.s32 $0x1  }
0x2: {  	[smem:$0x3F9B] =	sst lr;
	_ =	strace $0xD0000000  }
0x3: {  	_ = 	snop  }
0x4: {  	_ = 	snop  }
0x5: {  	_ = 	snop  }
0x6: {  	_ = 	snop  }
0x7: {  	_ = 	snop  }
__scs_overlays_trampoline_lowered:
0x8: {  	[smem:$0x3FAA] =	sst s0  }
0x9: {  	[smem:$0x3FAB] =	sst s1  }
0xa: {  	[smem:$0x3FAC] =	sst s2  }
0xb: {  	[smem:$0x3FAD] =	sst s3  }
0xc: {  	[smem:$0x3FAE] =	sst s4  }
0xd: {  	[smem:$0x3FAF] =	sst s5  }
0xe: {  	[smem:$0x3FB0] =	sst s6  }
0xf: {  	[smem:$0x3FB1] =	sst s7  }
0x10: {  	[smem:$0x3FB2] =	sst s8  }
0x11: {  	[smem:$0x3FB3] =	sst s9;
	s0 =	simm.s32 @!p0 $0x0  }
0x12: {  	s1 =	sld [smem:$0x3F99];
	s0 =	simm.s32 @p0 $0x1  }
0x13: {  	[smem:$0x3FB4] =	sst s0;
	s0 =	simm.s32 @!p1 $0x0  }
0x14: {  	s2 =	sld [smem:$0x3F98];
	s0 =	simm.s32 @p1 $0x1  }
0x15: {  	[smem:$0x3FB5] =	sst s0;
	s0 =	simm.s32 @!p2 $0x0  }
0x16: {  	s3 =	sld [smem:$0x3FDB];
	s0 =	simm.s32 @p2 $0x1  }
0x17: {  	s4 =	simm.s32 $0x1BF5;
	[smem:$0x3FB7] =	sst s0  }
0x18: {  	s0 =	sld [smem:$0x3F9A];
	_ =	swait.ge [sflag:s4], $0x0  }
0x19: {  	s7 =	sld [smem:$0x3F9B]  }
0x1a: {  	s8 =	sadd.s32 $0xFFFFE003, lr  }
0x1b: {  	s9 =	sadd.s32 $0xFFFFFEF7, lr;
	s5 =	simm.s32 $0xFFFFFFFF;
	p2 =	slt.u32 s8, $0xFFFFF086  }
0x1c: {  	p1 =	slt.u32 s9, $0xF7A;
	s5 =	simm.s32 @!p2 $0x0  }
0x1d: {  	s5 =	simm.s32 @p1 $0x1;
	p0 =	seq.s32 s7, s2  }
0x1e: {  	s7 =	smul.u32 @!p0 $0xF7A, s2;
	p2 =	seq.s32 @!p0 s5, $0x0  }
0x1f: {  	s9 =	smul.u32 $0xF7A, s1;
	s8 =	simm.s32 @!p0 $0x1BF5;
	p2 =	por !p2, p0  }
0x20: {  	[sflag:s8] =	ssyncset.s32 @!p0 $0xFFFFF086;
	s6 =	sadd.s32 @!p0 s3, s7;
	s7 =	simm.s32 @!p0 $0x108  }
0x21: {  	s3 =	sadd.s32 s3, s9;
	s6 =	sadd.s32 @!p0 $0x88, s6;
	s7 =	simm.s32 @p2 $0x1082  }
0x22: {  	[simem:s7], [sflag:s8] =	dma.local @!p0 [hbm:s6], $0xF7A  }
0x23: {  	s9 =	sor.u32 $0xD0000000, s2;
	s6 =	simm.s32 $0x108;
	_ =	swait.ge @!p0 [sflag:s8], $0x0  }
0x24: {  	s3 =	sadd.s32 $0x88, s3;
	s6 =	simm.s32 @!p1 $0x1082;
	[sflag:s4] =	ssyncset.s32 $0xFFFFF086  }
0x25: {  	[simem:s6], [sflag:s4] =	dma.local [hbm:s3], $0xF7A  }
0x26: {  	[smem:$0x3F9B] =	sst s1;
	(tag) =	ssettag s2;
	_ =	strace s9  }
0x27: {  	s1 =	sld [smem:$0x3FAB]  }
0x28: {  	s2 =	sld [smem:$0x3FAC]  }
0x29: {  	s4 =	sld [smem:$0x3FAE]  }
0x2a: {  	p0 =	seq.s32 s5, $0x0;
	s5 =	sld [smem:$0x3FAF]  }
0x2b: {  	s6 =	sld [smem:$0x3FB0]  }
0x2c: {  	s7 =	sld [smem:$0x3FB1]  }
0x2d: {  	s3 =	simm.s32 $0x108;
	s8 =	sld [smem:$0x3FB2]  }
0x2e: {  	s3 =	simm.s32 @!p0 $0x1082;
	s9 =	sld [smem:$0x3FB3]  }
0x2f: {  	lr =	sadd.s32 s0, s3;
	s0 =	sld [smem:$0x3FAA]  }
0x30: {  	s3 =	sld [smem:$0x3FAD]  }
0x31: {  	[smem:$0x3FB6] =	sst s10  }
0x32: {  	s10 =	sld [smem:$0x3FB4];
	_ =	sdelay $0x3  }
0x33: {  	p0 =	seq.s32 s10, $0x1;
	s10 =	sld [smem:$0x3FB6];
	_ =	sdelay $0x3  }
0x34: {  	[smem:$0x3FB6] =	sst s10  }
0x35: {  	s10 =	sld [smem:$0x3FB5];
	_ =	sdelay $0x3  }
0x36: {  	p1 =	seq.s32 s10, $0x1;
	s10 =	sld [smem:$0x3FB6];
	_ =	sdelay $0x3  }
0x37: {  	[smem:$0x3FB6] =	sst s10  }
0x38: {  	s10 =	sld [smem:$0x3FB7]  }
0x39: {  	_ = 	snop;
	(pc) =	sbr.ind lr, $3  }
0x3a: {  	_ = 	snop  }
0x3b: {  	_ = 	snop  }
0x3c: {  	p2 =	seq.s32 s10, $0x1;
	s10 =	sld [smem:$0x3FB6]  }
0x3d: {  	_ =	shalt  }
0x3e: {  	_ =	shalt  }
0x3f: {  	_ =	shalt  }
0x40: {  	_ =	shalt  }
0x41: {  	_ =	shalt  }
0x42: {  	_ =	shalt  }
0x43: {  	_ =	shalt  }
0x44: {  	_ =	shalt  }
0x45: {  	_ =	shalt  }
0x46: {  	_ =	shalt  }
0x47: {  	_ =	shalt  }
0x48: {  	_ =	shalt  }
0x49: {  	_ =	shalt  }
0x4a: {  	_ =	shalt  }
0x4b: {  	_ =	shalt  }
0x4c: {  	_ =	shalt  }
0x4d: {  	_ =	shalt  }
0x4e: {  	_ =	shalt  }
0x4f: {  	_ =	shalt  }
0x50: {  	_ =	shalt  }
0x51: {  	_ =	shalt  }
0x52: {  	_ =	shalt  }
0x53: {  	_ =	shalt  }
0x54: {  	_ =	shalt  }
0x55: {  	_ =	shalt  }
0x56: {  	_ =	shalt  }
0x57: {  	_ =	shalt  }
0x58: {  	_ =	shalt  }
0x59: {  	_ =	shalt  }
0x5a: {  	_ =	shalt  }
0x5b: {  	_ =	shalt  }
0x5c: {  	_ =	shalt  }
0x5d: {  	_ =	shalt  }
0x5e: {  	_ =	shalt  }
0x5f: {  	_ =	shalt  }
0x60: {  	_ =	shalt  }
0x61: {  	_ =	shalt  }
0x62: {  	_ =	shalt  }
0x63: {  	_ =	shalt  }
0x64: {  	_ =	shalt  }
0x65: {  	_ =	shalt  }
0x66: {  	_ =	shalt  }
0x67: {  	_ =	shalt  }
0x68: {  	_ =	shalt  }
0x69: {  	_ =	shalt  }
0x6a: {  	_ =	shalt  }
0x6b: {  	_ =	shalt  }
0x6c: {  	_ =	shalt  }
0x6d: {  	_ =	shalt  }
0x6e: {  	_ =	shalt  }
0x6f: {  	_ =	shalt  }
0x70: {  	_ =	shalt  }
0x71: {  	_ =	shalt  }
0x72: {  	_ =	shalt  }
0x73: {  	_ =	shalt  }
0x74: {  	_ =	shalt  }
0x75: {  	_ =	shalt  }
0x76: {  	_ =	shalt  }
0x77: {  	_ =	shalt  }
0x78: {  	_ =	shalt  }
0x79: {  	_ =	shalt  }
0x7a: {  	_ =	shalt  }
0x7b: {  	_ =	shalt  }
0x7c: {  	_ =	shalt  }
0x7d: {  	_ =	shalt  }
0x7e: {  	_ =	shalt  }
0x7f: {  	_ =	shalt  }
0x80: {  	_ =	shalt  }
0x81: {  	_ =	shalt  }
0x82: {  	_ =	shalt  }
0x83: {  	_ =	shalt  }
0x84: {  	_ =	shalt  }
0x85: {  	_ =	shalt  }
0x86: {  	_ =	shalt  }
0x87: {  	_ =	shalt  }
.Lfunc_end0:
.L_simem_size_0:
called_computation_lowered:
.L_overlay_start_0:
0x88: {  	s2 =	sld [smem:$0x3FD9]  }
0x89: {  	s3 =	sld [smem:$0x3FFE];
	_ =	sdelay $0x1  }
0x8a: {  	s1 =	srdreg.scid  }
0x8b: {  	s0 =	sand.u32 $0x1, s1  }
0x8c: {  	s17 =	sshll.u32 s0, $0xA;
	s2 =	sadd.s32 s3, s2  }
0x8d: {  	s2 =	sadd.s32 s2, s17  }
0x8e: {  	[smem:$0x3FC2] =	sst s2  }
0x8f: {  	_ = 	snop  }
0x90: {  	s2 =	sld [smem:$0x3FC9];
	(tm) =	ssettm $0x1  }
0x91: {  	s18 =	sld [smem:$0x3FFB];
	_ =	sdelay $0x3  }
0x92: {  	_ =	strace s18  }
0x93: {  	s3 =	sld [smem:$0x3FFC];
	_ =	sdelay $0x3  }
0x94: {  	_ =	strace s3  }
0x95: {  	s3 =	sld [smem:$0x3FFD];
	_ =	sdelay $0x3  }
0x96: {  	_ =	strace s3  }
0x97: {  	_ =	strace $0x8FFFFFFF  }
0x98: {  	s19 =	sld [smem:$0x3FDB];
	_ =	sdelay $0x1  }
0x99: {  	s4 =	simm.s32 $_scs_section_size  }
0x9a: {  	s5 =	simm.s32 $_size__tile_overlayer_lowered;
	s6 =	simm.s32 $_tile_overlayer_lowered  }
0x9b: {  	s22 =	simm.s32 $0x1BFF;
	s21 =	sshll.u32 s6, $0x1;
	s3 =	sadd.s32 s4, s19  }
0x9c: {  	s7 =	simm.s32 $0x0;
	s20 =	sshll.u32 s5, $0x1;
	s5 =	sadd.s32 s21, s3  }
0x9d: {  	[timem:s7], [sflag:s22] =	dma.local [hbm:s5], s20  }
0x9e: {  	_ =	swait.ge [sflag:s22], s20  }
0x9f: {  	s4 =	ssub.s32 $0x0, s20;
	[sflag:s22] =	ssyncset.done $0x0  }
0xa0: {  	[sflag:s22] =	ssyncadd.s32 s4;
	_ =	sdelay $0x1  }
0xa1: {  	s23 =	simm.s32 $0x1B8B  }
0xa2: {  	_ =	swait.ge [sflag:s23], $0x1  }
0xa3: {  	[sflag:s23] =	ssyncset.done $0x0  }
0xa4: {  	s25 =	simm.s32 $0x1B8E;
	s24 =	sld [smem:$0x3FFE];
	[sflag:s23] =	ssyncadd.s32 $0xFFFFFFFF  }
0xa5: {  	s26 =	simm.s32 $execute0_lowered;
	[smem:$0x3FD2] =	sst s25  }
0xa6: {  	s5 =	sshll.u32 s26, $0x1;
	_ =	strace $0x80000046;
	[dreg:$0x1] =	wrdreg $0xFFFFFFFF  }
0xa7: {  	s28 =	simm.s32 $_size_execute0_lowered;
	s3 =	sadd.s32 s3, s5;
	[dreg:$0x0] =	wrdreg $0x0  }
0xa8: {  	s5 =	sshll.u32 s28, $0x1;
	[dreg:$0x2] =	wrdreg s3  }
0xa9: {  	[dreg:$0x3] =	wrdreg s5  }
0xaa: {  	[dreg:$0x4] =	wrdreg $0xC0  }
0xab: {  	_ =	task [dreg:s7], $0x5FFFF  }
0xac: {  	[dreg:$0x1] =	wrdreg $0xFFFFFFFF  }
0xad: {  	[dreg:$0x0] =	wrdreg $0x60  }
0xae: {  	[dreg:$0x2] =	wrdreg s2  }
0xaf: {  	[dreg:$0x3] =	wrdreg s24  }
0xb0: {  	[dreg:$0x4] =	wrdreg $0x9  }
0xb1: {  	_ =	task.clear_ibuf [dreg:s7], $0x5FFFF;
	_ =	strace $0x90000046  }
0xb2: {  	s29 =	simm.s32 $0x9;
	_ =	strace $0x80000048  }
0xb3: {  	_ =	swait.ge [sflag:s29], $0x1  }
0xb4: {  	[sflag:s29] =	ssyncadd.s32 $0xFFFFFFFF  }
0xb5: {  	_ =	strace $0x90000048  }
0xb6: {  	_ =	sfence  }
0xb7: {  	s30 =	sld [smem:$0x0];
	_ =	sdelay $0x2  }
0xb8: {  	s31 =	sshll.u32 s1, $0xD;
	s1 =	sshrl.u32 s1, $0x2  }
0xb9: {  	s3 =	sand.u32 $0x4000, s31;
	s1 =	sadd.s32 s1, s30  }
0xba: {  	s0 =	sor.u32 s3, s0;
	s1 =	sshll.u32 s1, $0x11  }
0xbb: {  	s0 =	sor.u32 s1, s0  }
0xbc: {  	s0 =	sadd.s32 $0x8F2B, s0  }
0xbd: {  	[sflag:s0] =	ssyncadd.remote.s32 $0x1  }
0xbe: {  	_ =	sfence.sel $0xFFFF  }
0xbf: {  	[dreg:$0x0] =	wrdreg $0xFFFFFFFF;
	(pc) =	sbr.abs _section_cstart, $3  }
0xc0: {  	[dreg:$0x1] =	wrdreg $0xFFFFFFFF  }
0xc1: {  	_ =	task.clear_ibuf [dreg:s7], $0x2FFFF;
	_ =	strace $0x9FFFFFFF  }
0xc2: {  	(tm) =	ssettm $0x7FFFFFFF  }
0xc3: {  	_ =	shalt  }
tec
execute0_lowered:
.L_overlay_start_1:
0x0: {  	(tag) =	ssettag $0x1  }
0x1: {  	s0 =	srdreg.scid;
	s1 =	rddreg [dreg:$0x0]  }
0x2: {  	s2 =	stileid.u32;
	s6 =	rddreg [dreg:$0x1];
	s9 =	simm.s32 $0x2  }
0x3: {  	s18 =	simm.s32 $0x1;
	s20 =	simm.s32 $0x880;
	s21 =	simm.s32 $0x1080  }
0x4: {  	s22 =	simm.s32 $0x1880;
	s28 =	simm.s32 $0x4080;
	s29 =	simm.s32 $0x4880  }
0x5: {  	s30 =	simm.s32 $0x5080;
	s31 =	simm.s32 $0x5880;
	s10 =	simm.s32 $0x7080  }
0x6: {  	s11 =	simm.s32 $0x7880;
	s12 =	simm.s32 $0x8080;
	s13 =	simm.s32 $0x8880  }
0x7: {  	s14 =	simm.s32 $0x9080;
	s15 =	simm.s32 $0x9880;
	s16 =	simm.s32 $0xA080  }
0x8: {  	s17 =	simm.s32 $0xA880;
	s0 =	sand.u32 $0x1, s0;
	s3 =	sshll.u32 s2, $0x7  }
0x9: {  	s2 =	simm.s32 $0x0;
	s5 =	sadd.s32 $0x11C00, s6;
	s4 =	sshll.u32 s0, $0x6  }
0xa: {  	[smem:$0x7FF] =	sst s2;
	s0 =	ssub.s32 $0x2, s0;
	s3 =	sor.u32 s4, s3  }
0xb: {  	_ =	strace $0x80000047;
	s24 =	sshrl.u32 s0, $0x1;
	s4 =	sshrl.u32 s3, $0x3  }
0xc: {  	s23 =	sshll.u32 s3, $0x7;
	s3 =	sadd.s32 $0x11A00, s6;
	s0 =	ssub.s32 s0, s24  }
0xd: {  	s24 =	simm.s32 $0x2880;
	s7 =	sadd.s32 s4, s6;
	s1 =	sadd.s32 s1, s23  }
0xe: {  	s4 =	sadd.s32 $0x11B00, s6;
	s6 =	sadd.s32 $0x11D00, s6;
	s23 =	simm.s32 $0x2080  }
0xf: {  	v2 =	vlaneseq.u32;
	[dreg:$0x3] =	wrdreg s1;
	s25 =	sadd.s32 $0x1600, s7;
	s26 =	sadd.s32 $0x1800, s7  }
0x10: {  	vm0 =	vmmov $0xffff;
	v1 =	vshrl.u32 v2, $0x3;
	s7 =	smax.u32 s0, $0x1;
	s1 =	simm.s32 $0x6080;
	[dreg:$0x4] =	wrdreg s25  }
0x11: {  	v0 =	vand.u32 $0x7, v2;
	v2 =	vor.u32 $0x8, v2;
	v1 =	vmul.u32 $0x8, v1;
	[dreg:$0x5] =	wrdreg s26;
	s25 =	simm.s32 $0x3080;
	s26 =	simm.s32 $0x3880  }
.LBB2_1:
0x12: {  	s19 =	rddreg [dreg:$0x3];
	s0 =	simm.s32 $0x80  }
0x13: {  	[tilespmem:s0], [sflag:$0x2] =	stream.linear.gather [hbm4b:s19+s2], $0x10000, $0x38;
	[tilespmem:$0x10080] =	vst v63  }
0x14: {  	_ =	swait.ge [sflag:s9], $0x10000  }
0x15: {  	[sflag:s9] =	ssyncset.done $0x0  }
0x16: {  	s8 =	rddreg [dreg:$0x4];
	[sflag:s9] =	ssyncadd.s32 $0xFFFF0000  }
0x17: {  	[tilespmem:s2], [sflag:$0x2] =	stream.linear.gather [hbm4b:s8+s2], $0x40, $0x38;
	[tilespmem:$0x10080] =	vst v63  }
0x18: {  	_ =	swait.ge [sflag:s9], $0x40  }
0x19: {  	[sflag:s9] =	ssyncset.done $0x0  }
0x1a: {  	[sflag:s9] =	ssyncadd.s32 $0xFFFFFFC0  }
0x1b: {  	v3 =	vld [tilespmem:$0x0];
	_ =	sdelay $0x4  }
0x1c: {  	v4 =	vshll.u32 v3, $0x3  }
0x1d: {  	v3 =	vand.u32 $0x7, v3;
	v4 =	vand.u32 $0xFFFFFFC0, v4  }
0x1e: {  	v3 =	vor.u32 v3, v4  }
0x1f: {  	v4 =	vperm.xlane v3, v0;
	_ =	sdelay $0x1  }
0x20: {  	v4 =	vadd.s32 v1, v4;
	_ =	sdelay $0x4  }
0x21: {  	[hbm4b:s3+s2] =	stream.indirect_vreg.scatter [tilespmem:s0], [sflag:$0x1], $0x80, v4, vm0, $0xb8;
	[tilespmem:$0x10080] =	vst v63  }
0x22: {  	v3 =	vperm.xlane v3, v2  }
0x23: {  	[hbm4b:s4+s2] =	stream.indirect_vreg.scatter [tilespmem:s20], [sflag:$0x1], $0x80, v4, vm0, $0xb8;
	[tilespmem:$0x10080] =	vst v63  }
0x24: {  	v3 =	vadd.s32 v1, v3  }
0x25: {  	[hbm4b:s5+s2] =	stream.indirect_vreg.scatter [tilespmem:s21], [sflag:$0x1], $0x80, v4, vm0, $0xb8;
	[tilespmem:$0x10080] =	vst v63  }
0x26: {  	_ = 	snop  }
0x27: {  	[hbm4b:s6+s2] =	stream.indirect_vreg.scatter [tilespmem:s22], [sflag:$0x1], $0x80, v4, vm0, $0xb8;
	[tilespmem:$0x10080] =	vst v63  }
0x28: {  	_ = 	snop  }
0x29: {  	[hbm4b:s3+s2] =	stream.indirect_vreg.scatter [tilespmem:s23], [sflag:$0x1], $0x80, v3, vm0, $0xb8;
	[tilespmem:$0x10080] =	vst v63  }
0x2a: {  	_ = 	snop  }
0x2b: {  	[hbm4b:s4+s2] =	stream.indirect_vreg.scatter [tilespmem:s24], [sflag:$0x1], $0x80, v3, vm0, $0xb8;
	[tilespmem:$0x10080] =	vst v63  }
0x2c: {  	_ = 	snop  }
0x2d: {  	[hbm4b:s5+s2] =	stream.indirect_vreg.scatter [tilespmem:s25], [sflag:$0x1], $0x80, v3, vm0, $0xb8;
	[tilespmem:$0x10080] =	vst v63  }
0x2e: {  	_ = 	snop  }
0x2f: {  	[hbm4b:s6+s2] =	stream.indirect_vreg.scatter [tilespmem:s26], [sflag:$0x1], $0x80, v3, vm0, $0xb8;
	[tilespmem:$0x10080] =	vst v63  }
0x30: {  	v3 =	vld [tilespmem:$0x10];
	_ =	sdelay $0x4  }
0x31: {  	v57 =	vshll.u32 v3, $0x3  }
0x32: {  	v3 =	vand.u32 $0x7, v3;
	v4 =	vand.u32 $0xFFFFFFC0, v57  }
0x33: {  	v3 =	vor.u32 v3, v4  }
0x34: {  	v4 =	vperm.xlane v3, v0;
	_ =	sdelay $0x1  }
0x35: {  	v4 =	vadd.s32 v1, v4;
	_ =	sdelay $0x4  }
0x36: {  	[hbm4b:s3+s2] =	stream.indirect_vreg.scatter [tilespmem:s28], [sflag:$0x1], $0x80, v4, vm0, $0xb8;
	[tilespmem:$0x10080] =	vst v63  }
0x37: {  	v3 =	vperm.xlane v3, v2  }
0x38: {  	[hbm4b:s4+s2] =	stream.indirect_vreg.scatter [tilespmem:s29], [sflag:$0x1], $0x80, v4, vm0, $0xb8;
	[tilespmem:$0x10080] =	vst v63  }
0x39: {  	v3 =	vadd.s32 v1, v3  }
0x3a: {  	[hbm4b:s5+s2] =	stream.indirect_vreg.scatter [tilespmem:s30], [sflag:$0x1], $0x80, v4, vm0, $0xb8;
	[tilespmem:$0x10080] =	vst v63  }
0x3b: {  	_ = 	snop  }
0x3c: {  	[hbm4b:s6+s2] =	stream.indirect_vreg.scatter [tilespmem:s31], [sflag:$0x1], $0x80, v4, vm0, $0xb8;
	[tilespmem:$0x10080] =	vst v63  }
0x3d: {  	_ = 	snop  }
0x3e: {  	[hbm4b:s3+s2] =	stream.indirect_vreg.scatter [tilespmem:s1], [sflag:$0x1], $0x80, v3, vm0, $0xb8;
	[tilespmem:$0x10080] =	vst v63  }
0x3f: {  	s8 =	simm.s32 $0x6880  }
0x40: {  	[hbm4b:s4+s2] =	stream.indirect_vreg.scatter [tilespmem:s8], [sflag:$0x1], $0x80, v3, vm0, $0xb8;
	[tilespmem:$0x10080] =	vst v63  }
0x41: {  	_ = 	snop  }
0x42: {  	[hbm4b:s5+s2] =	stream.indirect_vreg.scatter [tilespmem:s10], [sflag:$0x1], $0x80, v3, vm0, $0xb8;
	[tilespmem:$0x10080] =	vst v63  }
0x43: {  	_ = 	snop  }
0x44: {  	[hbm4b:s6+s2] =	stream.indirect_vreg.scatter [tilespmem:s11], [sflag:$0x1], $0x80, v3, vm0, $0xb8;
	[tilespmem:$0x10080] =	vst v63  }
0x45: {  	v3 =	vld [tilespmem:$0x20];
	_ =	sdelay $0x4  }
0x46: {  	v58 =	vshll.u32 v3, $0x3  }
0x47: {  	v3 =	vand.u32 $0x7, v3;
	v4 =	vand.u32 $0xFFFFFFC0, v58  }
0x48: {  	v3 =	vor.u32 v3, v4  }
0x49: {  	v4 =	vperm.xlane v3, v0;
	_ =	sdelay $0x1  }
0x4a: {  	v4 =	vadd.s32 v1, v4;
	_ =	sdelay $0x4  }
0x4b: {  	[hbm4b:s3+s2] =	stream.indirect_vreg.scatter [tilespmem:s12], [sflag:$0x1], $0x80, v4, vm0, $0xb8;
	[tilespmem:$0x10080] =	vst v63  }
0x4c: {  	v3 =	vperm.xlane v3, v2  }
0x4d: {  	[hbm4b:s4+s2] =	stream.indirect_vreg.scatter [tilespmem:s13], [sflag:$0x1], $0x80, v4, vm0, $0xb8;
	[tilespmem:$0x10080] =	vst v63  }
0x4e: {  	v3 =	vadd.s32 v1, v3  }
0x4f: {  	[hbm4b:s5+s2] =	stream.indirect_vreg.scatter [tilespmem:s14], [sflag:$0x1], $0x80, v4, vm0, $0xb8;
	[tilespmem:$0x10080] =	vst v63  }
0x50: {  	_ = 	snop  }
0x51: {  	[hbm4b:s6+s2] =	stream.indirect_vreg.scatter [tilespmem:s15], [sflag:$0x1], $0x80, v4, vm0, $0xb8;
	[tilespmem:$0x10080] =	vst v63  }
0x52: {  	_ = 	snop  }
0x53: {  	[hbm4b:s3+s2] =	stream.indirect_vreg.scatter [tilespmem:s16], [sflag:$0x1], $0x80, v3, vm0, $0xb8;
	[tilespmem:$0x10080] =	vst v63  }
0x54: {  	_ = 	snop  }
0x55: {  	[hbm4b:s4+s2] =	stream.indirect_vreg.scatter [tilespmem:s17], [sflag:$0x1], $0x80, v3, vm0, $0xb8;
	[tilespmem:$0x10080] =	vst v63  }
0x56: {  	s8 =	simm.s32 $0xB080  }
0x57: {  	[hbm4b:s5+s2] =	stream.indirect_vreg.scatter [tilespmem:s8], [sflag:$0x1], $0x80, v3, vm0, $0xb8;
	[tilespmem:$0x10080] =	vst v63  }
0x58: {  	s19 =	simm.s32 $0xB880  }
0x59: {  	[hbm4b:s6+s2] =	stream.indirect_vreg.scatter [tilespmem:s19], [sflag:$0x1], $0x80, v3, vm0, $0xb8;
	[tilespmem:$0x10080] =	vst v63  }
0x5a: {  	v3 =	vld [tilespmem:$0x30];
	_ =	sdelay $0x4  }
0x5b: {  	v59 =	vshll.u32 v3, $0x3  }
0x5c: {  	v3 =	vand.u32 $0x7, v3;
	v4 =	vand.u32 $0xFFFFFFC0, v59  }
0x5d: {  	v3 =	vor.u32 v3, v4  }
0x5e: {  	v4 =	vperm.xlane v3, v0;
	_ =	sdelay $0x1  }
0x5f: {  	v4 =	vadd.s32 v1, v4;
	_ =	sdelay $0x3  }
0x60: {  	s19 =	simm.s32 $0xC080  }
0x61: {  	[hbm4b:s3+s2] =	stream.indirect_vreg.scatter [tilespmem:s19], [sflag:$0x1], $0x80, v4, vm0, $0xb8;
	[tilespmem:$0x10080] =	vst v63  }
0x62: {  	v3 =	vperm.xlane v3, v2;
	s19 =	simm.s32 $0xC880  }
0x63: {  	[hbm4b:s4+s2] =	stream.indirect_vreg.scatter [tilespmem:s19], [sflag:$0x1], $0x80, v4, vm0, $0xb8;
	[tilespmem:$0x10080] =	vst v63  }
0x64: {  	v3 =	vadd.s32 v1, v3;
	s19 =	simm.s32 $0xD080  }
0x65: {  	[hbm4b:s5+s2] =	stream.indirect_vreg.scatter [tilespmem:s19], [sflag:$0x1], $0x80, v4, vm0, $0xb8;
	[tilespmem:$0x10080] =	vst v63  }
0x66: {  	s19 =	simm.s32 $0xD880  }
0x67: {  	[hbm4b:s6+s2] =	stream.indirect_vreg.scatter [tilespmem:s19], [sflag:$0x1], $0x80, v4, vm0, $0xb8;
	[tilespmem:$0x10080] =	vst v63  }
0x68: {  	s19 =	simm.s32 $0xE080  }
0x69: {  	[hbm4b:s3+s2] =	stream.indirect_vreg.scatter [tilespmem:s19], [sflag:$0x1], $0x80, v3, vm0, $0xb8;
	[tilespmem:$0x10080] =	vst v63  }
0x6a: {  	s19 =	simm.s32 $0xE880  }
0x6b: {  	[hbm4b:s4+s2] =	stream.indirect_vreg.scatter [tilespmem:s19], [sflag:$0x1], $0x80, v3, vm0, $0xb8;
	[tilespmem:$0x10080] =	vst v63  }
0x6c: {  	s19 =	simm.s32 $0xF080  }
0x6d: {  	[hbm4b:s5+s2] =	stream.indirect_vreg.scatter [tilespmem:s19], [sflag:$0x1], $0x80, v3, vm0, $0xb8;
	[tilespmem:$0x10080] =	vst v63  }
0x6e: {  	s19 =	simm.s32 $0xF880  }
0x6f: {  	[hbm4b:s6+s2] =	stream.indirect_vreg.scatter [tilespmem:s19], [sflag:$0x1], $0x80, v3, vm0, $0xb8;
	[tilespmem:$0x10080] =	vst v63  }
0x70: {  	_ =	swait.ge [sflag:s18], $0x10000  }
0x71: {  	[sflag:s18] =	ssyncset.done $0x0  }
0x72: {  	s19 =	rddreg [dreg:$0x5];
	[sflag:s18] =	ssyncadd.s32 $0xFFFF0000  }
0x73: {  	[tilespmem:s2], [sflag:$0x2] =	stream.linear.gather [hbm4b:s19+s2], $0x40, $0x38;
	[tilespmem:$0x10080] =	vst v63  }
0x74: {  	_ =	swait.ge [sflag:s9], $0x40  }
0x75: {  	[sflag:s9] =	ssyncset.done $0x0  }
0x76: {  	[sflag:s9] =	ssyncadd.s32 $0xFFFFFFC0  }
0x77: {  	v3 =	vld [tilespmem:$0x0];
	_ =	sdelay $0x4  }
0x78: {  	v60 =	vshll.u32 v3, $0x3  }
0x79: {  	v3 =	vand.u32 $0x7, v3;
	v4 =	vand.u32 $0xFFFFFFC0, v60  }
0x7a: {  	v3 =	vor.u32 v3, v4  }
0x7b: {  	v4 =	vperm.xlane v3, v0;
	_ =	sdelay $0x1  }
0x7c: {  	v4 =	vadd.s32 v1, v4;
	_ =	sdelay $0x4  }
0x7d: {  	[hbm4b:s3+s2] =	stream.indirect_vreg.scatter [tilespmem:s0], [sflag:$0x1], $0x80, v4, vm0, $0xb8;
	[tilespmem:$0x10080] =	vst v63  }
0x7e: {  	v3 =	vperm.xlane v3, v2  }
0x7f: {  	[hbm4b:s4+s2] =	stream.indirect_vreg.scatter [tilespmem:s20], [sflag:$0x1], $0x80, v4, vm0, $0xb8;
	[tilespmem:$0x10080] =	vst v63  }
0x80: {  	v3 =	vadd.s32 v1, v3  }
0x81: {  	[hbm4b:s5+s2] =	stream.indirect_vreg.scatter [tilespmem:s21], [sflag:$0x1], $0x80, v4, vm0, $0xb8;
	[tilespmem:$0x10080] =	vst v63  }
0x82: {  	_ = 	snop  }
0x83: {  	[hbm4b:s6+s2] =	stream.indirect_vreg.scatter [tilespmem:s22], [sflag:$0x1], $0x80, v4, vm0, $0xb8;
	[tilespmem:$0x10080] =	vst v63  }
0x84: {  	_ = 	snop  }
0x85: {  	[hbm4b:s3+s2] =	stream.indirect_vreg.scatter [tilespmem:s23], [sflag:$0x1], $0x80, v3, vm0, $0xb8;
	[tilespmem:$0x10080] =	vst v63  }
0x86: {  	_ = 	snop  }
0x87: {  	[hbm4b:s4+s2] =	stream.indirect_vreg.scatter [tilespmem:s24], [sflag:$0x1], $0x80, v3, vm0, $0xb8;
	[tilespmem:$0x10080] =	vst v63  }
0x88: {  	_ = 	snop  }
0x89: {  	[hbm4b:s5+s2] =	stream.indirect_vreg.scatter [tilespmem:s25], [sflag:$0x1], $0x80, v3, vm0, $0xb8;
	[tilespmem:$0x10080] =	vst v63  }
0x8a: {  	_ = 	snop  }
0x8b: {  	[hbm4b:s6+s2] =	stream.indirect_vreg.scatter [tilespmem:s26], [sflag:$0x1], $0x80, v3, vm0, $0xb8;
	[tilespmem:$0x10080] =	vst v63  }
0x8c: {  	v3 =	vld [tilespmem:$0x10];
	_ =	sdelay $0x4  }
0x8d: {  	v61 =	vshll.u32 v3, $0x3  }
0x8e: {  	v3 =	vand.u32 $0x7, v3;
	v4 =	vand.u32 $0xFFFFFFC0, v61  }
0x8f: {  	v3 =	vor.u32 v3, v4  }
0x90: {  	v4 =	vperm.xlane v3, v0;
	_ =	sdelay $0x1  }
0x91: {  	v4 =	vadd.s32 v1, v4;
	_ =	sdelay $0x4  }
0x92: {  	[hbm4b:s3+s2] =	stream.indirect_vreg.scatter [tilespmem:s28], [sflag:$0x1], $0x80, v4, vm0, $0xb8;
	[tilespmem:$0x10080] =	vst v63  }
0x93: {  	v3 =	vperm.xlane v3, v2  }
0x94: {  	[hbm4b:s4+s2] =	stream.indirect_vreg.scatter [tilespmem:s29], [sflag:$0x1], $0x80, v4, vm0, $0xb8;
	[tilespmem:$0x10080] =	vst v63  }
0x95: {  	v3 =	vadd.s32 v1, v3  }
0x96: {  	[hbm4b:s5+s2] =	stream.indirect_vreg.scatter [tilespmem:s30], [sflag:$0x1], $0x80, v4, vm0, $0xb8;
	[tilespmem:$0x10080] =	vst v63  }
0x97: {  	_ = 	snop  }
0x98: {  	[hbm4b:s6+s2] =	stream.indirect_vreg.scatter [tilespmem:s31], [sflag:$0x1], $0x80, v4, vm0, $0xb8;
	[tilespmem:$0x10080] =	vst v63  }
0x99: {  	_ = 	snop  }
0x9a: {  	[hbm4b:s3+s2] =	stream.indirect_vreg.scatter [tilespmem:s1], [sflag:$0x1], $0x80, v3, vm0, $0xb8;
	[tilespmem:$0x10080] =	vst v63  }
0x9b: {  	s19 =	simm.s32 $0x6880  }
0x9c: {  	[hbm4b:s4+s2] =	stream.indirect_vreg.scatter [tilespmem:s19], [sflag:$0x1], $0x80, v3, vm0, $0xb8;
	[tilespmem:$0x10080] =	vst v63  }
0x9d: {  	_ = 	snop  }
0x9e: {  	[hbm4b:s5+s2] =	stream.indirect_vreg.scatter [tilespmem:s10], [sflag:$0x1], $0x80, v3, vm0, $0xb8;
	[tilespmem:$0x10080] =	vst v63  }
0x9f: {  	_ = 	snop  }
0xa0: {  	[hbm4b:s6+s2] =	stream.indirect_vreg.scatter [tilespmem:s11], [sflag:$0x1], $0x80, v3, vm0, $0xb8;
	[tilespmem:$0x10080] =	vst v63  }
0xa1: {  	v3 =	vld [tilespmem:$0x20];
	_ =	sdelay $0x4  }
0xa2: {  	v62 =	vshll.u32 v3, $0x3  }
0xa3: {  	v3 =	vand.u32 $0x7, v3;
	v4 =	vand.u32 $0xFFFFFFC0, v62  }
0xa4: {  	v3 =	vor.u32 v3, v4  }
0xa5: {  	v4 =	vperm.xlane v3, v0;
	_ =	sdelay $0x1  }
0xa6: {  	v4 =	vadd.s32 v1, v4;
	_ =	sdelay $0x4  }
0xa7: {  	[hbm4b:s3+s2] =	stream.indirect_vreg.scatter [tilespmem:s12], [sflag:$0x1], $0x80, v4, vm0, $0xb8;
	[tilespmem:$0x10080] =	vst v63  }
0xa8: {  	v3 =	vperm.xlane v3, v2  }
0xa9: {  	[hbm4b:s4+s2] =	stream.indirect_vreg.scatter [tilespmem:s13], [sflag:$0x1], $0x80, v4, vm0, $0xb8;
	[tilespmem:$0x10080] =	vst v63  }
0xaa: {  	v3 =	vadd.s32 v1, v3  }
0xab: {  	[hbm4b:s5+s2] =	stream.indirect_vreg.scatter [tilespmem:s14], [sflag:$0x1], $0x80, v4, vm0, $0xb8;
	[tilespmem:$0x10080] =	vst v63  }
0xac: {  	_ = 	snop  }
0xad: {  	[hbm4b:s6+s2] =	stream.indirect_vreg.scatter [tilespmem:s15], [sflag:$0x1], $0x80, v4, vm0, $0xb8;
	[tilespmem:$0x10080] =	vst v63  }
0xae: {  	_ = 	snop  }
0xaf: {  	[hbm4b:s3+s2] =	stream.indirect_vreg.scatter [tilespmem:s16], [sflag:$0x1], $0x80, v3, vm0, $0xb8;
	[tilespmem:$0x10080] =	vst v63  }
0xb0: {  	_ = 	snop  }
0xb1: {  	[hbm4b:s4+s2] =	stream.indirect_vreg.scatter [tilespmem:s17], [sflag:$0x1], $0x80, v3, vm0, $0xb8;
	[tilespmem:$0x10080] =	vst v63  }
0xb2: {  	_ = 	snop  }
0xb3: {  	[hbm4b:s5+s2] =	stream.indirect_vreg.scatter [tilespmem:s8], [sflag:$0x1], $0x80, v3, vm0, $0xb8;
	[tilespmem:$0x10080] =	vst v63  }
0xb4: {  	s19 =	simm.s32 $0xB880  }
0xb5: {  	[hbm4b:s6+s2] =	stream.indirect_vreg.scatter [tilespmem:s19], [sflag:$0x1], $0x80, v3, vm0, $0xb8;
	[tilespmem:$0x10080] =	vst v63  }
0xb6: {  	v3 =	vld [tilespmem:$0x30];
	_ =	sdelay $0x4  }
0xb7: {  	v63 =	vshll.u32 v3, $0x3  }
0xb8: {  	v3 =	vand.u32 $0x7, v3;
	v4 =	vand.u32 $0xFFFFFFC0, v63  }
0xb9: {  	v3 =	vor.u32 v3, v4  }
0xba: {  	v4 =	vperm.xlane v3, v0;
	_ =	sdelay $0x1  }
0xbb: {  	v4 =	vadd.s32 v1, v4;
	_ =	sdelay $0x3  }
0xbc: {  	s8 =	simm.s32 $0xC080  }
0xbd: {  	[hbm4b:s3+s2] =	stream.indirect_vreg.scatter [tilespmem:s8], [sflag:$0x1], $0x80, v4, vm0, $0xb8;
	[tilespmem:$0x10080] =	vst v63  }
0xbe: {  	s19 =	simm.s32 $0xC880;
	v3 =	vperm.xlane v3, v2  }
0xbf: {  	[hbm4b:s4+s2] =	stream.indirect_vreg.scatter [tilespmem:s19], [sflag:$0x1], $0x80, v4, vm0, $0xb8;
	[tilespmem:$0x10080] =	vst v63  }
0xc0: {  	v3 =	vadd.s32 v1, v3;
	s8 =	simm.s32 $0xD080  }
0xc1: {  	[hbm4b:s5+s2] =	stream.indirect_vreg.scatter [tilespmem:s8], [sflag:$0x1], $0x80, v4, vm0, $0xb8;
	[tilespmem:$0x10080] =	vst v63  }
0xc2: {  	s19 =	simm.s32 $0xD880  }
0xc3: {  	[hbm4b:s6+s2] =	stream.indirect_vreg.scatter [tilespmem:s19], [sflag:$0x1], $0x80, v4, vm0, $0xb8;
	[tilespmem:$0x10080] =	vst v63  }
0xc4: {  	s8 =	simm.s32 $0xE080  }
0xc5: {  	[hbm4b:s3+s2] =	stream.indirect_vreg.scatter [tilespmem:s8], [sflag:$0x1], $0x80, v3, vm0, $0xb8;
	[tilespmem:$0x10080] =	vst v63  }
0xc6: {  	s19 =	simm.s32 $0xE880  }
0xc7: {  	[hbm4b:s4+s2] =	stream.indirect_vreg.scatter [tilespmem:s19], [sflag:$0x1], $0x80, v3, vm0, $0xb8;
	[tilespmem:$0x10080] =	vst v63  }
0xc8: {  	p0 =	sne.s32 s7, $0x1;
	s8 =	simm.s32 $0xF080  }
0xc9: {  	[hbm4b:s5+s2] =	stream.indirect_vreg.scatter [tilespmem:s8], [sflag:$0x1], $0x80, v3, vm0, $0xb8;
	[tilespmem:$0x10080] =	vst v63  }
.Ltmp0:
0xca: {  	s19 =	simm.s32 $0xF880;
	(pc) =	sbr.rel @p0 .LBB2_1-.Ltmp0, $4  }
0xcb: {  	[hbm4b:s6+s2] =	stream.indirect_vreg.scatter [tilespmem:s19], [sflag:$0x1], $0x80, v3, vm0, $0xb8;
	[tilespmem:$0x10080] =	vst v63  }
0xcc: {  	_ =	swait.ge [sflag:s18], $0x10000  }
0xcd: {  	[sflag:s18] =	ssyncset.done $0x0  }
0xce: {  	s7 =	sadd.s32 $0xFFFFFFFF, s7;
	[sflag:s18] =	ssyncadd.s32 $0xFFFF0000  }
0xcf: {  	_ =	sfence.sel $0x180000  }
0xd0: {  	[bflag:$0x0] =	sbarrier.arrive $0xFFFF  }
0xd1: {  	_ =	strace $0x90000047  }
0xd2: {  	s0 =	stileid.u32;
	[bflag:$0x2] =	sbarrier.arrive $0xFFFF  }
0xd3: {  	p0 =	sne.s32 s0, $0x0;
	s0 =	rddreg [dreg:$0x2]  }
0xd4: {  	s0 =	sadd.s32 @!p0 $0x100000, s0  }
0xd5: {  	[sflag:s0] =	ssyncadd.tile.s32 @!p0 $0x1;
	_ =	shalt  }
.Lfunc_end2:
_tile_overlayer_lowered:
.L_overlay_start_2:
0xd6: {  	(tag) =	ssettag $0x2  }
0xd7: {  	s0 =	rddreg [dreg:$0x0];
	s2 =	stileid.u32  }
0xd8: {  	s1 =	rddreg [dreg:$0x1];
	p0 =	sne.s32 s2, $0x0  }
0xd9: {  	s3 =	rddreg [dreg:$0x2];
	[bflag:$0x3] =	sbarrier.arrive $0xFFFF;
	s2 =	simm.s32 @!p0 $0x1C02  }
0xda: {  	[timem:s3], [sflag:s2] =	dma.local @!p0 [hbm:s0], s1  }
0xdb: {  	s0 =	simm.s32 @!p0 $0x2  }
0xdc: {  	_ =	swait.ge @!p0 [sflag:s0], s1  }
0xdd: {  	s1 =	ssub.s32 @!p0 $0x0, s1;
	[sflag:s0] =	ssyncset.done @!p0 $0x0  }
0xde: {  	[sflag:s0] =	ssyncadd.s32 @!p0 s1  }
0xdf: {  	[bflag:$0x3] =	sbarrier.arrive $0xFFFF  }
0xe0: {  	_ =	shalt  }

// kernel: kernel.9.cloned.1.call-start
scs
__scs_entry_jumppad:
0x0: {  	(pc) =	sbr.rel $0x88, $3  }
0x1: {  	(tag) =	ssettag $0x0;
	lr =	simm.s32 $0x1  }
0x2: {  	[smem:$0x3F9B] =	sst lr;
	_ =	strace $0xD0000000  }
0x3: {  	_ = 	snop  }
0x4: {  	_ = 	snop  }
0x5: {  	_ = 	snop  }
0x6: {  	_ = 	snop  }
0x7: {  	_ = 	snop  }
__scs_overlays_trampoline_lowered:
0x8: {  	[smem:$0x3FAA] =	sst s0  }
0x9: {  	[smem:$0x3FAB] =	sst s1  }
0xa: {  	[smem:$0x3FAC] =	sst s2  }
0xb: {  	[smem:$0x3FAD] =	sst s3  }
0xc: {  	[smem:$0x3FAE] =	sst s4  }
0xd: {  	[smem:$0x3FAF] =	sst s5  }
0xe: {  	[smem:$0x3FB0] =	sst s6  }
0xf: {  	[smem:$0x3FB1] =	sst s7  }
0x10: {  	[smem:$0x3FB2] =	sst s8  }
0x11: {  	[smem:$0x3FB3] =	sst s9;
	s0 =	simm.s32 @!p0 $0x0  }
0x12: {  	s1 =	sld [smem:$0x3F99];
	s0 =	simm.s32 @p0 $0x1  }
0x13: {  	[smem:$0x3FB4] =	sst s0;
	s0 =	simm.s32 @!p1 $0x0  }
0x14: {  	s2 =	sld [smem:$0x3F98];
	s0 =	simm.s32 @p1 $0x1  }
0x15: {  	[smem:$0x3FB5] =	sst s0;
	s0 =	simm.s32 @!p2 $0x0  }
0x16: {  	s3 =	sld [smem:$0x3FDB];
	s0 =	simm.s32 @p2 $0x1  }
0x17: {  	s4 =	simm.s32 $0x1BF5;
	[smem:$0x3FB7] =	sst s0  }
0x18: {  	s0 =	sld [smem:$0x3F9A];
	_ =	swait.ge [sflag:s4], $0x0  }
0x19: {  	s7 =	sld [smem:$0x3F9B]  }
0x1a: {  	s8 =	sadd.s32 $0xFFFFE003, lr  }
0x1b: {  	s9 =	sadd.s32 $0xFFFFFEF7, lr;
	s5 =	simm.s32 $0xFFFFFFFF;
	p2 =	slt.u32 s8, $0xFFFFF086  }
0x1c: {  	p1 =	slt.u32 s9, $0xF7A;
	s5 =	simm.s32 @!p2 $0x0  }
0x1d: {  	s5 =	simm.s32 @p1 $0x1;
	p0 =	seq.s32 s7, s2  }
0x1e: {  	s7 =	smul.u32 @!p0 $0xF7A, s2;
	p2 =	seq.s32 @!p0 s5, $0x0  }
0x1f: {  	s9 =	smul.u32 $0xF7A, s1;
	s8 =	simm.s32 @!p0 $0x1BF5;
	p2 =	por !p2, p0  }
0x20: {  	[sflag:s8] =	ssyncset.s32 @!p0 $0xFFFFF086;
	s6 =	sadd.s32 @!p0 s3, s7;
	s7 =	simm.s32 @!p0 $0x108  }
0x21: {  	s3 =	sadd.s32 s3, s9;
	s6 =	sadd.s32 @!p0 $0x88, s6;
	s7 =	simm.s32 @p2 $0x1082  }
0x22: {  	[simem:s7], [sflag:s8] =	dma.local @!p0 [hbm:s6], $0xF7A  }
0x23: {  	s9 =	sor.u32 $0xD0000000, s2;
	s6 =	simm.s32 $0x108;
	_ =	swait.ge @!p0 [sflag:s8], $0x0  }
0x24: {  	s3 =	sadd.s32 $0x88, s3;
	s6 =	simm.s32 @!p1 $0x1082;
	[sflag:s4] =	ssyncset.s32 $0xFFFFF086  }
0x25: {  	[simem:s6], [sflag:s4] =	dma.local [hbm:s3], $0xF7A  }
0x26: {  	[smem:$0x3F9B] =	sst s1;
	(tag) =	ssettag s2;
	_ =	strace s9  }
0x27: {  	s1 =	sld [smem:$0x3FAB]  }
0x28: {  	s2 =	sld [smem:$0x3FAC]  }
0x29: {  	s4 =	sld [smem:$0x3FAE]  }
0x2a: {  	p0 =	seq.s32 s5, $0x0;
	s5 =	sld [smem:$0x3FAF]  }
0x2b: {  	s6 =	sld [smem:$0x3FB0]  }
0x2c: {  	s7 =	sld [smem:$0x3FB1]  }
0x2d: {  	s3 =	simm.s32 $0x108;
	s8 =	sld [smem:$0x3FB2]  }
0x2e: {  	s3 =	simm.s32 @!p0 $0x1082;
	s9 =	sld [smem:$0x3FB3]  }
0x2f: {  	lr =	sadd.s32 s0, s3;
	s0 =	sld [smem:$0x3FAA]  }
0x30: {  	s3 =	sld [smem:$0x3FAD]  }
0x31: {  	[smem:$0x3FB6] =	sst s10  }
0x32: {  	s10 =	sld [smem:$0x3FB4];
	_ =	sdelay $0x3  }
0x33: {  	p0 =	seq.s32 s10, $0x1;
	s10 =	sld [smem:$0x3FB6];
	_ =	sdelay $0x3  }
0x34: {  	[smem:$0x3FB6] =	sst s10  }
0x35: {  	s10 =	sld [smem:$0x3FB5];
	_ =	sdelay $0x3  }
0x36: {  	p1 =	seq.s32 s10, $0x1;
	s10 =	sld [smem:$0x3FB6];
	_ =	sdelay $0x3  }
0x37: {  	[smem:$0x3FB6] =	sst s10  }
0x38: {  	s10 =	sld [smem:$0x3FB7]  }
0x39: {  	_ = 	snop;
	(pc) =	sbr.ind lr, $3  }
0x3a: {  	_ = 	snop  }
0x3b: {  	_ = 	snop  }
0x3c: {  	p2 =	seq.s32 s10, $0x1;
	s10 =	sld [smem:$0x3FB6]  }
0x3d: {  	_ =	shalt  }
0x3e: {  	_ =	shalt  }
0x3f: {  	_ =	shalt  }
0x40: {  	_ =	shalt  }
0x41: {  	_ =	shalt  }
0x42: {  	_ =	shalt  }
0x43: {  	_ =	shalt  }
0x44: {  	_ =	shalt  }
0x45: {  	_ =	shalt  }
0x46: {  	_ =	shalt  }
0x47: {  	_ =	shalt  }
0x48: {  	_ =	shalt  }
0x49: {  	_ =	shalt  }
0x4a: {  	_ =	shalt  }
0x4b: {  	_ =	shalt  }
0x4c: {  	_ =	shalt  }
0x4d: {  	_ =	shalt  }
0x4e: {  	_ =	shalt  }
0x4f: {  	_ =	shalt  }
0x50: {  	_ =	shalt  }
0x51: {  	_ =	shalt  }
0x52: {  	_ =	shalt  }
0x53: {  	_ =	shalt  }
0x54: {  	_ =	shalt  }
0x55: {  	_ =	shalt  }
0x56: {  	_ =	shalt  }
0x57: {  	_ =	shalt  }
0x58: {  	_ =	shalt  }
0x59: {  	_ =	shalt  }
0x5a: {  	_ =	shalt  }
0x5b: {  	_ =	shalt  }
0x5c: {  	_ =	shalt  }
0x5d: {  	_ =	shalt  }
0x5e: {  	_ =	shalt  }
0x5f: {  	_ =	shalt  }
0x60: {  	_ =	shalt  }
0x61: {  	_ =	shalt  }
0x62: {  	_ =	shalt  }
0x63: {  	_ =	shalt  }
0x64: {  	_ =	shalt  }
0x65: {  	_ =	shalt  }
0x66: {  	_ =	shalt  }
0x67: {  	_ =	shalt  }
0x68: {  	_ =	shalt  }
0x69: {  	_ =	shalt  }
0x6a: {  	_ =	shalt  }
0x6b: {  	_ =	shalt  }
0x6c: {  	_ =	shalt  }
0x6d: {  	_ =	shalt  }
0x6e: {  	_ =	shalt  }
0x6f: {  	_ =	shalt  }
0x70: {  	_ =	shalt  }
0x71: {  	_ =	shalt  }
0x72: {  	_ =	shalt  }
0x73: {  	_ =	shalt  }
0x74: {  	_ =	shalt  }
0x75: {  	_ =	shalt  }
0x76: {  	_ =	shalt  }
0x77: {  	_ =	shalt  }
0x78: {  	_ =	shalt  }
0x79: {  	_ =	shalt  }
0x7a: {  	_ =	shalt  }
0x7b: {  	_ =	shalt  }
0x7c: {  	_ =	shalt  }
0x7d: {  	_ =	shalt  }
0x7e: {  	_ =	shalt  }
0x7f: {  	_ =	shalt  }
0x80: {  	_ =	shalt  }
0x81: {  	_ =	shalt  }
0x82: {  	_ =	shalt  }
0x83: {  	_ =	shalt  }
0x84: {  	_ =	shalt  }
0x85: {  	_ =	shalt  }
0x86: {  	_ =	shalt  }
0x87: {  	_ =	shalt  }
.Lfunc_end0:
.L_simem_size_0:
called_computation.1_lowered:
.L_overlay_start_0:
0x88: {  	s2 =	sld [smem:$0x3FD9]  }
0x89: {  	s3 =	sld [smem:$0x3FFE];
	_ =	sdelay $0x1  }
0x8a: {  	s1 =	srdreg.scid  }
0x8b: {  	s0 =	sand.u32 $0x1, s1  }
0x8c: {  	s14 =	sshll.u32 s0, $0xA;
	s2 =	sadd.s32 s3, s2  }
0x8d: {  	s2 =	sadd.s32 s2, s14  }
0x8e: {  	[smem:$0x3FC2] =	sst s2  }
0x8f: {  	_ = 	snop  }
0x90: {  	s2 =	sld [smem:$0x3FD0];
	_ =	sdelay $0x2  }
0x91: {  	s15 =	simm.s32 $0xA;
	s4 =	simm.s32 $0x10  }
0x92: {  	[smem:s4], [sflag:s15] =	dma.local [hbm:s2], $0x1  }
0x93: {  	_ =	swait.eq [sflag:s15], $0x1  }
0x94: {  	[sflag:s15] =	ssyncset.done $0x0  }
0x95: {  	[sflag:s15] =	ssyncadd.s32 $0xFFFFFFFF  }
0x96: {  	s16 =	sld [smem:$0x10];
	(tm) =	ssettm $0x1  }
0x97: {  	s17 =	sld [smem:$0x3FFB];
	_ =	sdelay $0x3  }
0x98: {  	_ =	strace s17  }
0x99: {  	s3 =	sld [smem:$0x3FFC];
	_ =	sdelay $0x3  }
0x9a: {  	_ =	strace s3  }
0x9b: {  	s3 =	sld [smem:$0x3FFD];
	_ =	sdelay $0x3  }
0x9c: {  	_ =	strace s3  }
0x9d: {  	_ =	strace $0x8FFFFFFF  }
0x9e: {  	s18 =	sld [smem:$0x3FDB];
	_ =	sdelay $0x1  }
0x9f: {  	s19 =	simm.s32 $_scs_section_size  }
0xa0: {  	s5 =	simm.s32 $_size__tile_overlayer_lowered;
	s6 =	simm.s32 $_tile_overlayer_lowered  }
0xa1: {  	s22 =	simm.s32 $0x1BFF;
	s21 =	sshll.u32 s6, $0x1;
	s3 =	sadd.s32 s19, s18  }
0xa2: {  	s7 =	simm.s32 $0x0;
	s20 =	sshll.u32 s5, $0x1;
	s5 =	sadd.s32 s21, s3  }
0xa3: {  	[timem:s7], [sflag:s22] =	dma.local [hbm:s5], s20  }
0xa4: {  	_ =	swait.ge [sflag:s22], s20  }
0xa5: {  	s4 =	ssub.s32 $0x0, s20;
	[sflag:s22] =	ssyncset.done $0x0  }
0xa6: {  	[sflag:s22] =	ssyncadd.s32 s4;
	_ =	sdelay $0x1  }
0xa7: {  	s23 =	simm.s32 $0x1B8B  }
0xa8: {  	_ =	swait.ge [sflag:s23], $0x1  }
0xa9: {  	[sflag:s23] =	ssyncset.done $0x0  }
0xaa: {  	s25 =	simm.s32 $0x1B8E;
	s24 =	sld [smem:$0x3FFE];
	[sflag:s23] =	ssyncadd.s32 $0xFFFFFFFF  }
0xab: {  	s26 =	simm.s32 $execute0_lowered;
	[smem:$0x3FD2] =	sst s25  }
0xac: {  	s5 =	sshll.u32 s26, $0x1;
	_ =	strace $0x80000049;
	[dreg:$0x1] =	wrdreg $0xFFFFFFFF  }
0xad: {  	s28 =	simm.s32 $_size_execute0_lowered;
	s3 =	sadd.s32 s3, s5;
	[dreg:$0x0] =	wrdreg $0x0  }
0xae: {  	s5 =	sshll.u32 s28, $0x1;
	[dreg:$0x2] =	wrdreg s3  }
0xaf: {  	[dreg:$0x3] =	wrdreg s5  }
0xb0: {  	[dreg:$0x4] =	wrdreg $0xC0  }
0xb1: {  	_ =	task [dreg:s7], $0x5FFFF  }
0xb2: {  	[dreg:$0x1] =	wrdreg $0xFFFFFFFF  }
0xb3: {  	[dreg:$0x0] =	wrdreg $0x60  }
0xb4: {  	[dreg:$0x2] =	wrdreg s24  }
0xb5: {  	[dreg:$0x3] =	wrdreg s16  }
0xb6: {  	[dreg:$0x4] =	wrdreg $0x9  }
0xb7: {  	_ =	task.clear_ibuf [dreg:s7], $0x5FFFF;
	_ =	strace $0x90000049  }
0xb8: {  	s29 =	simm.s32 $0x9;
	_ =	strace $0x8000004B  }
0xb9: {  	_ =	swait.ge [sflag:s29], $0x1  }
0xba: {  	[sflag:s29] =	ssyncadd.s32 $0xFFFFFFFF  }
0xbb: {  	_ =	strace $0x9000004B  }
0xbc: {  	_ =	sfence  }
0xbd: {  	s30 =	sld [smem:$0x0];
	_ =	sdelay $0x2  }
0xbe: {  	s31 =	sshll.u32 s1, $0xD;
	s1 =	sshrl.u32 s1, $0x2  }
0xbf: {  	s3 =	sand.u32 $0x4000, s31;
	s1 =	sadd.s32 s1, s30  }
0xc0: {  	s0 =	sor.u32 s3, s0;
	s1 =	sshll.u32 s1, $0x11  }
0xc1: {  	s0 =	sor.u32 s1, s0  }
0xc2: {  	s0 =	sadd.s32 $0x8F2B, s0  }
0xc3: {  	[sflag:s0] =	ssyncadd.remote.s32 $0x1  }
0xc4: {  	_ =	sfence.sel $0xFFFF  }
0xc5: {  	[dreg:$0x0] =	wrdreg $0xFFFFFFFF;
	(pc) =	sbr.abs _section_cstart, $3  }
0xc6: {  	[dreg:$0x1] =	wrdreg $0xFFFFFFFF  }
0xc7: {  	_ =	task.clear_ibuf [dreg:s7], $0x2FFFF;
	_ =	strace $0x9FFFFFFF  }
0xc8: {  	(tm) =	ssettm $0x7FFFFFFF  }
0xc9: {  	_ =	shalt  }
tec
execute0_lowered:
.L_overlay_start_1:
0x0: {  	(tag) =	ssettag $0x1  }
0x1: {  	s0 =	rddreg [dreg:$0x0]  }
0x2: {  	s1 =	rddreg [dreg:$0x1];
	s3 =	srdreg.scid  }
0x3: {  	s2 =	simm.s32 $0x0;
	s5 =	stileid.u32;
	s16 =	simm.s32 $0x7  }
0x4: {  	s28 =	simm.s32 $0x11900;
	s12 =	simm.s32 $0x12100;
	s29 =	simm.s32 $0x12900  }
0x5: {  	s13 =	simm.s32 $0x13100;
	s30 =	simm.s32 $0x13900;
	s14 =	simm.s32 $0x1  }
0x6: {  	s31 =	simm.s32 $0x3;
	s15 =	simm.s32 $0x14100;
	s17 =	simm.s32 $0x18100  }
0x7: {  	s4 =	sand.u32 $0x1, s3;
	[smem:$0x7FF] =	sst s2;
	s18 =	sshll.u32 s5, $0x7  }
0x8: {  	s3 =	sadd.s32 $0x91E00, s0;
	s10 =	sadd.s32 $0x92000, s0;
	s11 =	sadd.s32 $0x92100, s0  }
0x9: {  	s19 =	sshll.u32 s4, $0x6;
	_ =	strace $0x8000004A;
	s4 =	ssub.s32 $0x2, s4  }
0xa: {  	s5 =	sor.u32 s19, s18;
	s8 =	sshrl.u32 s4, $0x1;
	s18 =	simm.s32 $0x5  }
0xb: {  	s19 =	simm.s32 $0x6;
	s6 =	sshrl.u32 s5, $0x3;
	s4 =	ssub.s32 s4, s8  }
0xc: {  	s7 =	sshll.u32 s5, $0x4;
	s6 =	sadd.s32 s6, s0;
	s26 =	smax.u32 s4, $0x1  }
0xd: {  	s5 =	sshll.u32 s5, $0x7;
	s20 =	sadd.s32 $0x1600, s6;
	[dreg:$0xa] =	wrdreg s26  }
0xe: {  	s7 =	sadd.s32 s7, s0;
	s6 =	sadd.s32 $0x1800, s6;
	[dreg:$0x3] =	wrdreg s20  }
0xf: {  	s8 =	sadd.s32 $0x91F00, s0;
	s21 =	sadd.s32 $0x1A00, s7;
	[dreg:$0x4] =	wrdreg s6  }
0x10: {  	s9 =	sadd.s32 s1, s5;
	s22 =	sadd.s32 $0x9A00, s7;
	[dreg:$0x5] =	wrdreg s21  }
0x11: {  	s0 =	simm.s32 $0x2;
	s23 =	sadd.s32 $0x800, s9;
	[dreg:$0x6] =	wrdreg s22  }
0x12: {  	v2 =	vlaneseq.u32;
	s1 =	simm.s32 $0x4;
	s24 =	sadd.s32 $0x1000, s9;
	[dreg:$0x7] =	wrdreg s23  }
0x13: {  	vm0 =	vmmov $0xffff;
	v1 =	vshrl.u32 v2, $0x3;
	s4 =	simm.s32 $0x0;
	s25 =	sadd.s32 $0x1800, s9;
	[dreg:$0x8] =	wrdreg s24  }
0x14: {  	v0 =	vand.u32 $0x7, v2;
	v2 =	vor.u32 $0x8, v2;
	v1 =	vmul.u32 $0x8, v1;
	s26 =	simm.s32 $0x11100;
	[dreg:$0x9] =	wrdreg s25;
	s25 =	simm.s32 $0x4100  }
.LBB2_1:
0x15: {  	s5 =	rddreg [dreg:$0x3]  }
0x16: {  	[tilespmem:s2], [sflag:$0x7] =	stream.linear.gather [hbm4b:s5+s2], $0x40, $0x38;
	[tilespmem:$0x1C100] =	vst v63  }
0x17: {  	_ =	swait.ge [sflag:s16], $0x40  }
0x18: {  	[sflag:s16] =	ssyncset.done $0x0  }
0x19: {  	s6 =	simm.s32 $0x80;
	s22 =	rddreg [dreg:$0x4];
	[sflag:s16] =	ssyncadd.s32 $0xFFFFFFC0  }
0x1a: {  	[tilespmem:s6], [sflag:$0x7] =	stream.linear.gather [hbm4b:s22+s2], $0x40, $0x38;
	[tilespmem:$0x1C100] =	vst v63  }
0x1b: {  	_ =	swait.ge [sflag:s16], $0x40  }
0x1c: {  	[sflag:s16] =	ssyncset.done $0x0  }
0x1d: {  	s24 =	simm.s32 $0x100;
	s23 =	rddreg [dreg:$0x5];
	[sflag:s16] =	ssyncadd.s32 $0xFFFFFFC0  }
0x1e: {  	[tilespmem:s24], [sflag:$0x7] =	stream.linear.gather [hbm4b:s23+s2], $0x2000, $0x38;
	[tilespmem:$0x1C100] =	vst v63  }
0x1f: {  	_ =	swait.ge [sflag:s16], $0x2000  }
0x20: {  	[sflag:s16] =	ssyncset.done $0x0  }
0x21: {  	s20 =	simm.s32 $0x2100;
	s7 =	rddreg [dreg:$0x6];
	[sflag:s16] =	ssyncadd.s32 $0xFFFFE000  }
0x22: {  	[tilespmem:s20], [sflag:$0x7] =	stream.linear.gather [hbm4b:s7+s2], $0x2000, $0x38;
	[tilespmem:$0x1C100] =	vst v63  }
0x23: {  	_ =	swait.ge [sflag:s16], $0x2000  }
0x24: {  	[sflag:s16] =	ssyncset.done $0x0  }
0x25: {  	[sflag:s16] =	ssyncadd.s32 $0xFFFFE000  }
0x26: {  	v3 =	vld [tilespmem:$0x0];
	_ =	sdelay $0x4  }
0x27: {  	v4 =	vshll.u32 v3, $0x3  }
0x28: {  	v3 =	vand.u32 $0x7, v3;
	v4 =	vand.u32 $0xFFFFFFC0, v4  }
0x29: {  	v3 =	vor.u32 v3, v4  }
0x2a: {  	v4 =	vperm.xlane v3, v0;
	_ =	sdelay $0x1  }
0x2b: {  	v4 =	vadd.s32 v1, v4;
	_ =	sdelay $0x4  }
0x2c: {  	[tilespmem:s25], [sflag:$0x1] =	stream.indirect_vreg.gather [hbm4b:s3+s2], $0x80, v4, vm0, $0xb8;
	[tilespmem:$0x1C100] =	vst v63  }
0x2d: {  	s21 =	simm.s32 $0x4900;
	v3 =	vperm.xlane v3, v2  }
0x2e: {  	[tilespmem:s21], [sflag:$0x1] =	stream.indirect_vreg.gather [hbm4b:s8+s2], $0x80, v4, vm0, $0xb8;
	[tilespmem:$0x1C100] =	vst v63  }
0x2f: {  	s22 =	simm.s32 $0x5100;
	v3 =	vadd.s32 v1, v3  }
0x30: {  	[tilespmem:s22], [sflag:$0x1] =	stream.indirect_vreg.gather [hbm4b:s10+s2], $0x80, v4, vm0, $0xb8;
	[tilespmem:$0x1C100] =	vst v63  }
0x31: {  	s23 =	simm.s32 $0x5900  }
0x32: {  	[tilespmem:s23], [sflag:$0x1] =	stream.indirect_vreg.gather [hbm4b:s11+s2], $0x80, v4, vm0, $0xb8;
	[tilespmem:$0x1C100] =	vst v63  }
0x33: {  	s24 =	simm.s32 $0x6100  }
0x34: {  	[tilespmem:s24], [sflag:$0x1] =	stream.indirect_vreg.gather [hbm4b:s3+s2], $0x80, v3, vm0, $0xb8;
	[tilespmem:$0x1C100] =	vst v63  }
0x35: {  	s6 =	simm.s32 $0x6900  }
0x36: {  	[tilespmem:s6], [sflag:$0x1] =	stream.indirect_vreg.gather [hbm4b:s8+s2], $0x80, v3, vm0, $0xb8;
	[tilespmem:$0x1C100] =	vst v63  }
0x37: {  	s7 =	simm.s32 $0x7100  }
0x38: {  	[tilespmem:s7], [sflag:$0x1] =	stream.indirect_vreg.gather [hbm4b:s10+s2], $0x80, v3, vm0, $0xb8;
	[tilespmem:$0x1C100] =	vst v63  }
0x39: {  	s20 =	simm.s32 $0x7900  }
0x3a: {  	[tilespmem:s20], [sflag:$0x1] =	stream.indirect_vreg.gather [hbm4b:s11+s2], $0x80, v3, vm0, $0xb8;
	[tilespmem:$0x1C100] =	vst v63  }
0x3b: {  	v3 =	vld [tilespmem:$0x80];
	_ =	sdelay $0x4  }
0x3c: {  	v61 =	vshll.u32 v3, $0x3  }
0x3d: {  	v3 =	vand.u32 $0x7, v3;
	v4 =	vand.u32 $0xFFFFFFC0, v61  }
0x3e: {  	v3 =	vor.u32 v3, v4  }
0x3f: {  	v4 =	vperm.xlane v3, v0;
	_ =	sdelay $0x1  }
0x40: {  	v4 =	vadd.s32 v1, v4;
	_ =	sdelay $0x3  }
0x41: {  	s21 =	simm.s32 $0xC100  }
0x42: {  	[tilespmem:s21], [sflag:$0x3] =	stream.indirect_vreg.gather [hbm4b:s3+s2], $0x80, v4, vm0, $0xb8;
	[tilespmem:$0x1C100] =	vst v63  }
0x43: {  	s22 =	simm.s32 $0xC900;
	v3 =	vperm.xlane v3, v2  }
0x44: {  	[tilespmem:s22], [sflag:$0x3] =	stream.indirect_vreg.gather [hbm4b:s8+s2], $0x80, v4, vm0, $0xb8;
	[tilespmem:$0x1C100] =	vst v63  }
0x45: {  	s23 =	simm.s32 $0xD100;
	v3 =	vadd.s32 v1, v3  }
0x46: {  	[tilespmem:s23], [sflag:$0x3] =	stream.indirect_vreg.gather [hbm4b:s10+s2], $0x80, v4, vm0, $0xb8;
	[tilespmem:$0x1C100] =	vst v63  }
0x47: {  	s24 =	simm.s32 $0xD900  }
0x48: {  	[tilespmem:s24], [sflag:$0x3] =	stream.indirect_vreg.gather [hbm4b:s11+s2], $0x80, v4, vm0, $0xb8;
	[tilespmem:$0x1C100] =	vst v63  }
0x49: {  	s6 =	simm.s32 $0xE100  }
0x4a: {  	[tilespmem:s6], [sflag:$0x3] =	stream.indirect_vreg.gather [hbm4b:s3+s2], $0x80, v3, vm0, $0xb8;
	[tilespmem:$0x1C100] =	vst v63  }
0x4b: {  	s7 =	simm.s32 $0xE900  }
0x4c: {  	[tilespmem:s7], [sflag:$0x3] =	stream.indirect_vreg.gather [hbm4b:s8+s2], $0x80, v3, vm0, $0xb8;
	[tilespmem:$0x1C100] =	vst v63  }
0x4d: {  	s20 =	simm.s32 $0xF100  }
0x4e: {  	[tilespmem:s20], [sflag:$0x3] =	stream.indirect_vreg.gather [hbm4b:s10+s2], $0x80, v3, vm0, $0xb8;
	[tilespmem:$0x1C100] =	vst v63  }
0x4f: {  	s21 =	simm.s32 $0xF900  }
0x50: {  	[tilespmem:s21], [sflag:$0x3] =	stream.indirect_vreg.gather [hbm4b:s11+s2], $0x80, v3, vm0, $0xb8;
	[tilespmem:$0x1C100] =	vst v63  }
0x51: {  	v3 =	vld [tilespmem:$0x10];
	_ =	sdelay $0x4  }
0x52: {  	v62 =	vshll.u32 v3, $0x3  }
0x53: {  	v3 =	vand.u32 $0x7, v3;
	v4 =	vand.u32 $0xFFFFFFC0, v62  }
0x54: {  	v3 =	vor.u32 v3, v4  }
0x55: {  	v4 =	vperm.xlane v3, v0;
	_ =	sdelay $0x1  }
0x56: {  	v4 =	vadd.s32 v1, v4;
	_ =	sdelay $0x3  }
0x57: {  	s22 =	simm.s32 $0x8100  }
0x58: {  	[tilespmem:s22], [sflag:$0x2] =	stream.indirect_vreg.gather [hbm4b:s3+s2], $0x80, v4, vm0, $0xb8;
	[tilespmem:$0x1C100] =	vst v63  }
0x59: {  	s23 =	simm.s32 $0x8900;
	v3 =	vperm.xlane v3, v2  }
0x5a: {  	[tilespmem:s23], [sflag:$0x2] =	stream.indirect_vreg.gather [hbm4b:s8+s2], $0x80, v4, vm0, $0xb8;
	[tilespmem:$0x1C100] =	vst v63  }
0x5b: {  	s24 =	simm.s32 $0x9100;
	v3 =	vadd.s32 v1, v3  }
0x5c: {  	[tilespmem:s24], [sflag:$0x2] =	stream.indirect_vreg.gather [hbm4b:s10+s2], $0x80, v4, vm0, $0xb8;
	[tilespmem:$0x1C100] =	vst v63  }
0x5d: {  	s6 =	simm.s32 $0x9900  }
0x5e: {  	[tilespmem:s6], [sflag:$0x2] =	stream.indirect_vreg.gather [hbm4b:s11+s2], $0x80, v4, vm0, $0xb8;
	[tilespmem:$0x1C100] =	vst v63  }
0x5f: {  	s7 =	simm.s32 $0xA100  }
0x60: {  	[tilespmem:s7], [sflag:$0x2] =	stream.indirect_vreg.gather [hbm4b:s3+s2], $0x80, v3, vm0, $0xb8;
	[tilespmem:$0x1C100] =	vst v63  }
0x61: {  	s20 =	simm.s32 $0xA900  }
0x62: {  	[tilespmem:s20], [sflag:$0x2] =	stream.indirect_vreg.gather [hbm4b:s8+s2], $0x80, v3, vm0, $0xb8;
	[tilespmem:$0x1C100] =	vst v63  }
0x63: {  	s21 =	simm.s32 $0xB100  }
0x64: {  	[tilespmem:s21], [sflag:$0x2] =	stream.indirect_vreg.gather [hbm4b:s10+s2], $0x80, v3, vm0, $0xb8;
	[tilespmem:$0x1C100] =	vst v63  }
0x65: {  	s22 =	simm.s32 $0xB900  }
0x66: {  	[tilespmem:s22], [sflag:$0x2] =	stream.indirect_vreg.gather [hbm4b:s11+s2], $0x80, v3, vm0, $0xb8;
	[tilespmem:$0x1C100] =	vst v63  }
0x67: {  	v3 =	vld [tilespmem:$0x90];
	_ =	sdelay $0x4  }
0x68: {  	v63 =	vshll.u32 v3, $0x3  }
0x69: {  	v3 =	vand.u32 $0x7, v3;
	v4 =	vand.u32 $0xFFFFFFC0, v63  }
0x6a: {  	v3 =	vor.u32 v3, v4  }
0x6b: {  	v4 =	vperm.xlane v3, v0;
	_ =	sdelay $0x1  }
0x6c: {  	v4 =	vadd.s32 v1, v4;
	_ =	sdelay $0x3  }
0x6d: {  	s23 =	simm.s32 $0x10100  }
0x6e: {  	[tilespmem:s23], [sflag:$0x4] =	stream.indirect_vreg.gather [hbm4b:s3+s2], $0x80, v4, vm0, $0xb8;
	[tilespmem:$0x1C100] =	vst v63  }
0x6f: {  	s24 =	simm.s32 $0x10900;
	v3 =	vperm.xlane v3, v2  }
0x70: {  	[tilespmem:s24], [sflag:$0x4] =	stream.indirect_vreg.gather [hbm4b:s8+s2], $0x80, v4, vm0, $0xb8;
	[tilespmem:$0x1C100] =	vst v63  }
0x71: {  	v3 =	vadd.s32 v1, v3  }
0x72: {  	[tilespmem:s26], [sflag:$0x4] =	stream.indirect_vreg.gather [hbm4b:s10+s2], $0x80, v4, vm0, $0xb8;
	[tilespmem:$0x1C100] =	vst v63  }
0x73: {  	_ = 	snop  }
0x74: {  	[tilespmem:s28], [sflag:$0x4] =	stream.indirect_vreg.gather [hbm4b:s11+s2], $0x80, v4, vm0, $0xb8;
	[tilespmem:$0x1C100] =	vst v63  }
0x75: {  	_ = 	snop  }
0x76: {  	[tilespmem:s12], [sflag:$0x4] =	stream.indirect_vreg.gather [hbm4b:s3+s2], $0x80, v3, vm0, $0xb8;
	[tilespmem:$0x1C100] =	vst v63  }
0x77: {  	_ = 	snop  }
0x78: {  	[tilespmem:s29], [sflag:$0x4] =	stream.indirect_vreg.gather [hbm4b:s8+s2], $0x80, v3, vm0, $0xb8;
	[tilespmem:$0x1C100] =	vst v63  }
0x79: {  	_ = 	snop  }
0x7a: {  	[tilespmem:s13], [sflag:$0x4] =	stream.indirect_vreg.gather [hbm4b:s10+s2], $0x80, v3, vm0, $0xb8;
	[tilespmem:$0x1C100] =	vst v63  }
0x7b: {  	_ = 	snop  }
0x7c: {  	[tilespmem:s30], [sflag:$0x4] =	stream.indirect_vreg.gather [hbm4b:s11+s2], $0x80, v3, vm0, $0xb8;
	[tilespmem:$0x1C100] =	vst v63  }
0x7d: {  	_ =	swait.ge [sflag:s14], $0x4000  }
0x7e: {  	[sflag:s14] =	ssyncset.done $0x0  }
0x7f: {  	[sflag:s14] =	ssyncadd.s32 $0xFFFFC000  }
0x80: {  	_ =	swait.ge [sflag:s31], $0x4000  }
0x81: {  	[sflag:s31] =	ssyncset.done $0x0  }
0x82: {  	s5 =	simm.s32 $0x0;
	[sflag:s31] =	ssyncadd.s32 $0xFFFFC000  }
.LBB2_2:
0x83: {  	s6 =	sshll.u32 s5, $0x7;
	s7 =	sshll.u32 s5, $0xA  }
0x84: {  	s22 =	simm.s32 $0x0;
	s7 =	sand.u32 $0x2000, s7;
	s20 =	sand.u32 $0x380, s6  }
0x85: {  	s23 =	sand.u32 $0x40, s22;
	s21 =	sor.u32 s7, s20  }
0x86: {  	v3 =	vld [tilespmem:s6+$0x100];
	s24 =	sand.u32 $0x1C00, s22;
	s7 =	sor.u32 s23, s21  }
0x87: {  	v4 =	vld [tilespmem:s6+$0x2100];
	s6 =	sor.u32 s24, s7  }
0x88: {  	v5 =	vld [tilespmem:s6+$0x4130]  }
0x89: {  	v6 =	vld [tilespmem:s6+$0xC130]  }
0x8a: {  	v7 =	vld [tilespmem:s6+$0x4100]  }
0x8b: {  	v8 =	vld [tilespmem:s6+$0xC100]  }
0x8c: {  	s22 =	simm.s32 $0x40;
	v9 =	vld [tilespmem:s6+$0x4110]  }
0x8d: {  	s23 =	simm.s32 $0x200;
	s7 =	sand.u32 $0x40, s22;
	v10 =	vld [tilespmem:s6+$0xC110]  }
0x8e: {  	s20 =	sand.u32 $0x1C00, s23;
	s7 =	sor.u32 s7, s21;
	v11 =	vld [tilespmem:s6+$0x4120];
	v5 =	vmul.f32 v5, v3;
	v6 =	vmul.f32 v6, v4  }
0x8f: {  	v12 =	vld [tilespmem:s6+$0xC120];
	s20 =	sor.u32 s20, s7;
	vm1 =	vgt.f32 v4, $0.0e+00;
	vm2 =	vgt.f32 v3, $0.0e+00;
	v7 =	vmul.f32 v7, v3  }
0x90: {  	v13 =	vld [tilespmem:s20+$0x4130];
	v15 =	vmul.f32 v8, v4;
	v5 =	vnsel vm2, $0x0, v5;
	v6 =	vnsel vm1, $0x0, v6  }
0x91: {  	v14 =	vld [tilespmem:s20+$0xC130];
	v9 =	vmul.f32 v9, v3;
	v5 =	vadd.f32 v6, v5  }
0x92: {  	v8 =	vld [tilespmem:s20+$0x4100];
	v10 =	vmul.f32 v10, v4;
	v15 =	vnsel vm1, $0x0, v15;
	v6 =	vnsel vm2, $0x0, v7  }
0x93: {  	v11 =	vmul.f32 v11, v3;
	v7 =	vld [tilespmem:s20+$0xC100];
	v15 =	vadd.f32 v15, v6;
	[tilespmem:s6+$0x14130] =	vst v5  }
0x94: {  	s24 =	simm.s32 $0x80;
	v16 =	vmul.f32 v12, v4;
	v9 =	vnsel vm2, $0x0, v9;
	v10 =	vnsel vm1, $0x0, v10;
	v5 =	vld [tilespmem:s20+$0x4110]  }
0x95: {  	s22 =	simm.s32 $0x400;
	s7 =	sand.u32 $0x40, s24;
	v11 =	vnsel vm2, $0x0, v11;
	v10 =	vadd.f32 v10, v9;
	v6 =	vld [tilespmem:s20+$0xC110];
	[tilespmem:s6+$0x14100] =	vst v15  }
0x96: {  	s23 =	sand.u32 $0x1C00, s22;
	s24 =	sor.u32 s7, s21;
	s7 =	simm.s32 $0xC0;
	v12 =	vmul.f32 v13, v3;
	v13 =	vmul.f32 v14, v4;
	v14 =	vnsel vm1, $0x0, v16;
	v9 =	vld [tilespmem:s20+$0x4120]  }
.LBB2_3:
0x97: {  	p0 =	sne.s32 s7, $0x3C0;
	s23 =	sor.u32 s23, s24;
	v8 =	vmul.f32 v8, v3;
	v15 =	vld [tilespmem:s20+$0xC120];
	[tilespmem:s6+$0x14110] =	vst v10;
	v10 =	vadd.f32 v14, v11  }
0x98: {  	v14 =	vld [tilespmem:s23+$0x4130];
	v7 =	vmul.f32 v7, v4;
	v11 =	vnsel vm2, $0x0, v12;
	v12 =	vnsel vm1, $0x0, v13  }
0x99: {  	v13 =	vld [tilespmem:s23+$0xC130];
	v16 =	vnsel vm2, $0x0, v8;
	v5 =	vmul.f32 v5, v3;
	v11 =	vadd.f32 v12, v11;
	[tilespmem:s6+$0x14120] =	vst v10;
	s6 =	smov.u32 s20;
	s20 =	smov.u32 s23  }
.Ltmp0:
0x9a: {  	v8 =	vld [tilespmem:s20+$0x4100];
	v10 =	vnsel vm1, $0x0, v7;
	v6 =	vmul.f32 v6, v4;
	(pc) =	sbr.rel @p0 .LBB2_3-.Ltmp0, $4  }
0x9b: {  	v7 =	vld [tilespmem:s20+$0xC100];
	v10 =	vadd.f32 v10, v16;
	v12 =	vnsel vm2, $0x0, v5;
	v9 =	vmul.f32 v9, v3;
	[tilespmem:s6+$0x14130] =	vst v11  }
0x9c: {  	v5 =	vld [tilespmem:s20+$0x4110];
	v11 =	vnsel vm1, $0x0, v6;
	v15 =	vmul.f32 v15, v4  }
0x9d: {  	s24 =	sand.u32 $0x40, s7;
	s22 =	sadd.s32 $0x200, s22;
	v6 =	vld [tilespmem:s20+$0xC110];
	[tilespmem:s6+$0x14100] =	vst v10;
	v10 =	vadd.f32 v11, v12;
	v11 =	vnsel vm2, $0x0, v9  }
0x9e: {  	s7 =	sadd.s32 $0x40, s7;
	s24 =	sor.u32 s24, s21;
	s23 =	sand.u32 $0x1C00, s22;
	v12 =	vmul.f32 v14, v3;
	v9 =	vld [tilespmem:s20+$0x4120];
	v13 =	vmul.f32 v13, v4;
	v14 =	vnsel vm1, $0x0, v15  }
0x9f: {  	v15 =	vld [tilespmem:s20+$0xC120];
	s7 =	sor.u32 s23, s24;
	[tilespmem:s6+$0x14110] =	vst v10;
	v47 =	vadd.f32 v14, v11;
	v8 =	vmul.f32 v8, v3  }
0xa0: {  	v48 =	vld [tilespmem:s7+$0x4130];
	v12 =	vnsel vm2, $0x0, v12;
	v13 =	vnsel vm1, $0x0, v13;
	v7 =	vmul.f32 v7, v4  }
0xa1: {  	v49 =	vld [tilespmem:s7+$0xC130];
	[tilespmem:s6+$0x14120] =	vst v47;
	v50 =	vadd.f32 v13, v12  }
0xa2: {  	v8 =	vnsel vm2, $0x0, v8;
	v51 =	vld [tilespmem:s7+$0x4100];
	v7 =	vnsel vm1, $0x0, v7  }
0xa3: {  	v52 =	vld [tilespmem:s7+$0xC100];
	[tilespmem:s20+$0x14130] =	vst v50;
	v7 =	vadd.f32 v7, v8  }
0xa4: {  	v5 =	vmul.f32 v5, v3;
	v53 =	vld [tilespmem:s7+$0x4110]  }
0xa5: {  	v6 =	vmul.f32 v6, v4;
	v10 =	vld [tilespmem:s7+$0xC110];
	[tilespmem:s20+$0x14100] =	vst v7  }
0xa6: {  	v9 =	vmul.f32 v9, v3;
	v5 =	vnsel vm2, $0x0, v5;
	v54 =	vmul.f32 v15, v4;
	v55 =	vld [tilespmem:s7+$0x4120]  }
0xa7: {  	v6 =	vnsel vm1, $0x0, v6;
	v11 =	vmul.f32 v48, v3;
	v14 =	vmul.f32 v49, v4;
	v16 =	vld [tilespmem:s7+$0xC120]  }
0xa8: {  	v9 =	vnsel vm2, $0x0, v9;
	v5 =	vadd.f32 v6, v5;
	v7 =	vnsel vm1, $0x0, v54  }
0xa9: {  	v12 =	vmul.f32 v51, v3;
	v58 =	vnsel vm2, $0x0, v11;
	v59 =	vnsel vm1, $0x0, v14  }
0xaa: {  	v56 =	vadd.f32 v7, v9;
	v57 =	vmul.f32 v52, v4;
	v9 =	vadd.f32 v59, v58  }
0xab: {  	s5 =	sadd.s32 $0x1, s5;
	v12 =	vnsel vm2, $0x0, v12;
	v8 =	vmul.f32 v53, v3;
	v10 =	vmul.f32 v10, v4  }
0xac: {  	p0 =	sne.s32 s5, $0x10;
	[tilespmem:s20+$0x14110] =	vst v5;
	v60 =	vnsel vm1, $0x0, v57;
	v3 =	vmul.f32 v55, v3;
	v61 =	vmul.f32 v16, v4  }
.Ltmp1:
0xad: {  	[tilespmem:s20+$0x14120] =	vst v56;
	v5 =	vadd.f32 v60, v12;
	v62 =	vnsel vm2, $0x0, v8;
	v63 =	vnsel vm1, $0x0, v10;
	(pc) =	sbr.rel @p0 .LBB2_2-.Ltmp1, $4  }
0xae: {  	[tilespmem:s7+$0x14130] =	vst v9;
	v6 =	vadd.f32 v63, v62;
	v3 =	vnsel vm2, $0x0, v3;
	v4 =	vnsel vm1, $0x0, v61  }
0xaf: {  	[tilespmem:s7+$0x14100] =	vst v5;
	v3 =	vadd.f32 v4, v3  }
0xb0: {  	[tilespmem:s7+$0x14110] =	vst v6  }
0xb1: {  	[tilespmem:s7+$0x14120] =	vst v3  }
0xb2: {  	s5 =	simm.s32 $0x0  }
0xb3: {  	[hbm4b:s9+s5] =	stream.linear.scatter [tilespmem:s15], [sflag:$0x5], $0x4000, $0x38;
	[tilespmem:$0x1C100] =	vst v63  }
0xb4: {  	v3 =	vld [tilespmem:$0x20];
	_ =	sdelay $0x4  }
0xb5: {  	v4 =	vshll.u32 v3, $0x3  }
0xb6: {  	v3 =	vand.u32 $0x7, v3;
	v4 =	vand.u32 $0xFFFFFFC0, v4  }
0xb7: {  	v3 =	vor.u32 v3, v4  }
0xb8: {  	v4 =	vperm.xlane v3, v0;
	_ =	sdelay $0x1  }
0xb9: {  	v4 =	vadd.s32 v1, v4;
	_ =	sdelay $0x4  }
0xba: {  	[tilespmem:s25], [sflag:$0x1] =	stream.indirect_vreg.gather [hbm4b:s3+s5], $0x80, v4, vm0, $0xb8;
	[tilespmem:$0x1C100] =	vst v63  }
0xbb: {  	s6 =	simm.s32 $0x4900;
	v3 =	vperm.xlane v3, v2  }
0xbc: {  	[tilespmem:s6], [sflag:$0x1] =	stream.indirect_vreg.gather [hbm4b:s8+s5], $0x80, v4, vm0, $0xb8;
	[tilespmem:$0x1C100] =	vst v63  }
0xbd: {  	s7 =	simm.s32 $0x5100;
	v3 =	vadd.s32 v1, v3  }
0xbe: {  	[tilespmem:s7], [sflag:$0x1] =	stream.indirect_vreg.gather [hbm4b:s10+s5], $0x80, v4, vm0, $0xb8;
	[tilespmem:$0x1C100] =	vst v63  }
0xbf: {  	s20 =	simm.s32 $0x5900  }
0xc0: {  	[tilespmem:s20], [sflag:$0x1] =	stream.indirect_vreg.gather [hbm4b:s11+s5], $0x80, v4, vm0, $0xb8;
	[tilespmem:$0x1C100] =	vst v63  }
0xc1: {  	s21 =	simm.s32 $0x6100  }
0xc2: {  	[tilespmem:s21], [sflag:$0x1] =	stream.indirect_vreg.gather [hbm4b:s3+s5], $0x80, v3, vm0, $0xb8;
	[tilespmem:$0x1C100] =	vst v63  }
0xc3: {  	s22 =	simm.s32 $0x6900  }
0xc4: {  	[tilespmem:s22], [sflag:$0x1] =	stream.indirect_vreg.gather [hbm4b:s8+s5], $0x80, v3, vm0, $0xb8;
	[tilespmem:$0x1C100] =	vst v63  }
0xc5: {  	s23 =	simm.s32 $0x7100  }
0xc6: {  	[tilespmem:s23], [sflag:$0x1] =	stream.indirect_vreg.gather [hbm4b:s10+s5], $0x80, v3, vm0, $0xb8;
	[tilespmem:$0x1C100] =	vst v63  }
0xc7: {  	s24 =	simm.s32 $0x7900  }
0xc8: {  	[tilespmem:s24], [sflag:$0x1] =	stream.indirect_vreg.gather [hbm4b:s11+s5], $0x80, v3, vm0, $0xb8;
	[tilespmem:$0x1C100] =	vst v63  }
0xc9: {  	v3 =	vld [tilespmem:$0xA0];
	_ =	sdelay $0x4  }
0xca: {  	v63 =	vshll.u32 v3, $0x3  }
0xcb: {  	v3 =	vand.u32 $0x7, v3;
	v4 =	vand.u32 $0xFFFFFFC0, v63  }
0xcc: {  	v3 =	vor.u32 v3, v4  }
0xcd: {  	v4 =	vperm.xlane v3, v0;
	_ =	sdelay $0x1  }
0xce: {  	v4 =	vadd.s32 v1, v4;
	_ =	sdelay $0x3  }
0xcf: {  	s25 =	simm.s32 $0xC100  }
0xd0: {  	[tilespmem:s25], [sflag:$0x3] =	stream.indirect_vreg.gather [hbm4b:s3+s5], $0x80, v4, vm0, $0xb8;
	[tilespmem:$0x1C100] =	vst v63  }
0xd1: {  	s7 =	simm.s32 $0xC900;
	v3 =	vperm.xlane v3, v2  }
0xd2: {  	[tilespmem:s7], [sflag:$0x3] =	stream.indirect_vreg.gather [hbm4b:s8+s5], $0x80, v4, vm0, $0xb8;
	[tilespmem:$0x1C100] =	vst v63  }
0xd3: {  	s20 =	simm.s32 $0xD100;
	v3 =	vadd.s32 v1, v3  }
0xd4: {  	[tilespmem:s20], [sflag:$0x3] =	stream.indirect_vreg.gather [hbm4b:s10+s5], $0x80, v4, vm0, $0xb8;
	[tilespmem:$0x1C100] =	vst v63  }
0xd5: {  	s21 =	simm.s32 $0xD900  }
0xd6: {  	[tilespmem:s21], [sflag:$0x3] =	stream.indirect_vreg.gather [hbm4b:s11+s5], $0x80, v4, vm0, $0xb8;
	[tilespmem:$0x1C100] =	vst v63  }
0xd7: {  	s22 =	simm.s32 $0xE100  }
0xd8: {  	[tilespmem:s22], [sflag:$0x3] =	stream.indirect_vreg.gather [hbm4b:s3+s5], $0x80, v3, vm0, $0xb8;
	[tilespmem:$0x1C100] =	vst v63  }
0xd9: {  	s23 =	simm.s32 $0xE900  }
0xda: {  	[tilespmem:s23], [sflag:$0x3] =	stream.indirect_vreg.gather [hbm4b:s8+s5], $0x80, v3, vm0, $0xb8;
	[tilespmem:$0x1C100] =	vst v63  }
0xdb: {  	s24 =	simm.s32 $0xF100  }
0xdc: {  	[tilespmem:s24], [sflag:$0x3] =	stream.indirect_vreg.gather [hbm4b:s10+s5], $0x80, v3, vm0, $0xb8;
	[tilespmem:$0x1C100] =	vst v63  }
0xdd: {  	s25 =	simm.s32 $0xF900  }
0xde: {  	[tilespmem:s25], [sflag:$0x3] =	stream.indirect_vreg.gather [hbm4b:s11+s5], $0x80, v3, vm0, $0xb8;
	[tilespmem:$0x1C100] =	vst v63  }
0xdf: {  	_ =	swait.ge [sflag:s0], $0x4000  }
0xe0: {  	[sflag:s0] =	ssyncset.done $0x0  }
0xe1: {  	[sflag:s0] =	ssyncadd.s32 $0xFFFFC000  }
0xe2: {  	_ =	swait.ge [sflag:s1], $0x4000  }
0xe3: {  	[sflag:s1] =	ssyncset.done $0x0  }
0xe4: {  	s20 =	simm.s32 $0x0;
	[sflag:s1] =	ssyncadd.s32 $0xFFFFC000  }
.LBB2_6:
0xe5: {  	s6 =	sshll.u32 s20, $0x7;
	s7 =	sshll.u32 s20, $0xA  }
0xe6: {  	s7 =	sand.u32 $0x2000, s7;
	s21 =	sand.u32 $0x380, s6  }
0xe7: {  	s24 =	sand.u32 $0x40, s5;
	s22 =	sor.u32 s21, s7  }
0xe8: {  	s25 =	sand.u32 $0x1C00, s5;
	v3 =	vld [tilespmem:s6+$0x900];
	s7 =	sor.u32 s24, s22  }
0xe9: {  	v4 =	vld [tilespmem:s6+$0x2900];
	s21 =	sor.u32 s25, s7  }
0xea: {  	v5 =	vld [tilespmem:s21+$0x8130]  }
0xeb: {  	v6 =	vld [tilespmem:s21+$0x10130]  }
0xec: {  	v7 =	vld [tilespmem:s21+$0x8100]  }
0xed: {  	v8 =	vld [tilespmem:s21+$0x10100]  }
0xee: {  	s23 =	simm.s32 $0x40;
	v9 =	vld [tilespmem:s21+$0x8110]  }
0xef: {  	s6 =	sand.u32 $0x40, s23;
	s24 =	simm.s32 $0x200;
	v10 =	vld [tilespmem:s21+$0x10110]  }
0xf0: {  	s6 =	sor.u32 s6, s22;
	s7 =	sand.u32 $0x1C00, s24;
	v11 =	vld [tilespmem:s21+$0x8120];
	v5 =	vmul.f32 v5, v3;
	v6 =	vmul.f32 v6, v4  }
0xf1: {  	s6 =	sor.u32 s7, s6;
	v12 =	vld [tilespmem:s21+$0x10120];
	vm1 =	vgt.f32 v4, $0.0e+00;
	vm2 =	vgt.f32 v3, $0.0e+00;
	v7 =	vmul.f32 v7, v3  }
0xf2: {  	v13 =	vld [tilespmem:s6+$0x8130];
	v15 =	vmul.f32 v8, v4;
	v5 =	vnsel vm2, $0x0, v5;
	v6 =	vnsel vm1, $0x0, v6  }
0xf3: {  	v14 =	vld [tilespmem:s6+$0x10130];
	v9 =	vmul.f32 v9, v3;
	v5 =	vadd.f32 v6, v5  }
0xf4: {  	v8 =	vld [tilespmem:s6+$0x8100];
	v10 =	vmul.f32 v10, v4;
	v15 =	vnsel vm1, $0x0, v15;
	v6 =	vnsel vm2, $0x0, v7  }
0xf5: {  	v11 =	vmul.f32 v11, v3;
	v7 =	vld [tilespmem:s6+$0x10100];
	v15 =	vadd.f32 v15, v6;
	[tilespmem:s21+$0x18130] =	vst v5  }
0xf6: {  	s25 =	simm.s32 $0x80;
	v16 =	vmul.f32 v12, v4;
	v9 =	vnsel vm2, $0x0, v9;
	v10 =	vnsel vm1, $0x0, v10;
	v5 =	vld [tilespmem:s6+$0x8110]  }
0xf7: {  	s23 =	sand.u32 $0x40, s25;
	s7 =	simm.s32 $0x400;
	v12 =	vmul.f32 v13, v3;
	v10 =	vadd.f32 v10, v9;
	v6 =	vld [tilespmem:s6+$0x10110];
	[tilespmem:s21+$0x18100] =	vst v15  }
0xf8: {  	s24 =	sand.u32 $0x1C00, s7;
	s25 =	sor.u32 s23, s22;
	s23 =	simm.s32 $0xC0;
	v13 =	vmul.f32 v14, v4;
	v11 =	vnsel vm2, $0x0, v11;
	v14 =	vnsel vm1, $0x0, v16;
	v9 =	vld [tilespmem:s6+$0x8120]  }
.LBB2_7:
0xf9: {  	p0 =	sne.s32 s23, $0x3C0;
	s24 =	sor.u32 s24, s25;
	v8 =	vmul.f32 v8, v3;
	v15 =	vld [tilespmem:s6+$0x10120];
	[tilespmem:s21+$0x18110] =	vst v10;
	v10 =	vadd.f32 v14, v11  }
0xfa: {  	v14 =	vld [tilespmem:s24+$0x8130];
	v7 =	vmul.f32 v7, v4;
	v11 =	vnsel vm2, $0x0, v12;
	v12 =	vnsel vm1, $0x0, v13  }
0xfb: {  	v13 =	vld [tilespmem:s24+$0x10130];
	v16 =	vnsel vm2, $0x0, v8;
	v5 =	vmul.f32 v5, v3;
	v11 =	vadd.f32 v12, v11;
	[tilespmem:s21+$0x18120] =	vst v10;
	s21 =	smov.u32 s6;
	s6 =	smov.u32 s24  }
.Ltmp2:
0xfc: {  	v8 =	vld [tilespmem:s6+$0x8100];
	v10 =	vnsel vm1, $0x0, v7;
	v6 =	vmul.f32 v6, v4;
	(pc) =	sbr.rel @p0 .LBB2_7-.Ltmp2, $4  }
0xfd: {  	v7 =	vld [tilespmem:s6+$0x10100];
	v10 =	vadd.f32 v10, v16;
	v12 =	vnsel vm2, $0x0, v5;
	v9 =	vmul.f32 v9, v3;
	[tilespmem:s21+$0x18130] =	vst v11  }
0xfe: {  	v5 =	vld [tilespmem:s6+$0x8110];
	v11 =	vnsel vm1, $0x0, v6;
	v15 =	vmul.f32 v15, v4  }
0xff: {  	s25 =	sand.u32 $0x40, s23;
	s7 =	sadd.s32 $0x200, s7;
	v6 =	vld [tilespmem:s6+$0x10110];
	[tilespmem:s21+$0x18100] =	vst v10;
	v10 =	vadd.f32 v11, v12;
	v11 =	vnsel vm2, $0x0, v9  }
0x100: {  	s23 =	sadd.s32 $0x40, s23;
	s25 =	sor.u32 s25, s22;
	s24 =	sand.u32 $0x1C00, s7;
	v12 =	vmul.f32 v14, v3;
	v9 =	vld [tilespmem:s6+$0x8120];
	v13 =	vmul.f32 v13, v4;
	v14 =	vnsel vm1, $0x0, v15  }
0x101: {  	v15 =	vld [tilespmem:s6+$0x10120];
	s7 =	sor.u32 s24, s25;
	[tilespmem:s21+$0x18110] =	vst v10;
	v47 =	vadd.f32 v14, v11;
	v8 =	vmul.f32 v8, v3  }
0x102: {  	v48 =	vld [tilespmem:s7+$0x8130];
	v12 =	vnsel vm2, $0x0, v12;
	v13 =	vnsel vm1, $0x0, v13;
	v7 =	vmul.f32 v7, v4  }
0x103: {  	v49 =	vld [tilespmem:s7+$0x10130];
	[tilespmem:s21+$0x18120] =	vst v47;
	v50 =	vadd.f32 v13, v12  }
0x104: {  	v8 =	vnsel vm2, $0x0, v8;
	v51 =	vld [tilespmem:s7+$0x8100];
	v7 =	vnsel vm1, $0x0, v7  }
0x105: {  	v52 =	vld [tilespmem:s7+$0x10100];
	[tilespmem:s6+$0x18130] =	vst v50;
	v7 =	vadd.f32 v7, v8  }
0x106: {  	v5 =	vmul.f32 v5, v3;
	v53 =	vld [tilespmem:s7+$0x8110]  }
0x107: {  	v6 =	vmul.f32 v6, v4;
	v10 =	vld [tilespmem:s7+$0x10110];
	[tilespmem:s6+$0x18100] =	vst v7  }
0x108: {  	v9 =	vmul.f32 v9, v3;
	v5 =	vnsel vm2, $0x0, v5;
	v54 =	vmul.f32 v15, v4;
	v55 =	vld [tilespmem:s7+$0x8120]  }
0x109: {  	v6 =	vnsel vm1, $0x0, v6;
	v11 =	vmul.f32 v48, v3;
	v14 =	vmul.f32 v49, v4;
	v16 =	vld [tilespmem:s7+$0x10120]  }
0x10a: {  	v9 =	vnsel vm2, $0x0, v9;
	v5 =	vadd.f32 v6, v5;
	v7 =	vnsel vm1, $0x0, v54  }
0x10b: {  	v12 =	vmul.f32 v51, v3;
	v58 =	vnsel vm2, $0x0, v11;
	v59 =	vnsel vm1, $0x0, v14  }
0x10c: {  	v56 =	vadd.f32 v7, v9;
	v57 =	vmul.f32 v52, v4;
	v9 =	vadd.f32 v59, v58  }
0x10d: {  	s20 =	sadd.s32 $0x1, s20;
	v12 =	vnsel vm2, $0x0, v12;
	v8 =	vmul.f32 v53, v3;
	v10 =	vmul.f32 v10, v4  }
0x10e: {  	p0 =	sne.s32 s20, $0x10;
	[tilespmem:s6+$0x18110] =	vst v5;
	v60 =	vnsel vm1, $0x0, v57;
	v3 =	vmul.f32 v55, v3;
	v61 =	vmul.f32 v16, v4  }
.Ltmp3:
0x10f: {  	[tilespmem:s6+$0x18120] =	vst v56;
	v5 =	vadd.f32 v60, v12;
	v62 =	vnsel vm2, $0x0, v8;
	v63 =	vnsel vm1, $0x0, v10;
	(pc) =	sbr.rel @p0 .LBB2_6-.Ltmp3, $4  }
0x110: {  	[tilespmem:s7+$0x18130] =	vst v9;
	v6 =	vadd.f32 v63, v62;
	v3 =	vnsel vm2, $0x0, v3;
	v4 =	vnsel vm1, $0x0, v61  }
0x111: {  	[tilespmem:s7+$0x18100] =	vst v5;
	v3 =	vadd.f32 v4, v3  }
0x112: {  	[tilespmem:s7+$0x18110] =	vst v6  }
0x113: {  	[tilespmem:s7+$0x18120] =	vst v3  }
0x114: {  	s5 =	simm.s32 $0x0;
	s6 =	rddreg [dreg:$0x7]  }
0x115: {  	[hbm4b:s6+s5] =	stream.linear.scatter [tilespmem:s17], [sflag:$0x6], $0x4000, $0x38;
	[tilespmem:$0x1C100] =	vst v63  }
0x116: {  	v3 =	vld [tilespmem:$0x30];
	_ =	sdelay $0x4  }
0x117: {  	v4 =	vshll.u32 v3, $0x3  }
0x118: {  	v3 =	vand.u32 $0x7, v3;
	v4 =	vand.u32 $0xFFFFFFC0, v4  }
0x119: {  	v3 =	vor.u32 v3, v4  }
0x11a: {  	v4 =	vperm.xlane v3, v0;
	_ =	sdelay $0x1  }
0x11b: {  	v4 =	vadd.s32 v1, v4;
	_ =	sdelay $0x3  }
0x11c: {  	s23 =	simm.s32 $0x8100  }
0x11d: {  	[tilespmem:s23], [sflag:$0x2] =	stream.indirect_vreg.gather [hbm4b:s3+s5], $0x80, v4, vm0, $0xb8;
	[tilespmem:$0x1C100] =	vst v63  }
0x11e: {  	s24 =	simm.s32 $0x8900;
	v3 =	vperm.xlane v3, v2  }
0x11f: {  	[tilespmem:s24], [sflag:$0x2] =	stream.indirect_vreg.gather [hbm4b:s8+s5], $0x80, v4, vm0, $0xb8;
	[tilespmem:$0x1C100] =	vst v63  }
0x120: {  	s25 =	simm.s32 $0x9100;
	v3 =	vadd.s32 v1, v3  }
0x121: {  	[tilespmem:s25], [sflag:$0x2] =	stream.indirect_vreg.gather [hbm4b:s10+s5], $0x80, v4, vm0, $0xb8;
	[tilespmem:$0x1C100] =	vst v63  }
0x122: {  	s7 =	simm.s32 $0x9900  }
0x123: {  	[tilespmem:s7], [sflag:$0x2] =	stream.indirect_vreg.gather [hbm4b:s11+s5], $0x80, v4, vm0, $0xb8;
	[tilespmem:$0x1C100] =	vst v63  }
0x124: {  	s20 =	simm.s32 $0xA100  }
0x125: {  	[tilespmem:s20], [sflag:$0x2] =	stream.indirect_vreg.gather [hbm4b:s3+s5], $0x80, v3, vm0, $0xb8;
	[tilespmem:$0x1C100] =	vst v63  }
0x126: {  	s21 =	simm.s32 $0xA900  }
0x127: {  	[tilespmem:s21], [sflag:$0x2] =	stream.indirect_vreg.gather [hbm4b:s8+s5], $0x80, v3, vm0, $0xb8;
	[tilespmem:$0x1C100] =	vst v63  }
0x128: {  	s22 =	simm.s32 $0xB100  }
0x129: {  	[tilespmem:s22], [sflag:$0x2] =	stream.indirect_vreg.gather [hbm4b:s10+s5], $0x80, v3, vm0, $0xb8;
	[tilespmem:$0x1C100] =	vst v63  }
0x12a: {  	s23 =	simm.s32 $0xB900  }
0x12b: {  	[tilespmem:s23], [sflag:$0x2] =	stream.indirect_vreg.gather [hbm4b:s11+s5], $0x80, v3, vm0, $0xb8;
	[tilespmem:$0x1C100] =	vst v63  }
0x12c: {  	v3 =	vld [tilespmem:$0xB0];
	_ =	sdelay $0x4  }
0x12d: {  	v63 =	vshll.u32 v3, $0x3  }
0x12e: {  	v3 =	vand.u32 $0x7, v3;
	v4 =	vand.u32 $0xFFFFFFC0, v63  }
0x12f: {  	v3 =	vor.u32 v3, v4  }
0x130: {  	v4 =	vperm.xlane v3, v0;
	_ =	sdelay $0x1  }
0x131: {  	v4 =	vadd.s32 v1, v4;
	_ =	sdelay $0x3  }
0x132: {  	s24 =	simm.s32 $0x10100  }
0x133: {  	[tilespmem:s24], [sflag:$0x4] =	stream.indirect_vreg.gather [hbm4b:s3+s5], $0x80, v4, vm0, $0xb8;
	[tilespmem:$0x1C100] =	vst v63  }
0x134: {  	s25 =	simm.s32 $0x10900;
	v3 =	vperm.xlane v3, v2  }
0x135: {  	[tilespmem:s25], [sflag:$0x4] =	stream.indirect_vreg.gather [hbm4b:s8+s5], $0x80, v4, vm0, $0xb8;
	[tilespmem:$0x1C100] =	vst v63  }
0x136: {  	v3 =	vadd.s32 v1, v3  }
0x137: {  	[tilespmem:s26], [sflag:$0x4] =	stream.indirect_vreg.gather [hbm4b:s10+s5], $0x80, v4, vm0, $0xb8;
	[tilespmem:$0x1C100] =	vst v63  }
0x138: {  	_ = 	snop  }
0x139: {  	[tilespmem:s28], [sflag:$0x4] =	stream.indirect_vreg.gather [hbm4b:s11+s5], $0x80, v4, vm0, $0xb8;
	[tilespmem:$0x1C100] =	vst v63  }
0x13a: {  	_ = 	snop  }
0x13b: {  	[tilespmem:s12], [sflag:$0x4] =	stream.indirect_vreg.gather [hbm4b:s3+s5], $0x80, v3, vm0, $0xb8;
	[tilespmem:$0x1C100] =	vst v63  }
0x13c: {  	_ = 	snop  }
0x13d: {  	[tilespmem:s29], [sflag:$0x4] =	stream.indirect_vreg.gather [hbm4b:s8+s5], $0x80, v3, vm0, $0xb8;
	[tilespmem:$0x1C100] =	vst v63  }
0x13e: {  	_ = 	snop  }
0x13f: {  	[tilespmem:s13], [sflag:$0x4] =	stream.indirect_vreg.gather [hbm4b:s10+s5], $0x80, v3, vm0, $0xb8;
	[tilespmem:$0x1C100] =	vst v63  }
0x140: {  	_ = 	snop  }
0x141: {  	[tilespmem:s30], [sflag:$0x4] =	stream.indirect_vreg.gather [hbm4b:s11+s5], $0x80, v3, vm0, $0xb8;
	[tilespmem:$0x1C100] =	vst v63  }
0x142: {  	_ =	swait.ge [sflag:s14], $0x4000  }
0x143: {  	[sflag:s14] =	ssyncset.done $0x0  }
0x144: {  	[sflag:s14] =	ssyncadd.s32 $0xFFFFC000  }
0x145: {  	_ =	swait.ge [sflag:s31], $0x4000  }
0x146: {  	[sflag:s31] =	ssyncset.done $0x0  }
0x147: {  	[sflag:s31] =	ssyncadd.s32 $0xFFFFC000  }
0x148: {  	_ =	swait.ge [sflag:s18], $0x4000  }
0x149: {  	[sflag:s18] =	ssyncset.done $0x0  }
0x14a: {  	s20 =	simm.s32 $0x0;
	[sflag:s18] =	ssyncadd.s32 $0xFFFFC000  }
.LBB2_10:
0x14b: {  	s6 =	sshll.u32 s20, $0x7;
	s7 =	sshll.u32 s20, $0xA  }
0x14c: {  	s7 =	sand.u32 $0x2000, s7;
	s21 =	sand.u32 $0x380, s6  }
0x14d: {  	s24 =	sand.u32 $0x40, s5;
	s22 =	sor.u32 s7, s21  }
0x14e: {  	s25 =	sand.u32 $0x1C00, s5;
	v3 =	vld [tilespmem:s6+$0x1100];
	s7 =	sor.u32 s24, s22  }
0x14f: {  	v4 =	vld [tilespmem:s6+$0x3100];
	s21 =	sor.u32 s25, s7  }
0x150: {  	v5 =	vld [tilespmem:s21+$0x4130]  }
0x151: {  	v6 =	vld [tilespmem:s21+$0xC130]  }
0x152: {  	v7 =	vld [tilespmem:s21+$0x4100]  }
0x153: {  	v8 =	vld [tilespmem:s21+$0xC100]  }
0x154: {  	s23 =	simm.s32 $0x40;
	v9 =	vld [tilespmem:s21+$0x4110]  }
0x155: {  	s6 =	sand.u32 $0x40, s23;
	s24 =	simm.s32 $0x200;
	v10 =	vld [tilespmem:s21+$0xC110]  }
0x156: {  	s6 =	sor.u32 s6, s22;
	s7 =	sand.u32 $0x1C00, s24;
	v11 =	vld [tilespmem:s21+$0x4120];
	v5 =	vmul.f32 v5, v3;
	v6 =	vmul.f32 v6, v4  }
0x157: {  	s6 =	sor.u32 s7, s6;
	v12 =	vld [tilespmem:s21+$0xC120];
	vm1 =	vgt.f32 v4, $0.0e+00;
	vm2 =	vgt.f32 v3, $0.0e+00;
	v7 =	vmul.f32 v7, v3  }
0x158: {  	v13 =	vld [tilespmem:s6+$0x4130];
	v15 =	vmul.f32 v8, v4;
	v5 =	vnsel vm2, $0x0, v5;
	v6 =	vnsel vm1, $0x0, v6  }
0x159: {  	v14 =	vld [tilespmem:s6+$0xC130];
	v9 =	vmul.f32 v9, v3;
	v5 =	vadd.f32 v6, v5  }
0x15a: {  	v8 =	vld [tilespmem:s6+$0x4100];
	v10 =	vmul.f32 v10, v4;
	v15 =	vnsel vm1, $0x0, v15;
	v6 =	vnsel vm2, $0x0, v7  }
0x15b: {  	v11 =	vmul.f32 v11, v3;
	v7 =	vld [tilespmem:s6+$0xC100];
	v15 =	vadd.f32 v15, v6;
	[tilespmem:s21+$0x14130] =	vst v5  }
0x15c: {  	s25 =	simm.s32 $0x80;
	v16 =	vmul.f32 v12, v4;
	v9 =	vnsel vm2, $0x0, v9;
	v10 =	vnsel vm1, $0x0, v10;
	v5 =	vld [tilespmem:s6+$0x4110]  }
0x15d: {  	s23 =	sand.u32 $0x40, s25;
	s7 =	simm.s32 $0x400;
	v12 =	vmul.f32 v13, v3;
	v10 =	vadd.f32 v10, v9;
	v6 =	vld [tilespmem:s6+$0xC110];
	[tilespmem:s21+$0x14100] =	vst v15  }
0x15e: {  	s24 =	sand.u32 $0x1C00, s7;
	s25 =	sor.u32 s23, s22;
	s23 =	simm.s32 $0xC0;
	v13 =	vmul.f32 v14, v4;
	v11 =	vnsel vm2, $0x0, v11;
	v14 =	vnsel vm1, $0x0, v16;
	v9 =	vld [tilespmem:s6+$0x4120]  }
.LBB2_11:
0x15f: {  	p0 =	sne.s32 s23, $0x3C0;
	s24 =	sor.u32 s24, s25;
	v8 =	vmul.f32 v8, v3;
	v15 =	vld [tilespmem:s6+$0xC120];
	[tilespmem:s21+$0x14110] =	vst v10;
	v10 =	vadd.f32 v14, v11  }
0x160: {  	v14 =	vld [tilespmem:s24+$0x4130];
	v7 =	vmul.f32 v7, v4;
	v11 =	vnsel vm2, $0x0, v12;
	v12 =	vnsel vm1, $0x0, v13  }
0x161: {  	v13 =	vld [tilespmem:s24+$0xC130];
	v16 =	vnsel vm2, $0x0, v8;
	v5 =	vmul.f32 v5, v3;
	v11 =	vadd.f32 v12, v11;
	[tilespmem:s21+$0x14120] =	vst v10;
	s21 =	smov.u32 s6;
	s6 =	smov.u32 s24  }
.Ltmp4:
0x162: {  	v8 =	vld [tilespmem:s6+$0x4100];
	v10 =	vnsel vm1, $0x0, v7;
	v6 =	vmul.f32 v6, v4;
	(pc) =	sbr.rel @p0 .LBB2_11-.Ltmp4, $4  }
0x163: {  	v7 =	vld [tilespmem:s6+$0xC100];
	v10 =	vadd.f32 v10, v16;
	v12 =	vnsel vm2, $0x0, v5;
	v9 =	vmul.f32 v9, v3;
	[tilespmem:s21+$0x14130] =	vst v11  }
0x164: {  	v5 =	vld [tilespmem:s6+$0x4110];
	v11 =	vnsel vm1, $0x0, v6;
	v15 =	vmul.f32 v15, v4  }
0x165: {  	s25 =	sand.u32 $0x40, s23;
	s7 =	sadd.s32 $0x200, s7;
	v6 =	vld [tilespmem:s6+$0xC110];
	[tilespmem:s21+$0x14100] =	vst v10;
	v10 =	vadd.f32 v11, v12;
	v11 =	vnsel vm2, $0x0, v9  }
0x166: {  	s23 =	sadd.s32 $0x40, s23;
	s25 =	sor.u32 s25, s22;
	s24 =	sand.u32 $0x1C00, s7;
	v12 =	vmul.f32 v14, v3;
	v9 =	vld [tilespmem:s6+$0x4120];
	v13 =	vmul.f32 v13, v4;
	v14 =	vnsel vm1, $0x0, v15  }
0x167: {  	v15 =	vld [tilespmem:s6+$0xC120];
	s7 =	sor.u32 s24, s25;
	[tilespmem:s21+$0x14110] =	vst v10;
	v47 =	vadd.f32 v14, v11;
	v8 =	vmul.f32 v8, v3  }
0x168: {  	v48 =	vld [tilespmem:s7+$0x4130];
	v12 =	vnsel vm2, $0x0, v12;
	v13 =	vnsel vm1, $0x0, v13;
	v7 =	vmul.f32 v7, v4  }
0x169: {  	v49 =	vld [tilespmem:s7+$0xC130];
	[tilespmem:s21+$0x14120] =	vst v47;
	v50 =	vadd.f32 v13, v12  }
0x16a: {  	v8 =	vnsel vm2, $0x0, v8;
	v51 =	vld [tilespmem:s7+$0x4100];
	v7 =	vnsel vm1, $0x0, v7  }
0x16b: {  	v52 =	vld [tilespmem:s7+$0xC100];
	[tilespmem:s6+$0x14130] =	vst v50;
	v7 =	vadd.f32 v7, v8  }
0x16c: {  	v5 =	vmul.f32 v5, v3;
	v53 =	vld [tilespmem:s7+$0x4110]  }
0x16d: {  	v6 =	vmul.f32 v6, v4;
	v10 =	vld [tilespmem:s7+$0xC110];
	[tilespmem:s6+$0x14100] =	vst v7  }
0x16e: {  	v9 =	vmul.f32 v9, v3;
	v5 =	vnsel vm2, $0x0, v5;
	v54 =	vmul.f32 v15, v4;
	v55 =	vld [tilespmem:s7+$0x4120]  }
0x16f: {  	v6 =	vnsel vm1, $0x0, v6;
	v11 =	vmul.f32 v48, v3;
	v14 =	vmul.f32 v49, v4;
	v16 =	vld [tilespmem:s7+$0xC120]  }
0x170: {  	v9 =	vnsel vm2, $0x0, v9;
	v5 =	vadd.f32 v6, v5;
	v7 =	vnsel vm1, $0x0, v54  }
0x171: {  	v12 =	vmul.f32 v51, v3;
	v58 =	vnsel vm2, $0x0, v11;
	v59 =	vnsel vm1, $0x0, v14  }
0x172: {  	v56 =	vadd.f32 v7, v9;
	v57 =	vmul.f32 v52, v4;
	v9 =	vadd.f32 v59, v58  }
0x173: {  	s20 =	sadd.s32 $0x1, s20;
	v12 =	vnsel vm2, $0x0, v12;
	v8 =	vmul.f32 v53, v3;
	v10 =	vmul.f32 v10, v4  }
0x174: {  	p0 =	sne.s32 s20, $0x10;
	[tilespmem:s6+$0x14110] =	vst v5;
	v60 =	vnsel vm1, $0x0, v57;
	v3 =	vmul.f32 v55, v3;
	v61 =	vmul.f32 v16, v4  }
.Ltmp5:
0x175: {  	[tilespmem:s6+$0x14120] =	vst v56;
	v5 =	vadd.f32 v60, v12;
	v62 =	vnsel vm2, $0x0, v8;
	v63 =	vnsel vm1, $0x0, v10;
	(pc) =	sbr.rel @p0 .LBB2_10-.Ltmp5, $4  }
0x176: {  	[tilespmem:s7+$0x14130] =	vst v9;
	v6 =	vadd.f32 v63, v62;
	v3 =	vnsel vm2, $0x0, v3;
	v4 =	vnsel vm1, $0x0, v61  }
0x177: {  	[tilespmem:s7+$0x14100] =	vst v5;
	v3 =	vadd.f32 v4, v3  }
0x178: {  	[tilespmem:s7+$0x14110] =	vst v6  }
0x179: {  	[tilespmem:s7+$0x14120] =	vst v3  }
0x17a: {  	s5 =	simm.s32 $0x0;
	s6 =	rddreg [dreg:$0x8]  }
0x17b: {  	[hbm4b:s6+s5] =	stream.linear.scatter [tilespmem:s15], [sflag:$0x5], $0x4000, $0x38;
	[tilespmem:$0x1C100] =	vst v63  }
0x17c: {  	_ =	swait.ge [sflag:s0], $0x4000  }
0x17d: {  	[sflag:s0] =	ssyncset.done $0x0  }
0x17e: {  	[sflag:s0] =	ssyncadd.s32 $0xFFFFC000  }
0x17f: {  	_ =	swait.ge [sflag:s1], $0x4000  }
0x180: {  	[sflag:s1] =	ssyncset.done $0x0  }
0x181: {  	[sflag:s1] =	ssyncadd.s32 $0xFFFFC000  }
0x182: {  	_ =	swait.ge [sflag:s19], $0x4000  }
0x183: {  	[sflag:s19] =	ssyncset.done $0x0  }
0x184: {  	s20 =	simm.s32 $0x0;
	[sflag:s19] =	ssyncadd.s32 $0xFFFFC000  }
.LBB2_14:
0x185: {  	s6 =	sshll.u32 s20, $0x7;
	s7 =	sshll.u32 s20, $0xA  }
0x186: {  	s7 =	sand.u32 $0x2000, s7;
	s21 =	sand.u32 $0x380, s6  }
0x187: {  	s24 =	sand.u32 $0x40, s5;
	s22 =	sor.u32 s21, s7  }
0x188: {  	s25 =	sand.u32 $0x1C00, s5;
	v3 =	vld [tilespmem:s6+$0x1900];
	s7 =	sor.u32 s24, s22  }
0x189: {  	v4 =	vld [tilespmem:s6+$0x3900];
	s21 =	sor.u32 s25, s7  }
0x18a: {  	v5 =	vld [tilespmem:s21+$0x8130]  }
0x18b: {  	v6 =	vld [tilespmem:s21+$0x10130]  }
0x18c: {  	v7 =	vld [tilespmem:s21+$0x8100]  }
0x18d: {  	v8 =	vld [tilespmem:s21+$0x10100]  }
0x18e: {  	s23 =	simm.s32 $0x40;
	v9 =	vld [tilespmem:s21+$0x8110]  }
0x18f: {  	s6 =	sand.u32 $0x40, s23;
	s24 =	simm.s32 $0x200;
	v10 =	vld [tilespmem:s21+$0x10110]  }
0x190: {  	s6 =	sor.u32 s6, s22;
	s7 =	sand.u32 $0x1C00, s24;
	v11 =	vld [tilespmem:s21+$0x8120];
	v5 =	vmul.f32 v5, v3;
	v6 =	vmul.f32 v6, v4  }
0x191: {  	s6 =	sor.u32 s7, s6;
	v12 =	vld [tilespmem:s21+$0x10120];
	vm1 =	vgt.f32 v4, $0.0e+00;
	vm2 =	vgt.f32 v3, $0.0e+00;
	v7 =	vmul.f32 v7, v3  }
0x192: {  	v13 =	vld [tilespmem:s6+$0x8130];
	v15 =	vmul.f32 v8, v4;
	v5 =	vnsel vm2, $0x0, v5;
	v6 =	vnsel vm1, $0x0, v6  }
0x193: {  	v14 =	vld [tilespmem:s6+$0x10130];
	v9 =	vmul.f32 v9, v3;
	v5 =	vadd.f32 v6, v5  }
0x194: {  	v8 =	vld [tilespmem:s6+$0x8100];
	v10 =	vmul.f32 v10, v4;
	v15 =	vnsel vm1, $0x0, v15;
	v6 =	vnsel vm2, $0x0, v7  }
0x195: {  	v11 =	vmul.f32 v11, v3;
	v7 =	vld [tilespmem:s6+$0x10100];
	v15 =	vadd.f32 v15, v6;
	[tilespmem:s21+$0x18130] =	vst v5  }
0x196: {  	s25 =	simm.s32 $0x80;
	v16 =	vmul.f32 v12, v4;
	v9 =	vnsel vm2, $0x0, v9;
	v10 =	vnsel vm1, $0x0, v10;
	v5 =	vld [tilespmem:s6+$0x8110]  }
0x197: {  	s23 =	sand.u32 $0x40, s25;
	s7 =	simm.s32 $0x400;
	v12 =	vmul.f32 v13, v3;
	v10 =	vadd.f32 v10, v9;
	v6 =	vld [tilespmem:s6+$0x10110];
	[tilespmem:s21+$0x18100] =	vst v15  }
0x198: {  	s24 =	sand.u32 $0x1C00, s7;
	s25 =	sor.u32 s23, s22;
	s23 =	simm.s32 $0xC0;
	v13 =	vmul.f32 v14, v4;
	v11 =	vnsel vm2, $0x0, v11;
	v14 =	vnsel vm1, $0x0, v16;
	v9 =	vld [tilespmem:s6+$0x8120]  }
.LBB2_15:
0x199: {  	p0 =	sne.s32 s23, $0x3C0;
	s24 =	sor.u32 s24, s25;
	v8 =	vmul.f32 v8, v3;
	v15 =	vld [tilespmem:s6+$0x10120];
	[tilespmem:s21+$0x18110] =	vst v10;
	v10 =	vadd.f32 v14, v11  }
0x19a: {  	v14 =	vld [tilespmem:s24+$0x8130];
	v7 =	vmul.f32 v7, v4;
	v11 =	vnsel vm2, $0x0, v12;
	v12 =	vnsel vm1, $0x0, v13  }
0x19b: {  	v13 =	vld [tilespmem:s24+$0x10130];
	v16 =	vnsel vm2, $0x0, v8;
	v5 =	vmul.f32 v5, v3;
	v11 =	vadd.f32 v12, v11;
	[tilespmem:s21+$0x18120] =	vst v10;
	s21 =	smov.u32 s6;
	s6 =	smov.u32 s24  }
.Ltmp6:
0x19c: {  	v8 =	vld [tilespmem:s6+$0x8100];
	v10 =	vnsel vm1, $0x0, v7;
	v6 =	vmul.f32 v6, v4;
	(pc) =	sbr.rel @p0 .LBB2_15-.Ltmp6, $4  }
0x19d: {  	v7 =	vld [tilespmem:s6+$0x10100];
	v10 =	vadd.f32 v10, v16;
	v12 =	vnsel vm2, $0x0, v5;
	v9 =	vmul.f32 v9, v3;
	[tilespmem:s21+$0x18130] =	vst v11  }
0x19e: {  	v5 =	vld [tilespmem:s6+$0x8110];
	v11 =	vnsel vm1, $0x0, v6;
	v15 =	vmul.f32 v15, v4  }
0x19f: {  	s25 =	sand.u32 $0x40, s23;
	s7 =	sadd.s32 $0x200, s7;
	v6 =	vld [tilespmem:s6+$0x10110];
	[tilespmem:s21+$0x18100] =	vst v10;
	v10 =	vadd.f32 v11, v12;
	v11 =	vnsel vm2, $0x0, v9  }
0x1a0: {  	s23 =	sadd.s32 $0x40, s23;
	s25 =	sor.u32 s25, s22;
	s24 =	sand.u32 $0x1C00, s7;
	v12 =	vmul.f32 v14, v3;
	v9 =	vld [tilespmem:s6+$0x8120];
	v13 =	vmul.f32 v13, v4;
	v14 =	vnsel vm1, $0x0, v15  }
0x1a1: {  	v15 =	vld [tilespmem:s6+$0x10120];
	s7 =	sor.u32 s24, s25;
	[tilespmem:s21+$0x18110] =	vst v10;
	v47 =	vadd.f32 v14, v11;
	v8 =	vmul.f32 v8, v3  }
0x1a2: {  	v48 =	vld [tilespmem:s7+$0x8130];
	v12 =	vnsel vm2, $0x0, v12;
	v13 =	vnsel vm1, $0x0, v13;
	v7 =	vmul.f32 v7, v4  }
0x1a3: {  	v49 =	vld [tilespmem:s7+$0x10130];
	[tilespmem:s21+$0x18120] =	vst v47;
	v50 =	vadd.f32 v13, v12  }
0x1a4: {  	v8 =	vnsel vm2, $0x0, v8;
	v51 =	vld [tilespmem:s7+$0x8100];
	v7 =	vnsel vm1, $0x0, v7  }
0x1a5: {  	v52 =	vld [tilespmem:s7+$0x10100];
	[tilespmem:s6+$0x18130] =	vst v50;
	v7 =	vadd.f32 v7, v8  }
0x1a6: {  	v5 =	vmul.f32 v5, v3;
	v53 =	vld [tilespmem:s7+$0x8110]  }
0x1a7: {  	v6 =	vmul.f32 v6, v4;
	v10 =	vld [tilespmem:s7+$0x10110];
	[tilespmem:s6+$0x18100] =	vst v7  }
0x1a8: {  	v9 =	vmul.f32 v9, v3;
	v5 =	vnsel vm2, $0x0, v5;
	v54 =	vmul.f32 v15, v4;
	v55 =	vld [tilespmem:s7+$0x8120]  }
0x1a9: {  	v6 =	vnsel vm1, $0x0, v6;
	v11 =	vmul.f32 v48, v3;
	v14 =	vmul.f32 v49, v4;
	v16 =	vld [tilespmem:s7+$0x10120]  }
0x1aa: {  	v9 =	vnsel vm2, $0x0, v9;
	v5 =	vadd.f32 v6, v5;
	v7 =	vnsel vm1, $0x0, v54  }
0x1ab: {  	v12 =	vmul.f32 v51, v3;
	v58 =	vnsel vm2, $0x0, v11;
	v59 =	vnsel vm1, $0x0, v14  }
0x1ac: {  	v56 =	vadd.f32 v7, v9;
	v57 =	vmul.f32 v52, v4;
	v9 =	vadd.f32 v59, v58  }
0x1ad: {  	s20 =	sadd.s32 $0x1, s20;
	v12 =	vnsel vm2, $0x0, v12;
	v8 =	vmul.f32 v53, v3;
	v10 =	vmul.f32 v10, v4  }
0x1ae: {  	p0 =	sne.s32 s20, $0x10;
	[tilespmem:s6+$0x18110] =	vst v5;
	v60 =	vnsel vm1, $0x0, v57;
	v3 =	vmul.f32 v55, v3;
	v61 =	vmul.f32 v16, v4  }
.Ltmp7:
0x1af: {  	[tilespmem:s6+$0x18120] =	vst v56;
	v5 =	vadd.f32 v60, v12;
	v62 =	vnsel vm2, $0x0, v8;
	v63 =	vnsel vm1, $0x0, v10;
	(pc) =	sbr.rel @p0 .LBB2_14-.Ltmp7, $4  }
0x1b0: {  	[tilespmem:s7+$0x18130] =	vst v9;
	v6 =	vadd.f32 v63, v62;
	v3 =	vnsel vm2, $0x0, v3;
	v4 =	vnsel vm1, $0x0, v61  }
0x1b1: {  	[tilespmem:s7+$0x18100] =	vst v5;
	v3 =	vadd.f32 v4, v3  }
0x1b2: {  	[tilespmem:s7+$0x18110] =	vst v6  }
0x1b3: {  	[tilespmem:s7+$0x18120] =	vst v3  }
0x1b4: {  	s5 =	rddreg [dreg:$0x9]  }
0x1b5: {  	[hbm4b:s5+s2] =	stream.linear.scatter [tilespmem:s17], [sflag:$0x6], $0x4000, $0x38;
	[tilespmem:$0x1C100] =	vst v63  }
0x1b6: {  	_ =	swait.ge [sflag:s18], $0x4000  }
0x1b7: {  	[sflag:s18] =	ssyncset.done $0x0  }
0x1b8: {  	[sflag:s18] =	ssyncadd.s32 $0xFFFFC000  }
0x1b9: {  	_ =	swait.ge [sflag:s19], $0x4000  }
0x1ba: {  	s4 =	sadd.s32 $0x1, s4;
	s25 =	rddreg [dreg:$0xa]  }
0x1bb: {  	p0 =	sne.s32 s4, s25  }
.Ltmp8:
0x1bc: {  	_ = 	snop;
	(pc) =	sbr.rel @p0 .LBB2_1-.Ltmp8, $3  }
0x1bd: {  	_ =	sdelay $0x1  }
0x1be: {  	[sflag:s19] =	ssyncset.done $0x0  }
0x1bf: {  	[sflag:s19] =	ssyncadd.s32 $0xFFFFC000;
	s25 =	simm.s32 $0x4100  }
0x1c0: {  	_ =	sfence.sel $0x180000  }
0x1c1: {  	[bflag:$0x0] =	sbarrier.arrive $0xFFFF  }
0x1c2: {  	_ =	strace $0x9000004A  }
0x1c3: {  	s0 =	stileid.u32;
	[bflag:$0x2] =	sbarrier.arrive $0xFFFF  }
0x1c4: {  	p0 =	sne.s32 s0, $0x0;
	s0 =	rddreg [dreg:$0x2]  }
0x1c5: {  	s0 =	sadd.s32 @!p0 $0x100000, s0  }
0x1c6: {  	[sflag:s0] =	ssyncadd.tile.s32 @!p0 $0x1;
	_ =	shalt  }
.Lfunc_end2:
_tile_overlayer_lowered:
.L_overlay_start_2:
0x1c7: {  	(tag) =	ssettag $0x2  }
0x1c8: {  	s0 =	rddreg [dreg:$0x0];
	s2 =	stileid.u32  }
0x1c9: {  	s1 =	rddreg [dreg:$0x1];
	p0 =	sne.s32 s2, $0x0  }
0x1ca: {  	s3 =	rddreg [dreg:$0x2];
	[bflag:$0x3] =	sbarrier.arrive $0xFFFF;
	s2 =	simm.s32 @!p0 $0x1C07  }
0x1cb: {  	[timem:s3], [sflag:s2] =	dma.local @!p0 [hbm:s0], s1  }
0x1cc: {  	s0 =	simm.s32 @!p0 $0x7  }
0x1cd: {  	_ =	swait.ge @!p0 [sflag:s0], s1  }
0x1ce: {  	s1 =	ssub.s32 @!p0 $0x0, s1;
	[sflag:s0] =	ssyncset.done @!p0 $0x0  }
0x1cf: {  	[sflag:s0] =	ssyncadd.s32 @!p0 s1  }
0x1d0: {  	[bflag:$0x3] =	sbarrier.arrive $0xFFFF  }
0x1d1: {  	_ =	shalt  }

</sc_bundles>
